<compile_context>
chip_gen: v7x
topology: tpu7x:2x2x1
jax: 0.10.2.dev20260603
libtpu: 0.0.44.dev20260713+nightly
codegen_flags: <defaults>
</compile_context>

<pallas_src>
import functools

import jax
import jax.numpy as jnp
from jax import lax
from jax.experimental import pallas as pl
from jax.experimental.pallas import tpu as pltpu
from jax.experimental.pallas import tpu_sc as plsc

_K = 80
_K0 = 400
_KQ = 64
_PW = 128


@functools.cache
def _make_a0(E, N):
    EPW = E // 32
    NCHUNK = EPW // _K0
    mesh = plsc.VectorSubcoreMesh(core_axis_name="c", subcore_axis_name="s")

    @functools.partial(
        pl.kernel,
        compiler_params=pltpu.CompilerParams(needs_layout_passes=False),
        out_type=jax.ShapeDtypeStruct((E,), jnp.float32),
        mesh=mesh,
        scratch_types=[
            pltpu.VMEM((_K0,), jnp.int32),
            pltpu.VMEM((_K0,), jnp.float32),
            pltpu.VMEM((_K0,), jnp.float32),
            pltpu.VMEM((N,), jnp.float32),
        ],
    )
    def a0(src_hbm, t_hbm, lu_hbm, rel_out, sidx, tbuf, rbuf, lut):
        c = lax.axis_index("c")
        s = lax.axis_index("s")
        wid = s * 2 + c
        pltpu.sync_copy(lu_hbm, lut)
        base0 = wid * EPW

        def body(i, carry):
            base = base0 + i * _K0
            pltpu.sync_copy(src_hbm.at[pl.ds(base, _K0)], sidx)
            pltpu.sync_copy(t_hbm.at[pl.ds(base, _K0)], tbuf)
            for j in range(_K0 // 16):
                sv = sidx[pl.ds(j * 16, 16)]
                lus = plsc.load_gather(lut, [sv])
                rbuf[pl.ds(j * 16, 16)] = tbuf[pl.ds(j * 16, 16)] - lus
            pltpu.sync_copy(rbuf, rel_out.at[pl.ds(base, _K0)])
            return carry

        lax.fori_loop(0, NCHUNK, body, 0)

    return a0


def _stage_r(rel_t, w_row, b_row, msg):
    E, MD = msg.shape
    TD = w_row.shape[1]
    R = 2000 if E % 2000 == 0 else E
    G = E // R

    def rk(rel_r, w_r, b_r, msg_r, out_r):
        renc = jnp.cos(rel_r[...] * w_r[...] + b_r[...])
        ones = jnp.ones((R, 1), jnp.float32)
        pad1 = jnp.zeros((R, 15), jnp.float32)
        pad2 = jnp.zeros((R, _PW - TD - 16 - MD), jnp.float32)
        out_r[...] = jnp.concatenate(
            [renc, ones, pad1, msg_r[...], pad2], axis=1)

    return pl.pallas_call(
        rk,
        grid=(G,),
        in_specs=[
            pl.BlockSpec((R, 1), lambda i: (i, 0)),
            pl.BlockSpec((1, TD), lambda i: (0, 0)),
            pl.BlockSpec((1, TD), lambda i: (0, 0)),
            pl.BlockSpec((R, MD), lambda i: (i, 0)),
        ],
        out_specs=pl.BlockSpec((R, _PW), lambda i: (i, 0)),
        out_shape=jax.ShapeDtypeStruct((E, _PW), jnp.float32),
    )(rel_t.reshape(E, 1), w_row, b_row, msg)


@functools.cache
def _make_az(E, N, D):
    EPW = E // 32
    NCHUNK = EPW // _K
    NP = ((N + 127) // 128) * 128
    RPT = NP // 16
    mesh = plsc.VectorSubcoreMesh(core_axis_name="c", subcore_axis_name="s")

    @functools.partial(
        pl.kernel,
        compiler_params=pltpu.CompilerParams(needs_layout_passes=False),
        out_type=jax.ShapeDtypeStruct((2 * NP, D), jnp.float32),
        mesh=mesh,
        scratch_types=[
            pltpu.VMEM((_K,), jnp.int32),
            pltpu.VMEM((_K,), jnp.int32),
            pltpu.VMEM((_K, D), jnp.float32),
            pltpu.VMEM((_K,), jnp.int32),
            pltpu.VMEM((_K,), jnp.int32),
            pltpu.VMEM((_K, D), jnp.float32),
            pltpu.VMEM_SHARED((NP, D), jnp.float32),
            pltpu.SemaphoreType.DMA,
            pltpu.SemaphoreType.DMA,
        ],
    )
    def az(src_hbm, dst_hbm, mem_hbm, zeros_hbm, out_hbm, sidx, didx, rows,
           sidx2, didx2, rows2, acc, sem, sem2):
        c = lax.axis_index("c")
        s = lax.axis_index("s")
        wid = s * 2 + c
        pltpu.sync_copy(zeros_hbm, acc.at[pl.ds(s * RPT, RPT)])
        plsc.subcore_barrier()
        base0 = wid * EPW

        def body(i, carry):
            base = base0 + 2 * i * _K
            pltpu.sync_copy(src_hbm.at[pl.ds(base, _K)], sidx)
            pltpu.sync_copy(dst_hbm.at[pl.ds(base, _K)], didx)
            cp1 = pltpu.async_copy(mem_hbm.at[sidx], rows, sem)
            pltpu.sync_copy(src_hbm.at[pl.ds(base + _K, _K)], sidx2)
            pltpu.sync_copy(dst_hbm.at[pl.ds(base + _K, _K)], didx2)
            cp2 = pltpu.async_copy(mem_hbm.at[sidx2], rows2, sem2)
            cp1.wait()
            pltpu.sync_copy(rows, acc.at[didx], add=True)
            cp2.wait()
            pltpu.sync_copy(rows2, acc.at[didx2], add=True)
            return carry

        lax.fori_loop(0, NCHUNK // 2, body, 0)
        if NCHUNK % 2:
            base = base0 + (NCHUNK - 1) * _K
            pltpu.sync_copy(src_hbm.at[pl.ds(base, _K)], sidx)
            pltpu.sync_copy(dst_hbm.at[pl.ds(base, _K)], didx)
            pltpu.async_copy(mem_hbm.at[sidx], rows, sem).wait()
            pltpu.sync_copy(rows, acc.at[didx], add=True)
        plsc.subcore_barrier()
        pltpu.sync_copy(acc.at[pl.ds(s * RPT, RPT)],
                        out_hbm.at[pl.ds(c * NP + s * RPT, RPT)])

    return az


@functools.cache
def _make_a2(E, N):
    EPW = E // 32
    NCHUNK = EPW // _K
    NP = ((N + 127) // 128) * 128
    RPT = NP // 16
    mesh = plsc.VectorSubcoreMesh(core_axis_name="c", subcore_axis_name="s")

    @functools.partial(
        pl.kernel,
        compiler_params=pltpu.CompilerParams(needs_layout_passes=False),
        out_type=jax.ShapeDtypeStruct((2 * NP, _PW), jnp.float32),
        mesh=mesh,
        scratch_types=[
            pltpu.VMEM((_K,), jnp.int32),
            pltpu.VMEM((_K,), jnp.int32),
            pltpu.VMEM((_K, _PW), jnp.float32),
            pltpu.VMEM((_K,), jnp.int32),
            pltpu.VMEM((_K,), jnp.int32),
            pltpu.VMEM((_K, _PW), jnp.float32),
            pltpu.VMEM((_K, _PW), jnp.float32),
            pltpu.VMEM_SHARED((NP, _PW), jnp.float32),
            pltpu.SemaphoreType.DMA,
            pltpu.SemaphoreType.DMA,
        ],
    )
    def a2(src_hbm, dst_hbm, pack_hbm, zp_hbm, ones_hbm, p_out,
           sidx, didx, prows, sidx2, didx2, prows2, tones, acc_p,
           sem, sem2):
        c = lax.axis_index("c")
        s = lax.axis_index("s")
        wid = s * 2 + c
        pltpu.sync_copy(zp_hbm, acc_p.at[pl.ds(s * RPT, RPT)])
        pltpu.sync_copy(ones_hbm, tones)
        plsc.subcore_barrier()
        base0 = wid * EPW

        def body(i, carry):
            base = base0 + 2 * i * _K
            pltpu.sync_copy(src_hbm.at[pl.ds(base, _K)], sidx)
            pltpu.sync_copy(dst_hbm.at[pl.ds(base, _K)], didx)
            cp1 = pltpu.async_copy(pack_hbm.at[pl.ds(base, _K)], prows, sem)
            pltpu.sync_copy(src_hbm.at[pl.ds(base + _K, _K)], sidx2)
            pltpu.sync_copy(dst_hbm.at[pl.ds(base + _K, _K)], didx2)
            cp2 = pltpu.async_copy(pack_hbm.at[pl.ds(base + _K, _K)],
                                   prows2, sem2)
            cp1.wait()
            pltpu.sync_copy(prows, acc_p.at[didx], add=True)
            pltpu.sync_copy(tones, acc_p.at[sidx], add=True)
            cp2.wait()
            pltpu.sync_copy(prows2, acc_p.at[didx2], add=True)
            pltpu.sync_copy(tones, acc_p.at[sidx2], add=True)
            return carry

        lax.fori_loop(0, NCHUNK // 2, body, 0)
        if NCHUNK % 2:
            base = base0 + (NCHUNK - 1) * _K
            pltpu.sync_copy(src_hbm.at[pl.ds(base, _K)], sidx)
            pltpu.sync_copy(dst_hbm.at[pl.ds(base, _K)], didx)
            pltpu.sync_copy(pack_hbm.at[pl.ds(base, _K)], prows)
            pltpu.sync_copy(prows, acc_p.at[didx], add=True)
            pltpu.sync_copy(tones, acc_p.at[sidx], add=True)
        plsc.subcore_barrier()
        pltpu.sync_copy(acc_p.at[pl.ds(s * RPT, RPT)],
                        p_out.at[pl.ds(c * NP + s * RPT, RPT)])

    return a2


def _stage_b(az0, az1, p0, p1, mem, W1, W2, W_root, W_src, W_dst,
             b_root, b_h):
    N, D = mem.shape
    R = 400 if N % 400 == 0 else N
    G = N // R
    TD = 64

    def bk(az0_r, az1_r, p0_r, p1_r, mem_r, w1_r, w2_r, wr_r,
           ws_r, wd_r, brt_r, bh_r, zs_o, zd_o, mk_o, v0_o, vmin_s):
        i = pl.program_id(0)
        azv = az0_r[...] + az1_r[...]
        pv = p0_r[...] + p1_r[...]
        tv = pv[:, 96:97]
        deg = pv[:, TD:TD + 1]
        inv = 1.0 / jnp.maximum(deg, 1.0)
        agg = (jnp.dot(azv * inv, w1_r[...], preferred_element_type=jnp.float32)
               + jnp.dot(pv * inv, w2_r[...], preferred_element_type=jnp.float32))
        zo = jnp.maximum(
            jnp.dot(mem_r[...], wr_r[...], preferred_element_type=jnp.float32)
            + brt_r[...] + agg, 0.0)
        zs_o[...] = jnp.dot(zo, ws_r[...],
                            preferred_element_type=jnp.float32) + bh_r[...]
        zd_o[...] = jnp.dot(zo, wd_r[...],
                            preferred_element_type=jnp.float32)
        maskc = (tv[:, 0:1] + deg) > 0.0
        mk_o[...] = maskc.astype(jnp.float32)
        ids = lax.broadcasted_iota(jnp.int32, (R, 1), 0) + i * R
        lmin = jnp.min(jnp.where(maskc, ids, N))

        @pl.when(i == 0)
        def _():
            vmin_s[0] = N

        vmin_s[0] = jnp.minimum(vmin_s[0], lmin)

        @pl.when(i == G - 1)
        def _():
            v0_o[0, 0] = vmin_s[0]

    row = lambda i: (i, 0)
    fix = lambda i: (0, 0)
    return pl.pallas_call(
        bk,
        grid=(G,),
        in_specs=[
            pl.BlockSpec((R, D), row), pl.BlockSpec((R, D), row),
            pl.BlockSpec((R, _PW), row), pl.BlockSpec((R, _PW), row),
            pl.BlockSpec((R, D), row),
            pl.BlockSpec((D, D), fix), pl.BlockSpec((_PW, D), fix),
            pl.BlockSpec((D, D), fix), pl.BlockSpec((D, D), fix),
            pl.BlockSpec((D, D), fix),
            pl.BlockSpec((1, D), fix), pl.BlockSpec((1, D), fix),
        ],
        out_specs=[
            pl.BlockSpec((R, D), row), pl.BlockSpec((R, D), row),
            pl.BlockSpec((R, 1), row),
            pl.BlockSpec(memory_space=pltpu.SMEM),
        ],
        out_shape=[
            jax.ShapeDtypeStruct((N, D), jnp.float32),
            jax.ShapeDtypeStruct((N, D), jnp.float32),
            jax.ShapeDtypeStruct((N, 1), jnp.float32),
            jax.ShapeDtypeStruct((1, 1), jnp.int32),
        ],
        scratch_shapes=[pltpu.SMEM((1,), jnp.int32)],
    )(az0, az1, p0, p1, mem, W1, W2, W_root, W_src, W_dst,
      b_root.reshape(1, D), b_h.reshape(1, D))


@functools.cache
def _make_c(N, D, B):
    QPW = B // 16
    NQC = QPW // _KQ
    mesh = plsc.VectorSubcoreMesh(core_axis_name="c", subcore_axis_name="s")

    @functools.partial(
        pl.kernel,
        compiler_params=pltpu.CompilerParams(needs_layout_passes=False),
        out_type=jax.ShapeDtypeStruct((2 * B, D), jnp.float32),
        mesh=mesh,
        scratch_types=[
            pltpu.VMEM((_KQ,), jnp.int32),
            pltpu.VMEM((_KQ,), jnp.int32),
            pltpu.VMEM((_KQ, D), jnp.float32),
            pltpu.VMEM((N,), jnp.float32),
            pltpu.VMEM((16,), jnp.int32),
            pltpu.SemaphoreType.DMA,
        ],
    )
    def ck(qcat_hbm, zcat_hbm, mask_hbm, v0_hbm, g_out, qidx, effb, rows,
           mv, v0v, sem):
        c = lax.axis_index("c")
        s = lax.axis_index("s")
        pltpu.sync_copy(mask_hbm, mv)
        pltpu.sync_copy(v0_hbm, v0v)
        v0vec = v0v[pl.ds(0, 16)]
        off = jnp.full((16,), 0, jnp.int32) + c * N

        def body(i, carry):
            base = c * B + s * QPW + i * _KQ
            pltpu.sync_copy(qcat_hbm.at[pl.ds(base, _KQ)], qidx)
            for j in range(_KQ // 16):
                qv = qidx[pl.ds(j * 16, 16)]
                m = plsc.load_gather(mv, [qv])
                effb[pl.ds(j * 16, 16)] = (
                    jnp.where(m > 0.5, qv, v0vec) + off)
            pltpu.async_copy(zcat_hbm.at[effb], rows, sem).wait()
            pltpu.sync_copy(rows, g_out.at[pl.ds(base, _KQ)])
            return carry

        lax.fori_loop(0, NQC, body, 0)

    return ck


def _stage_d(gs, gd, w_row, b_out):
    B, D = gs.shape
    R = 1024 if B % 1024 == 0 else B
    G = B // R

    def dk(gs_r, gd_r, w_r, bo_r, out_r):
        h = jnp.maximum(gs_r[...] + gd_r[...], 0.0)
        out_r[...] = jnp.sum(h * w_r[...], axis=1, keepdims=True) + bo_r[...]

    return pl.pallas_call(
        dk,
        grid=(G,),
        in_specs=[
            pl.BlockSpec((R, D), lambda i: (i, 0)),
            pl.BlockSpec((R, D), lambda i: (i, 0)),
            pl.BlockSpec((1, D), lambda i: (0, 0)),
            pl.BlockSpec((1, 1), lambda i: (0, 0)),
        ],
        out_specs=pl.BlockSpec((R, 1), lambda i: (i, 0)),
        out_shape=jax.ShapeDtypeStruct((B, 1), jnp.float32),
    )(gs, gd, w_row, b_out)


def kernel(x, edge_index, t, msg, src, dst, memory_table, last_update,
           w_t, b_t, W_msg, b_msg, W_root, b_root, W_src, W_dst, b_h,
           W_out, b_out):
    N, D = memory_table.shape
    E = t.shape[0]
    B = src.shape[0]
    TD = w_t.shape[0]
    MD = msg.shape[1]
    NP = ((N + 127) // 128) * 128
    RPT = NP // 16
    src_e = edge_index[0]
    dst_e = edge_index[1]

    zeros_d = jnp.zeros((RPT, D), jnp.float32)
    zeros_p = jnp.zeros((RPT, _PW), jnp.float32)
    tmark = jnp.zeros((_K, _PW), jnp.float32).at[:, 96].set(1.0)

    az = _make_az(E, N, D)(src_e, dst_e, memory_table, zeros_d)
    rel_t = _make_a0(E, N)(src_e, t, last_update)
    packed = _stage_r(rel_t, w_t.reshape(1, TD), b_t.reshape(1, TD), msg)
    p_p = _make_a2(E, N)(src_e, dst_e, packed, zeros_p, tmark)

    W2 = jnp.concatenate(
        [W_msg[D:D + TD], b_msg[None, :], jnp.zeros((15, D), jnp.float32),
         W_msg[D + TD:], jnp.zeros((_PW - TD - 16 - MD, D), jnp.float32)],
        axis=0)
    zs, zd, maskv, v0 = _stage_b(
        az[:N], az[NP:NP + N], p_p[:N], p_p[NP:NP + N],
        memory_table, W_msg[:D], W2, W_root, W_src, W_dst,
        b_root, b_h)

    zcat = jnp.concatenate([zs, zd], axis=0)
    qcat = jnp.concatenate([src, dst], axis=0)
    v16 = jnp.broadcast_to(v0.reshape(1), (16,))
    gcat = _make_c(N, D, B)(qcat, zcat, maskv.reshape(N), v16)

    return _stage_d(gcat[:B], gcat[B:], W_out.reshape(1, D),
                    b_out.reshape(1, 1))

# --- scband reference (transcript-rebuilt; emitter-appended) ---
"""Pipeline reference for scband-tgnlink-model-5703716569398 (READ-ONLY COPY).

The authoritative reference and input builder live on the scoring server;
editing this copy changes nothing except your own understanding.
"""

import jax, jax.numpy as jnp
import numpy as np

N = 10000
E = 320000
D = 128      # memory/embedding dim
TD = 64      # time encoding dim
MD = 16      # message (edge) dim
B = 8192     # link-pred query batch


def setup_inputs(seed: int = 0) -> dict:
    key = jax.random.key(seed)
    ks = jax.random.split(key, 20)
    x = jax.random.normal(ks[0], (N, D), dtype=jnp.float32)
    edge_index = jax.random.randint(ks[1], (2, E), 0, N, dtype=jnp.int32)
    t = jax.random.uniform(ks[2], (E,), dtype=jnp.float32)
    msg = jax.random.normal(ks[3], (E, MD), dtype=jnp.float32)
    src = jax.random.randint(ks[4], (B,), 0, N, dtype=jnp.int32)
    dst = jax.random.randint(ks[5], (B,), 0, N, dtype=jnp.int32)
    # learned / stateful parameters
    memory_table = jax.random.normal(ks[6], (N, D), dtype=jnp.float32) * 0.1
    last_update = jax.random.uniform(ks[7], (N,), dtype=jnp.float32)
    w_t = jax.random.normal(ks[8], (TD,), dtype=jnp.float32)
    b_t = jax.random.normal(ks[9], (TD,), dtype=jnp.float32)
    W_msg = jax.random.normal(ks[10], (D + TD + MD, D), dtype=jnp.float32) / np.sqrt(D + TD + MD)
    b_msg = jnp.zeros((D,), dtype=jnp.float32)
    W_root = jax.random.normal(ks[11], (D, D), dtype=jnp.float32) / np.sqrt(D)
    b_root = jnp.zeros((D,), dtype=jnp.float32)
    W_src = jax.random.normal(ks[12], (D, D), dtype=jnp.float32) / np.sqrt(D)
    W_dst = jax.random.normal(ks[13], (D, D), dtype=jnp.float32) / np.sqrt(D)
    b_h = jnp.zeros((D,), dtype=jnp.float32)
    W_out = jax.random.normal(ks[14], (D, 1), dtype=jnp.float32) / np.sqrt(D)
    b_out = jnp.zeros((1,), dtype=jnp.float32)
    return {"x": x, "edge_index": edge_index, "t": t, "msg": msg, "src": src,
            "dst": dst, "memory_table": memory_table, "last_update": last_update,
            "w_t": w_t, "b_t": b_t, "W_msg": W_msg, "b_msg": b_msg,
            "W_root": W_root, "b_root": b_root, "W_src": W_src, "W_dst": W_dst,
            "b_h": b_h, "W_out": W_out, "b_out": b_out}


def reference(x, edge_index, t, msg, src, dst, memory_table, last_update,
              w_t, b_t, W_msg, b_msg, W_root, b_root, W_src, W_dst, b_h, W_out, b_out):
    # memory.reset_state(); (z, last_update) = memory(n_id)  -> gather from state tables
    n_nodes = memory_table.shape[0]
    mask = jnp.zeros((n_nodes,), dtype=bool).at[edge_index.reshape(-1)].set(True)
    local_id = jnp.cumsum(mask.astype(jnp.int32)) - 1
    assoc = jnp.where(mask, local_id, 0).astype(jnp.int32)
    pos = jnp.where(mask, local_id, n_nodes)
    z = jax.lax.stop_gradient(
        jnp.zeros_like(memory_table).at[pos].set(memory_table, mode='drop'))
    lu = jax.lax.stop_gradient(
        jnp.zeros_like(last_update).at[pos].set(last_update, mode='drop'))
    t_d = jax.lax.stop_gradient(t)
    msg_d = jax.lax.stop_gradient(msg)
    # relabel edges to local ids
    ei = assoc[edge_index]
    s_l, d_l = ei[0], ei[1]
    # gnn: TGN-style time-encoded message passing (gather -> dense msg MLP -> scatter-mean)
    rel_t = t_d - lu[s_l]
    rel_enc = jnp.cos(rel_t[:, None] * w_t[None, :] + b_t[None, :])
    m = jnp.concatenate([z[s_l], rel_enc, msg_d], axis=-1) @ W_msg + b_msg
    agg = jax.ops.segment_sum(m, d_l, num_segments=n_nodes)
    deg = jax.ops.segment_sum(jnp.ones_like(t_d), d_l, num_segments=n_nodes)
    agg = agg / jnp.maximum(deg, 1.0)[:, None]
    z_out = jax.nn.relu(z @ W_root + b_root + agg)
    # link_pred(z[assoc[src]], z[assoc[dst]])
    h_src = z_out[assoc[src]]
    h_dst = z_out[assoc[dst]]
    h = jax.nn.relu(h_src @ W_src + h_dst @ W_dst + b_h)
    out = h @ W_out + b_out
    return out

if __name__ == "__main__":
    import jax
    _d = setup_inputs()
    print(jax.jit(kernel)(*tuple(_d.values())))

</pallas_src>

<mosaic_0001>
#map = affine_map<(d0, d1) -> (0)>
#map1 = affine_map<(d0, d1) -> (0, 0)>
module attributes {stable_mosaic.version = 14 : i64} {
  func.func @az(%arg0: i32, %arg1: i32, %arg2: memref<320000xi32, #tpu.memory_space<hbm>>, %arg3: memref<320000xi32, #tpu.memory_space<hbm>>, %arg4: memref<10000x128xf32, #tpu.memory_space<hbm>>, %arg5: memref<632x128xf32, #tpu.memory_space<hbm>>, %arg6: memref<20224x128xf32, #tpu.memory_space<hbm>>, %arg7: memref<80xi32, #tpu.memory_space<vmem>>, %arg8: memref<80xi32, #tpu.memory_space<vmem>>, %arg9: memref<80x128xf32, #tpu.memory_space<vmem>>, %arg10: memref<80xi32, #tpu.memory_space<vmem>>, %arg11: memref<80xi32, #tpu.memory_space<vmem>>, %arg12: memref<80x128xf32, #tpu.memory_space<vmem>>, %arg13: memref<10112x128xf32, #tpu.memory_space<vmem_shared>>, %arg14: memref<!tpu.dma_semaphore, #tpu.memory_space<semaphore_mem>>, %arg15: memref<!tpu.dma_semaphore, #tpu.memory_space<semaphore_mem>>) attributes {dimension_semantics = [#tpu.dimension_semantics<core_parallel>, #tpu.dimension_semantics<subcore_parallel>], iteration_bounds = array<i64: 2, 16>, scalar_prefetch = 0 : i64, scratch_operands = 9 : i64, tpu.core_type = #tpu.core_type<sc_vector_subcore>, window_params = [{transform_indices = #map}, {transform_indices = #map}, {transform_indices = #map1}, {transform_indices = #map1}, {transform_indices = #map1}]} {
    %mul3A = arith.constant 2 : i32
    %mul3A_0 = arith.muli %arg1, %mul3A : i32
    %add3A = arith.addi %mul3A_0, %arg0 : i32
    %mul3A_1 = arith.constant 632 : i32
    %mul3A_2 = arith.muli %arg1, %mul3A_1 : i32
    "tpu.region"() ({
      %run_scoped3A = tpu.sem_alloc : memref<!tpu.dma_semaphore, #tpu.memory_space<semaphore_mem>>
      %dma_start3A_24 = arith.constant 0 : i32
      %dma_start3A_25 = tpu.memref_slice %arg13[%mul3A_2, %dma_start3A_24] : memref<10112x128xf32, #tpu.memory_space<vmem_shared>> -> memref<632x128xf32, #tpu.memory_space<vmem_shared>>
      tpu.enqueue_dma source(%arg5 : memref<632x128xf32, #tpu.memory_space<hbm>>) target(%dma_start3A_25 : memref<632x128xf32, #tpu.memory_space<vmem_shared>>) target_semaphore(%run_scoped3A : memref<!tpu.dma_semaphore, #tpu.memory_space<semaphore_mem>>)
      %dma_wait3A_26 = arith.constant 0 : i32
      %dma_wait3A_27 = tpu.memref_slice %arg13[%mul3A_2, %dma_wait3A_26] : memref<10112x128xf32, #tpu.memory_space<vmem_shared>> -> memref<632x128xf32, #tpu.memory_space<vmem_shared>>
      tpu.wait_dma2 semaphore(%run_scoped3A : memref<!tpu.dma_semaphore, #tpu.memory_space<semaphore_mem>>) src(%arg5 : memref<632x128xf32, #tpu.memory_space<hbm>>) dst(%dma_wait3A_27 : memref<632x128xf32, #tpu.memory_space<vmem_shared>>)
      tpu.yield
    }) : () -> ()
    %barrier3A = arith.constant 0 : index
    tpu.barrier barrier_id(%barrier3A)
    %mul3A_3 = arith.constant 10000 : i32
    %mul3A_4 = arith.muli %add3A, %mul3A_3 : i32
    %scan3A = arith.constant 0 : i32
    %scan3A_5 = arith.constant 0 : i32
    %scan3A_6 = arith.constant 62 : i32
    %scan3A_7 = arith.addi %scan3A_5, %scan3A_6 : i32
    %scan3A_8 = arith.constant 1 : i32
    scf.for %scan3A_24 = %scan3A_5 to %scan3A_7 step %scan3A_8  : i32 {
      %mul3A_25 = arith.constant 2 : i32
      %mul3A_26 = arith.muli %mul3A_25, %scan3A_24 : i32
      %mul3A_27 = arith.constant 80 : i32
      %mul3A_28 = arith.muli %mul3A_26, %mul3A_27 : i32
      %add3A_29 = arith.addi %mul3A_4, %mul3A_28 : i32
      "tpu.region"() ({
        %run_scoped3A = tpu.sem_alloc : memref<!tpu.dma_semaphore, #tpu.memory_space<semaphore_mem>>
        %dma_start3A_46 = tpu.memref_slice %arg2[%add3A_29] : memref<320000xi32, #tpu.memory_space<hbm>> -> memref<80xi32, #tpu.memory_space<hbm>>
        %dma_start3A_47 = tpu.memref_slice %arg2[%add3A_29] : memref<320000xi32, #tpu.memory_space<hbm>> -> memref<80xi32, #tpu.memory_space<hbm>>
        tpu.enqueue_dma source(%dma_start3A_47 : memref<80xi32, #tpu.memory_space<hbm>>) target(%arg7 : memref<80xi32, #tpu.memory_space<vmem>>) target_semaphore(%run_scoped3A : memref<!tpu.dma_semaphore, #tpu.memory_space<semaphore_mem>>)
        %dma_wait3A_48 = tpu.memref_slice %arg2[%add3A_29] : memref<320000xi32, #tpu.memory_space<hbm>> -> memref<80xi32, #tpu.memory_space<hbm>>
        %dma_wait3A_49 = tpu.memref_slice %arg2[%add3A_29] : memref<320000xi32, #tpu.memory_space<hbm>> -> memref<80xi32, #tpu.memory_space<hbm>>
        tpu.wait_dma2 semaphore(%run_scoped3A : memref<!tpu.dma_semaphore, #tpu.memory_space<semaphore_mem>>) src(%dma_wait3A_49 : memref<80xi32, #tpu.memory_space<hbm>>) dst(%arg7 : memref<80xi32, #tpu.memory_space<vmem>>)
        tpu.yield
      }) : () -> ()
      "tpu.region"() ({
        %run_scoped3A = tpu.sem_alloc : memref<!tpu.dma_semaphore, #tpu.memory_space<semaphore_mem>>
        %dma_start3A_46 = tpu.memref_slice %arg3[%add3A_29] : memref<320000xi32, #tpu.memory_space<hbm>> -> memref<80xi32, #tpu.memory_space<hbm>>
        %dma_start3A_47 = tpu.memref_slice %arg3[%add3A_29] : memref<320000xi32, #tpu.memory_space<hbm>> -> memref<80xi32, #tpu.memory_space<hbm>>
        tpu.enqueue_dma source(%dma_start3A_47 : memref<80xi32, #tpu.memory_space<hbm>>) target(%arg8 : memref<80xi32, #tpu.memory_space<vmem>>) target_semaphore(%run_scoped3A : memref<!tpu.dma_semaphore, #tpu.memory_space<semaphore_mem>>)
        %dma_wait3A_48 = tpu.memref_slice %arg3[%add3A_29] : memref<320000xi32, #tpu.memory_space<hbm>> -> memref<80xi32, #tpu.memory_space<hbm>>
        %dma_wait3A_49 = tpu.memref_slice %arg3[%add3A_29] : memref<320000xi32, #tpu.memory_space<hbm>> -> memref<80xi32, #tpu.memory_space<hbm>>
        tpu.wait_dma2 semaphore(%run_scoped3A : memref<!tpu.dma_semaphore, #tpu.memory_space<semaphore_mem>>) src(%dma_wait3A_49 : memref<80xi32, #tpu.memory_space<hbm>>) dst(%arg8 : memref<80xi32, #tpu.memory_space<vmem>>)
        tpu.yield
      }) : () -> ()
      %dma_start3A_30 = arith.constant 0 : i32
      %dma_start3A_31 = arith.constant 0 : i32
      %dma_start3A_32 = tpu.memref_slice %arg4[%dma_start3A_30, %dma_start3A_31] : memref<10000x128xf32, #tpu.memory_space<hbm>> -> memref<10000x128xf32, #tpu.memory_space<hbm>>
      tpu.enqueue_indirect_dma source(%dma_start3A_32 : memref<10000x128xf32, #tpu.memory_space<hbm>>) target(%arg9 : memref<80x128xf32, #tpu.memory_space<vmem>>) offsets(%arg7 : memref<80xi32, #tpu.memory_space<vmem>>) semaphore(%arg14 : memref<!tpu.dma_semaphore, #tpu.memory_space<semaphore_mem>>)
      %add3A_33 = arith.constant 80 : i32
      %add3A_34 = arith.addi %add3A_29, %add3A_33 : i32
      "tpu.region"() ({
        %run_scoped3A = tpu.sem_alloc : memref<!tpu.dma_semaphore, #tpu.memory_space<semaphore_mem>>
        %dma_start3A_46 = tpu.memref_slice %arg2[%add3A_34] : memref<320000xi32, #tpu.memory_space<hbm>> -> memref<80xi32, #tpu.memory_space<hbm>>
        %dma_start3A_47 = tpu.memref_slice %arg2[%add3A_34] : memref<320000xi32, #tpu.memory_space<hbm>> -> memref<80xi32, #tpu.memory_space<hbm>>
        tpu.enqueue_dma source(%dma_start3A_47 : memref<80xi32, #tpu.memory_space<hbm>>) target(%arg10 : memref<80xi32, #tpu.memory_space<vmem>>) target_semaphore(%run_scoped3A : memref<!tpu.dma_semaphore, #tpu.memory_space<semaphore_mem>>)
        %dma_wait3A_48 = tpu.memref_slice %arg2[%add3A_34] : memref<320000xi32, #tpu.memory_space<hbm>> -> memref<80xi32, #tpu.memory_space<hbm>>
        %dma_wait3A_49 = tpu.memref_slice %arg2[%add3A_34] : memref<320000xi32, #tpu.memory_space<hbm>> -> memref<80xi32, #tpu.memory_space<hbm>>
        tpu.wait_dma2 semaphore(%run_scoped3A : memref<!tpu.dma_semaphore, #tpu.memory_space<semaphore_mem>>) src(%dma_wait3A_49 : memref<80xi32, #tpu.memory_space<hbm>>) dst(%arg10 : memref<80xi32, #tpu.memory_space<vmem>>)
        tpu.yield
      }) : () -> ()
      %add3A_35 = arith.constant 80 : i32
      %add3A_36 = arith.addi %add3A_29, %add3A_35 : i32
      "tpu.region"() ({
        %run_scoped3A = tpu.sem_alloc : memref<!tpu.dma_semaphore, #tpu.memory_space<semaphore_mem>>
        %dma_start3A_46 = tpu.memref_slice %arg3[%add3A_36] : memref<320000xi32, #tpu.memory_space<hbm>> -> memref<80xi32, #tpu.memory_space<hbm>>
        %dma_start3A_47 = tpu.memref_slice %arg3[%add3A_36] : memref<320000xi32, #tpu.memory_space<hbm>> -> memref<80xi32, #tpu.memory_space<hbm>>
        tpu.enqueue_dma source(%dma_start3A_47 : memref<80xi32, #tpu.memory_space<hbm>>) target(%arg11 : memref<80xi32, #tpu.memory_space<vmem>>) target_semaphore(%run_scoped3A : memref<!tpu.dma_semaphore, #tpu.memory_space<semaphore_mem>>)
        %dma_wait3A_48 = tpu.memref_slice %arg3[%add3A_36] : memref<320000xi32, #tpu.memory_space<hbm>> -> memref<80xi32, #tpu.memory_space<hbm>>
        %dma_wait3A_49 = tpu.memref_slice %arg3[%add3A_36] : memref<320000xi32, #tpu.memory_space<hbm>> -> memref<80xi32, #tpu.memory_space<hbm>>
        tpu.wait_dma2 semaphore(%run_scoped3A : memref<!tpu.dma_semaphore, #tpu.memory_space<semaphore_mem>>) src(%dma_wait3A_49 : memref<80xi32, #tpu.memory_space<hbm>>) dst(%arg11 : memref<80xi32, #tpu.memory_space<vmem>>)
        tpu.yield
      }) : () -> ()
      %dma_start3A_37 = arith.constant 0 : i32
      %dma_start3A_38 = arith.constant 0 : i32
      %dma_start3A_39 = tpu.memref_slice %arg4[%dma_start3A_37, %dma_start3A_38] : memref<10000x128xf32, #tpu.memory_space<hbm>> -> memref<10000x128xf32, #tpu.memory_space<hbm>>
      tpu.enqueue_indirect_dma source(%dma_start3A_39 : memref<10000x128xf32, #tpu.memory_space<hbm>>) target(%arg12 : memref<80x128xf32, #tpu.memory_space<vmem>>) offsets(%arg10 : memref<80xi32, #tpu.memory_space<vmem>>) semaphore(%arg15 : memref<!tpu.dma_semaphore, #tpu.memory_space<semaphore_mem>>)
      %dma_wait3A_40 = arith.constant 0 : i32
      %dma_wait3A_41 = arith.constant 0 : i32
      %dma_wait3A_42 = tpu.memref_slice %arg4[%dma_wait3A_40, %dma_wait3A_41] : memref<10000x128xf32, #tpu.memory_space<hbm>> -> memref<10000x128xf32, #tpu.memory_space<hbm>>
      tpu.wait_indirect_dma semaphore(%arg14 : memref<!tpu.dma_semaphore, #tpu.memory_space<semaphore_mem>>) src(%dma_wait3A_42 : memref<10000x128xf32, #tpu.memory_space<hbm>>) dst(%arg9 : memref<80x128xf32, #tpu.memory_space<vmem>>)
      "tpu.region"() ({
        %run_scoped3A = tpu.sem_alloc : memref<!tpu.dma_semaphore, #tpu.memory_space<semaphore_mem>>
        %dma_start3A_46 = arith.constant 0 : i32
        %dma_start3A_47 = arith.constant 0 : i32
        %dma_start3A_48 = tpu.memref_slice %arg13[%dma_start3A_46, %dma_start3A_47] : memref<10112x128xf32, #tpu.memory_space<vmem_shared>> -> memref<10112x128xf32, #tpu.memory_space<vmem_shared>>
        tpu.enqueue_indirect_dma source(%arg9 : memref<80x128xf32, #tpu.memory_space<vmem>>) target(%dma_start3A_48 : memref<10112x128xf32, #tpu.memory_space<vmem_shared>>) offsets(%arg8 : memref<80xi32, #tpu.memory_space<vmem>>) semaphore(%run_scoped3A : memref<!tpu.dma_semaphore, #tpu.memory_space<semaphore_mem>>) {add = true}
        %dma_wait3A_49 = arith.constant 0 : i32
        %dma_wait3A_50 = arith.constant 0 : i32
        %dma_wait3A_51 = tpu.memref_slice %arg13[%dma_wait3A_49, %dma_wait3A_50] : memref<10112x128xf32, #tpu.memory_space<vmem_shared>> -> memref<10112x128xf32, #tpu.memory_space<vmem_shared>>
        tpu.wait_indirect_dma semaphore(%run_scoped3A : memref<!tpu.dma_semaphore, #tpu.memory_space<semaphore_mem>>) src(%arg9 : memref<80x128xf32, #tpu.memory_space<vmem>>) dst(%dma_wait3A_51 : memref<10112x128xf32, #tpu.memory_space<vmem_shared>>)
        tpu.yield
      }) : () -> ()
      %dma_wait3A_43 = arith.constant 0 : i32
      %dma_wait3A_44 = arith.constant 0 : i32
      %dma_wait3A_45 = tpu.memref_slice %arg4[%dma_wait3A_43, %dma_wait3A_44] : memref<10000x128xf32, #tpu.memory_space<hbm>> -> memref<10000x128xf32, #tpu.memory_space<hbm>>
      tpu.wait_indirect_dma semaphore(%arg15 : memref<!tpu.dma_semaphore, #tpu.memory_space<semaphore_mem>>) src(%dma_wait3A_45 : memref<10000x128xf32, #tpu.memory_space<hbm>>) dst(%arg12 : memref<80x128xf32, #tpu.memory_space<vmem>>)
      "tpu.region"() ({
        %run_scoped3A = tpu.sem_alloc : memref<!tpu.dma_semaphore, #tpu.memory_space<semaphore_mem>>
        %dma_start3A_46 = arith.constant 0 : i32
        %dma_start3A_47 = arith.constant 0 : i32
        %dma_start3A_48 = tpu.memref_slice %arg13[%dma_start3A_46, %dma_start3A_47] : memref<10112x128xf32, #tpu.memory_space<vmem_shared>> -> memref<10112x128xf32, #tpu.memory_space<vmem_shared>>
        tpu.enqueue_indirect_dma source(%arg12 : memref<80x128xf32, #tpu.memory_space<vmem>>) target(%dma_start3A_48 : memref<10112x128xf32, #tpu.memory_space<vmem_shared>>) offsets(%arg11 : memref<80xi32, #tpu.memory_space<vmem>>) semaphore(%run_scoped3A : memref<!tpu.dma_semaphore, #tpu.memory_space<semaphore_mem>>) {add = true}
        %dma_wait3A_49 = arith.constant 0 : i32
        %dma_wait3A_50 = arith.constant 0 : i32
        %dma_wait3A_51 = tpu.memref_slice %arg13[%dma_wait3A_49, %dma_wait3A_50] : memref<10112x128xf32, #tpu.memory_space<vmem_shared>> -> memref<10112x128xf32, #tpu.memory_space<vmem_shared>>
        tpu.wait_indirect_dma semaphore(%run_scoped3A : memref<!tpu.dma_semaphore, #tpu.memory_space<semaphore_mem>>) src(%arg12 : memref<80x128xf32, #tpu.memory_space<vmem>>) dst(%dma_wait3A_51 : memref<10112x128xf32, #tpu.memory_space<vmem_shared>>)
        tpu.yield
      }) : () -> ()
    }
    %scan3A_9 = arith.constant 62 : i32
    %add3A_10 = arith.constant 9920 : i32
    %add3A_11 = arith.addi %mul3A_4, %add3A_10 : i32
    "tpu.region"() ({
      %run_scoped3A = tpu.sem_alloc : memref<!tpu.dma_semaphore, #tpu.memory_space<semaphore_mem>>
      %dma_start3A_24 = tpu.memref_slice %arg2[%add3A_11] : memref<320000xi32, #tpu.memory_space<hbm>> -> memref<80xi32, #tpu.memory_space<hbm>>
      %dma_start3A_25 = tpu.memref_slice %arg2[%add3A_11] : memref<320000xi32, #tpu.memory_space<hbm>> -> memref<80xi32, #tpu.memory_space<hbm>>
      tpu.enqueue_dma source(%dma_start3A_25 : memref<80xi32, #tpu.memory_space<hbm>>) target(%arg7 : memref<80xi32, #tpu.memory_space<vmem>>) target_semaphore(%run_scoped3A : memref<!tpu.dma_semaphore, #tpu.memory_space<semaphore_mem>>)
      %dma_wait3A_26 = tpu.memref_slice %arg2[%add3A_11] : memref<320000xi32, #tpu.memory_space<hbm>> -> memref<80xi32, #tpu.memory_space<hbm>>
      %dma_wait3A_27 = tpu.memref_slice %arg2[%add3A_11] : memref<320000xi32, #tpu.memory_space<hbm>> -> memref<80xi32, #tpu.memory_space<hbm>>
      tpu.wait_dma2 semaphore(%run_scoped3A : memref<!tpu.dma_semaphore, #tpu.memory_space<semaphore_mem>>) src(%dma_wait3A_27 : memref<80xi32, #tpu.memory_space<hbm>>) dst(%arg7 : memref<80xi32, #tpu.memory_space<vmem>>)
      tpu.yield
    }) : () -> ()
    "tpu.region"() ({
      %run_scoped3A = tpu.sem_alloc : memref<!tpu.dma_semaphore, #tpu.memory_space<semaphore_mem>>
      %dma_start3A_24 = tpu.memref_slice %arg3[%add3A_11] : memref<320000xi32, #tpu.memory_space<hbm>> -> memref<80xi32, #tpu.memory_space<hbm>>
      %dma_start3A_25 = tpu.memref_slice %arg3[%add3A_11] : memref<320000xi32, #tpu.memory_space<hbm>> -> memref<80xi32, #tpu.memory_space<hbm>>
      tpu.enqueue_dma source(%dma_start3A_25 : memref<80xi32, #tpu.memory_space<hbm>>) target(%arg8 : memref<80xi32, #tpu.memory_space<vmem>>) target_semaphore(%run_scoped3A : memref<!tpu.dma_semaphore, #tpu.memory_space<semaphore_mem>>)
      %dma_wait3A_26 = tpu.memref_slice %arg3[%add3A_11] : memref<320000xi32, #tpu.memory_space<hbm>> -> memref<80xi32, #tpu.memory_space<hbm>>
      %dma_wait3A_27 = tpu.memref_slice %arg3[%add3A_11] : memref<320000xi32, #tpu.memory_space<hbm>> -> memref<80xi32, #tpu.memory_space<hbm>>
      tpu.wait_dma2 semaphore(%run_scoped3A : memref<!tpu.dma_semaphore, #tpu.memory_space<semaphore_mem>>) src(%dma_wait3A_27 : memref<80xi32, #tpu.memory_space<hbm>>) dst(%arg8 : memref<80xi32, #tpu.memory_space<vmem>>)
      tpu.yield
    }) : () -> ()
    %dma_start3A = arith.constant 0 : i32
    %dma_start3A_12 = arith.constant 0 : i32
    %dma_start3A_13 = tpu.memref_slice %arg4[%dma_start3A, %dma_start3A_12] : memref<10000x128xf32, #tpu.memory_space<hbm>> -> memref<10000x128xf32, #tpu.memory_space<hbm>>
    tpu.enqueue_indirect_dma source(%dma_start3A_13 : memref<10000x128xf32, #tpu.memory_space<hbm>>) target(%arg9 : memref<80x128xf32, #tpu.memory_space<vmem>>) offsets(%arg7 : memref<80xi32, #tpu.memory_space<vmem>>) semaphore(%arg14 : memref<!tpu.dma_semaphore, #tpu.memory_space<semaphore_mem>>)
    %dma_wait3A = arith.constant 0 : i32
    %dma_wait3A_14 = arith.constant 0 : i32
    %dma_wait3A_15 = tpu.memref_slice %arg4[%dma_wait3A, %dma_wait3A_14] : memref<10000x128xf32, #tpu.memory_space<hbm>> -> memref<10000x128xf32, #tpu.memory_space<hbm>>
    tpu.wait_indirect_dma semaphore(%arg14 : memref<!tpu.dma_semaphore, #tpu.memory_space<semaphore_mem>>) src(%dma_wait3A_15 : memref<10000x128xf32, #tpu.memory_space<hbm>>) dst(%arg9 : memref<80x128xf32, #tpu.memory_space<vmem>>)
    "tpu.region"() ({
      %run_scoped3A = tpu.sem_alloc : memref<!tpu.dma_semaphore, #tpu.memory_space<semaphore_mem>>
      %dma_start3A_24 = arith.constant 0 : i32
      %dma_start3A_25 = arith.constant 0 : i32
      %dma_start3A_26 = tpu.memref_slice %arg13[%dma_start3A_24, %dma_start3A_25] : memref<10112x128xf32, #tpu.memory_space<vmem_shared>> -> memref<10112x128xf32, #tpu.memory_space<vmem_shared>>
      tpu.enqueue_indirect_dma source(%arg9 : memref<80x128xf32, #tpu.memory_space<vmem>>) target(%dma_start3A_26 : memref<10112x128xf32, #tpu.memory_space<vmem_shared>>) offsets(%arg8 : memref<80xi32, #tpu.memory_space<vmem>>) semaphore(%run_scoped3A : memref<!tpu.dma_semaphore, #tpu.memory_space<semaphore_mem>>) {add = true}
      %dma_wait3A_27 = arith.constant 0 : i32
      %dma_wait3A_28 = arith.constant 0 : i32
      %dma_wait3A_29 = tpu.memref_slice %arg13[%dma_wait3A_27, %dma_wait3A_28] : memref<10112x128xf32, #tpu.memory_space<vmem_shared>> -> memref<10112x128xf32, #tpu.memory_space<vmem_shared>>
      tpu.wait_indirect_dma semaphore(%run_scoped3A : memref<!tpu.dma_semaphore, #tpu.memory_space<semaphore_mem>>) src(%arg9 : memref<80x128xf32, #tpu.memory_space<vmem>>) dst(%dma_wait3A_29 : memref<10112x128xf32, #tpu.memory_space<vmem_shared>>)
      tpu.yield
    }) : () -> ()
    %barrier3A_16 = arith.constant 0 : index
    tpu.barrier barrier_id(%barrier3A_16)
    %mul3A_17 = arith.constant 632 : i32
    %mul3A_18 = arith.muli %arg1, %mul3A_17 : i32
    %mul3A_19 = arith.constant 10112 : i32
    %mul3A_20 = arith.muli %arg0, %mul3A_19 : i32
    %mul3A_21 = arith.constant 632 : i32
    %mul3A_22 = arith.muli %arg1, %mul3A_21 : i32
    %add3A_23 = arith.addi %mul3A_20, %mul3A_22 : i32
    "tpu.region"() ({
      %run_scoped3A = tpu.sem_alloc : memref<!tpu.dma_semaphore, #tpu.memory_space<semaphore_mem>>
      %dma_start3A_24 = arith.constant 0 : i32
      %dma_start3A_25 = tpu.memref_slice %arg6[%add3A_23, %dma_start3A_24] : memref<20224x128xf32, #tpu.memory_space<hbm>> -> memref<632x128xf32, #tpu.memory_space<hbm>>
      %dma_start3A_26 = arith.constant 0 : i32
      %dma_start3A_27 = tpu.memref_slice %arg13[%mul3A_18, %dma_start3A_26] : memref<10112x128xf32, #tpu.memory_space<vmem_shared>> -> memref<632x128xf32, #tpu.memory_space<vmem_shared>>
      tpu.enqueue_dma source(%dma_start3A_27 : memref<632x128xf32, #tpu.memory_space<vmem_shared>>) target(%dma_start3A_25 : memref<632x128xf32, #tpu.memory_space<hbm>>) target_semaphore(%run_scoped3A : memref<!tpu.dma_semaphore, #tpu.memory_space<semaphore_mem>>)
      %dma_wait3A_28 = arith.constant 0 : i32
      %dma_wait3A_29 = tpu.memref_slice %arg6[%add3A_23, %dma_wait3A_28] : memref<20224x128xf32, #tpu.memory_space<hbm>> -> memref<632x128xf32, #tpu.memory_space<hbm>>
      %dma_wait3A_30 = arith.constant 0 : i32
      %dma_wait3A_31 = tpu.memref_slice %arg13[%mul3A_18, %dma_wait3A_30] : memref<10112x128xf32, #tpu.memory_space<vmem_shared>> -> memref<632x128xf32, #tpu.memory_space<vmem_shared>>
      tpu.wait_dma2 semaphore(%run_scoped3A : memref<!tpu.dma_semaphore, #tpu.memory_space<semaphore_mem>>) src(%dma_wait3A_31 : memref<632x128xf32, #tpu.memory_space<vmem_shared>>) dst(%dma_wait3A_29 : memref<632x128xf32, #tpu.memory_space<hbm>>)
      tpu.yield
    }) : () -> ()
    return
  }
}

#map = affine_map<(d0, d1) -> (0)>
module attributes {stable_mosaic.version = 14 : i64} {
  func.func @a0(%arg0: i32, %arg1: i32, %arg2: memref<320000xi32, #tpu.memory_space<hbm>>, %arg3: memref<320000xf32, #tpu.memory_space<hbm>>, %arg4: memref<10000xf32, #tpu.memory_space<hbm>>, %arg5: memref<320000xf32, #tpu.memory_space<hbm>>, %arg6: memref<400xi32, #tpu.memory_space<vmem>>, %arg7: memref<400xf32, #tpu.memory_space<vmem>>, %arg8: memref<400xf32, #tpu.memory_space<vmem>>, %arg9: memref<10000xf32, #tpu.memory_space<vmem>>) attributes {dimension_semantics = [#tpu.dimension_semantics<core_parallel>, #tpu.dimension_semantics<subcore_parallel>], iteration_bounds = array<i64: 2, 16>, scalar_prefetch = 0 : i64, scratch_operands = 4 : i64, tpu.core_type = #tpu.core_type<sc_vector_subcore>, window_params = [{transform_indices = #map}, {transform_indices = #map}, {transform_indices = #map}, {transform_indices = #map}]} {
    %mul3A = arith.constant 2 : i32
    %mul3A_0 = arith.muli %arg1, %mul3A : i32
    %add3A = arith.addi %mul3A_0, %arg0 : i32
    "tpu.region"() ({
      %run_scoped3A = tpu.sem_alloc : memref<!tpu.dma_semaphore, #tpu.memory_space<semaphore_mem>>
      tpu.enqueue_dma source(%arg4 : memref<10000xf32, #tpu.memory_space<hbm>>) target(%arg9 : memref<10000xf32, #tpu.memory_space<vmem>>) target_semaphore(%run_scoped3A : memref<!tpu.dma_semaphore, #tpu.memory_space<semaphore_mem>>)
      tpu.wait_dma2 semaphore(%run_scoped3A : memref<!tpu.dma_semaphore, #tpu.memory_space<semaphore_mem>>) src(%arg4 : memref<10000xf32, #tpu.memory_space<hbm>>) dst(%arg9 : memref<10000xf32, #tpu.memory_space<vmem>>)
      tpu.yield
    }) : () -> ()
    %mul3A_1 = arith.constant 10000 : i32
    %mul3A_2 = arith.muli %add3A, %mul3A_1 : i32
    %scan3A = arith.constant 0 : i32
    %scan3A_3 = arith.constant 0 : i32
    %scan3A_4 = arith.constant 25 : i32
    %scan3A_5 = arith.addi %scan3A_3, %scan3A_4 : i32
    %scan3A_6 = arith.constant 1 : i32
    scf.for %scan3A_8 = %scan3A_3 to %scan3A_5 step %scan3A_6  : i32 {
      %mul3A_9 = arith.constant 400 : i32
      %mul3A_10 = arith.muli %scan3A_8, %mul3A_9 : i32
      %add3A_11 = arith.addi %mul3A_2, %mul3A_10 : i32
      "tpu.region"() ({
        %run_scoped3A = tpu.sem_alloc : memref<!tpu.dma_semaphore, #tpu.memory_space<semaphore_mem>>
        %dma_start3A = tpu.memref_slice %arg2[%add3A_11] : memref<320000xi32, #tpu.memory_space<hbm>> -> memref<400xi32, #tpu.memory_space<hbm>>
        %dma_start3A_208 = tpu.memref_slice %arg2[%add3A_11] : memref<320000xi32, #tpu.memory_space<hbm>> -> memref<400xi32, #tpu.memory_space<hbm>>
        tpu.enqueue_dma source(%dma_start3A_208 : memref<400xi32, #tpu.memory_space<hbm>>) target(%arg6 : memref<400xi32, #tpu.memory_space<vmem>>) target_semaphore(%run_scoped3A : memref<!tpu.dma_semaphore, #tpu.memory_space<semaphore_mem>>)
        %dma_wait3A = tpu.memref_slice %arg2[%add3A_11] : memref<320000xi32, #tpu.memory_space<hbm>> -> memref<400xi32, #tpu.memory_space<hbm>>
        %dma_wait3A_209 = tpu.memref_slice %arg2[%add3A_11] : memref<320000xi32, #tpu.memory_space<hbm>> -> memref<400xi32, #tpu.memory_space<hbm>>
        tpu.wait_dma2 semaphore(%run_scoped3A : memref<!tpu.dma_semaphore, #tpu.memory_space<semaphore_mem>>) src(%dma_wait3A_209 : memref<400xi32, #tpu.memory_space<hbm>>) dst(%arg6 : memref<400xi32, #tpu.memory_space<vmem>>)
        tpu.yield
      }) : () -> ()
      "tpu.region"() ({
        %run_scoped3A = tpu.sem_alloc : memref<!tpu.dma_semaphore, #tpu.memory_space<semaphore_mem>>
        %dma_start3A = tpu.memref_slice %arg3[%add3A_11] : memref<320000xf32, #tpu.memory_space<hbm>> -> memref<400xf32, #tpu.memory_space<hbm>>
        %dma_start3A_208 = tpu.memref_slice %arg3[%add3A_11] : memref<320000xf32, #tpu.memory_space<hbm>> -> memref<400xf32, #tpu.memory_space<hbm>>
        tpu.enqueue_dma source(%dma_start3A_208 : memref<400xf32, #tpu.memory_space<hbm>>) target(%arg7 : memref<400xf32, #tpu.memory_space<vmem>>) target_semaphore(%run_scoped3A : memref<!tpu.dma_semaphore, #tpu.memory_space<semaphore_mem>>)
        %dma_wait3A = tpu.memref_slice %arg3[%add3A_11] : memref<320000xf32, #tpu.memory_space<hbm>> -> memref<400xf32, #tpu.memory_space<hbm>>
        %dma_wait3A_209 = tpu.memref_slice %arg3[%add3A_11] : memref<320000xf32, #tpu.memory_space<hbm>> -> memref<400xf32, #tpu.memory_space<hbm>>
        tpu.wait_dma2 semaphore(%run_scoped3A : memref<!tpu.dma_semaphore, #tpu.memory_space<semaphore_mem>>) src(%dma_wait3A_209 : memref<400xf32, #tpu.memory_space<hbm>>) dst(%arg7 : memref<400xf32, #tpu.memory_space<vmem>>)
        tpu.yield
      }) : () -> ()
      %get3A = arith.constant 0 : index
      %get3A_12 = tpu.vector_load %arg6[%get3A] {strides = array<i32>} : memref<400xi32, #tpu.memory_space<vmem>>, vector<16xi32>,
      %gather3A = tpu.vector_load_idx %arg9[%get3A_12] : memref<10000xf32, #tpu.memory_space<vmem>>[vector<16xi32>], vector<16xf32>,
      %get3A_13 = arith.constant 0 : index
      %get3A_14 = tpu.vector_load %arg7[%get3A_13] {strides = array<i32>} : memref<400xf32, #tpu.memory_space<vmem>>, vector<16xf32>,
      %sub3A = arith.subf %get3A_14, %gather3A : vector<16xf32>
      %swap3A = arith.constant 0 : index
      %swap3A_15 = tpu.vector_load %arg8[%swap3A] {strides = array<i32>} : memref<400xf32, #tpu.memory_space<vmem>>, vector<16xf32>,
      tpu.vector_store %arg8[%swap3A], %sub3A {strides = array<i32>} : memref<400xf32, #tpu.memory_space<vmem>>, vector<16xf32>,
      %get3A_16 = arith.constant 16 : index
      %get3A_17 = tpu.vector_load %arg6[%get3A_16] {strides = array<i32>} : memref<400xi32, #tpu.memory_space<vmem>>, vector<16xi32>,
      %gather3A_18 = tpu.vector_load_idx %arg9[%get3A_17] : memref<10000xf32, #tpu.memory_space<vmem>>[vector<16xi32>], vector<16xf32>,
      %get3A_19 = arith.constant 16 : index
      %get3A_20 = tpu.vector_load %arg7[%get3A_19] {strides = array<i32>} : memref<400xf32, #tpu.memory_space<vmem>>, vector<16xf32>,
      %sub3A_21 = arith.subf %get3A_20, %gather3A_18 : vector<16xf32>
      %swap3A_22 = arith.constant 16 : index
      %swap3A_23 = tpu.vector_load %arg8[%swap3A_22] {strides = array<i32>} : memref<400xf32, #tpu.memory_space<vmem>>, vector<16xf32>,
      tpu.vector_store %arg8[%swap3A_22], %sub3A_21 {strides = array<i32>} : memref<400xf32, #tpu.memory_space<vmem>>, vector<16xf32>,
      %get3A_24 = arith.constant 32 : index
      %get3A_25 = tpu.vector_load %arg6[%get3A_24] {strides = array<i32>} : memref<400xi32, #tpu.memory_space<vmem>>, vector<16xi32>,
      %gather3A_26 = tpu.vector_load_idx %arg9[%get3A_25] : memref<10000xf32, #tpu.memory_space<vmem>>[vector<16xi32>], vector<16xf32>,
      %get3A_27 = arith.constant 32 : index
      %get3A_28 = tpu.vector_load %arg7[%get3A_27] {strides = array<i32>} : memref<400xf32, #tpu.memory_space<vmem>>, vector<16xf32>,
      %sub3A_29 = arith.subf %get3A_28, %gather3A_26 : vector<16xf32>
      %swap3A_30 = arith.constant 32 : index
      %swap3A_31 = tpu.vector_load %arg8[%swap3A_30] {strides = array<i32>} : memref<400xf32, #tpu.memory_space<vmem>>, vector<16xf32>,
      tpu.vector_store %arg8[%swap3A_30], %sub3A_29 {strides = array<i32>} : memref<400xf32, #tpu.memory_space<vmem>>, vector<16xf32>,
      %get3A_32 = arith.constant 48 : index
      %get3A_33 = tpu.vector_load %arg6[%get3A_32] {strides = array<i32>} : memref<400xi32, #tpu.memory_space<vmem>>, vector<16xi32>,
      %gather3A_34 = tpu.vector_load_idx %arg9[%get3A_33] : memref<10000xf32, #tpu.memory_space<vmem>>[vector<16xi32>], vector<16xf32>,
      %get3A_35 = arith.constant 48 : index
      %get3A_36 = tpu.vector_load %arg7[%get3A_35] {strides = array<i32>} : memref<400xf32, #tpu.memory_space<vmem>>, vector<16xf32>,
      %sub3A_37 = arith.subf %get3A_36, %gather3A_34 : vector<16xf32>
      %swap3A_38 = arith.constant 48 : index
      %swap3A_39 = tpu.vector_load %arg8[%swap3A_38] {strides = array<i32>} : memref<400xf32, #tpu.memory_space<vmem>>, vector<16xf32>,
      tpu.vector_store %arg8[%swap3A_38], %sub3A_37 {strides = array<i32>} : memref<400xf32, #tpu.memory_space<vmem>>, vector<16xf32>,
      %get3A_40 = arith.constant 64 : index
      %get3A_41 = tpu.vector_load %arg6[%get3A_40] {strides = array<i32>} : memref<400xi32, #tpu.memory_space<vmem>>, vector<16xi32>,
      %gather3A_42 = tpu.vector_load_idx %arg9[%get3A_41] : memref<10000xf32, #tpu.memory_space<vmem>>[vector<16xi32>], vector<16xf32>,
      %get3A_43 = arith.constant 64 : index
      %get3A_44 = tpu.vector_load %arg7[%get3A_43] {strides = array<i32>} : memref<400xf32, #tpu.memory_space<vmem>>, vector<16xf32>,
      %sub3A_45 = arith.subf %get3A_44, %gather3A_42 : vector<16xf32>
      %swap3A_46 = arith.constant 64 : index
      %swap3A_47 = tpu.vector_load %arg8[%swap3A_46] {strides = array<i32>} : memref<400xf32, #tpu.memory_space<vmem>>, vector<16xf32>,
      tpu.vector_store %arg8[%swap3A_46], %sub3A_45 {strides = array<i32>} : memref<400xf32, #tpu.memory_space<vmem>>, vector<16xf32>,
      %get3A_48 = arith.constant 80 : index
      %get3A_49 = tpu.vector_load %arg6[%get3A_48] {strides = array<i32>} : memref<400xi32, #tpu.memory_space<vmem>>, vector<16xi32>,
      %gather3A_50 = tpu.vector_load_idx %arg9[%get3A_49] : memref<10000xf32, #tpu.memory_space<vmem>>[vector<16xi32>], vector<16xf32>,
      %get3A_51 = arith.constant 80 : index
      %get3A_52 = tpu.vector_load %arg7[%get3A_51] {strides = array<i32>} : memref<400xf32, #tpu.memory_space<vmem>>, vector<16xf32>,
      %sub3A_53 = arith.subf %get3A_52, %gather3A_50 : vector<16xf32>
      %swap3A_54 = arith.constant 80 : index
      %swap3A_55 = tpu.vector_load %arg8[%swap3A_54] {strides = array<i32>} : memref<400xf32, #tpu.memory_space<vmem>>, vector<16xf32>,
      tpu.vector_store %arg8[%swap3A_54], %sub3A_53 {strides = array<i32>} : memref<400xf32, #tpu.memory_space<vmem>>, vector<16xf32>,
      %get3A_56 = arith.constant 96 : index
      %get3A_57 = tpu.vector_load %arg6[%get3A_56] {strides = array<i32>} : memref<400xi32, #tpu.memory_space<vmem>>, vector<16xi32>,
      %gather3A_58 = tpu.vector_load_idx %arg9[%get3A_57] : memref<10000xf32, #tpu.memory_space<vmem>>[vector<16xi32>], vector<16xf32>,
      %get3A_59 = arith.constant 96 : index
      %get3A_60 = tpu.vector_load %arg7[%get3A_59] {strides = array<i32>} : memref<400xf32, #tpu.memory_space<vmem>>, vector<16xf32>,
      %sub3A_61 = arith.subf %get3A_60, %gather3A_58 : vector<16xf32>
      %swap3A_62 = arith.constant 96 : index
      %swap3A_63 = tpu.vector_load %arg8[%swap3A_62] {strides = array<i32>} : memref<400xf32, #tpu.memory_space<vmem>>, vector<16xf32>,
      tpu.vector_store %arg8[%swap3A_62], %sub3A_61 {strides = array<i32>} : memref<400xf32, #tpu.memory_space<vmem>>, vector<16xf32>,
      %get3A_64 = arith.constant 112 : index
      %get3A_65 = tpu.vector_load %arg6[%get3A_64] {strides = array<i32>} : memref<400xi32, #tpu.memory_space<vmem>>, vector<16xi32>,
      %gather3A_66 = tpu.vector_load_idx %arg9[%get3A_65] : memref<10000xf32, #tpu.memory_space<vmem>>[vector<16xi32>], vector<16xf32>,
      %get3A_67 = arith.constant 112 : index
      %get3A_68 = tpu.vector_load %arg7[%get3A_67] {strides = array<i32>} : memref<400xf32, #tpu.memory_space<vmem>>, vector<16xf32>,
      %sub3A_69 = arith.subf %get3A_68, %gather3A_66 : vector<16xf32>
      %swap3A_70 = arith.constant 112 : index
      %swap3A_71 = tpu.vector_load %arg8[%swap3A_70] {strides = array<i32>} : memref<400xf32, #tpu.memory_space<vmem>>, vector<16xf32>,
      tpu.vector_store %arg8[%swap3A_70], %sub3A_69 {strides = array<i32>} : memref<400xf32, #tpu.memory_space<vmem>>, vector<16xf32>,
      %get3A_72 = arith.constant 128 : index
      %get3A_73 = tpu.vector_load %arg6[%get3A_72] {strides = array<i32>} : memref<400xi32, #tpu.memory_space<vmem>>, vector<16xi32>,
      %gather3A_74 = tpu.vector_load_idx %arg9[%get3A_73] : memref<10000xf32, #tpu.memory_space<vmem>>[vector<16xi32>], vector<16xf32>,
      %get3A_75 = arith.constant 128 : index
      %get3A_76 = tpu.vector_load %arg7[%get3A_75] {strides = array<i32>} : memref<400xf32, #tpu.memory_space<vmem>>, vector<16xf32>,
      %sub3A_77 = arith.subf %get3A_76, %gather3A_74 : vector<16xf32>
      %swap3A_78 = arith.constant 128 : index
      %swap3A_79 = tpu.vector_load %arg8[%swap3A_78] {strides = array<i32>} : memref<400xf32, #tpu.memory_space<vmem>>, vector<16xf32>,
      tpu.vector_store %arg8[%swap3A_78], %sub3A_77 {strides = array<i32>} : memref<400xf32, #tpu.memory_space<vmem>>, vector<16xf32>,
      %get3A_80 = arith.constant 144 : index
      %get3A_81 = tpu.vector_load %arg6[%get3A_80] {strides = array<i32>} : memref<400xi32, #tpu.memory_space<vmem>>, vector<16xi32>,
      %gather3A_82 = tpu.vector_load_idx %arg9[%get3A_81] : memref<10000xf32, #tpu.memory_space<vmem>>[vector<16xi32>], vector<16xf32>,
      %get3A_83 = arith.constant 144 : index
      %get3A_84 = tpu.vector_load %arg7[%get3A_83] {strides = array<i32>} : memref<400xf32, #tpu.memory_space<vmem>>, vector<16xf32>,
      %sub3A_85 = arith.subf %get3A_84, %gather3A_82 : vector<16xf32>
      %swap3A_86 = arith.constant 144 : index
      %swap3A_87 = tpu.vector_load %arg8[%swap3A_86] {strides = array<i32>} : memref<400xf32, #tpu.memory_space<vmem>>, vector<16xf32>,
      tpu.vector_store %arg8[%swap3A_86], %sub3A_85 {strides = array<i32>} : memref<400xf32, #tpu.memory_space<vmem>>, vector<16xf32>,
      %get3A_88 = arith.constant 160 : index
      %get3A_89 = tpu.vector_load %arg6[%get3A_88] {strides = array<i32>} : memref<400xi32, #tpu.memory_space<vmem>>, vector<16xi32>,
      %gather3A_90 = tpu.vector_load_idx %arg9[%get3A_89] : memref<10000xf32, #tpu.memory_space<vmem>>[vector<16xi32>], vector<16xf32>,
      %get3A_91 = arith.constant 160 : index
      %get3A_92 = tpu.vector_load %arg7[%get3A_91] {strides = array<i32>} : memref<400xf32, #tpu.memory_space<vmem>>, vector<16xf32>,
      %sub3A_93 = arith.subf %get3A_92, %gather3A_90 : vector<16xf32>
      %swap3A_94 = arith.constant 160 : index
      %swap3A_95 = tpu.vector_load %arg8[%swap3A_94] {strides = array<i32>} : memref<400xf32, #tpu.memory_space<vmem>>, vector<16xf32>,
      tpu.vector_store %arg8[%swap3A_94], %sub3A_93 {strides = array<i32>} : memref<400xf32, #tpu.memory_space<vmem>>, vector<16xf32>,
      %get3A_96 = arith.constant 176 : index
      %get3A_97 = tpu.vector_load %arg6[%get3A_96] {strides = array<i32>} : memref<400xi32, #tpu.memory_space<vmem>>, vector<16xi32>,
      %gather3A_98 = tpu.vector_load_idx %arg9[%get3A_97] : memref<10000xf32, #tpu.memory_space<vmem>>[vector<16xi32>], vector<16xf32>,
      %get3A_99 = arith.constant 176 : index
      %get3A_100 = tpu.vector_load %arg7[%get3A_99] {strides = array<i32>} : memref<400xf32, #tpu.memory_space<vmem>>, vector<16xf32>,
      %sub3A_101 = arith.subf %get3A_100, %gather3A_98 : vector<16xf32>
      %swap3A_102 = arith.constant 176 : index
      %swap3A_103 = tpu.vector_load %arg8[%swap3A_102] {strides = array<i32>} : memref<400xf32, #tpu.memory_space<vmem>>, vector<16xf32>,
      tpu.vector_store %arg8[%swap3A_102], %sub3A_101 {strides = array<i32>} : memref<400xf32, #tpu.memory_space<vmem>>, vector<16xf32>,
      %get3A_104 = arith.constant 192 : index
      %get3A_105 = tpu.vector_load %arg6[%get3A_104] {strides = array<i32>} : memref<400xi32, #tpu.memory_space<vmem>>, vector<16xi32>,
      %gather3A_106 = tpu.vector_load_idx %arg9[%get3A_105] : memref<10000xf32, #tpu.memory_space<vmem>>[vector<16xi32>], vector<16xf32>,
      %get3A_107 = arith.constant 192 : index
      %get3A_108 = tpu.vector_load %arg7[%get3A_107] {strides = array<i32>} : memref<400xf32, #tpu.memory_space<vmem>>, vector<16xf32>,
      %sub3A_109 = arith.subf %get3A_108, %gather3A_106 : vector<16xf32>
      %swap3A_110 = arith.constant 192 : index
      %swap3A_111 = tpu.vector_load %arg8[%swap3A_110] {strides = array<i32>} : memref<400xf32, #tpu.memory_space<vmem>>, vector<16xf32>,
      tpu.vector_store %arg8[%swap3A_110], %sub3A_109 {strides = array<i32>} : memref<400xf32, #tpu.memory_space<vmem>>, vector<16xf32>,
      %get3A_112 = arith.constant 208 : index
      %get3A_113 = tpu.vector_load %arg6[%get3A_112] {strides = array<i32>} : memref<400xi32, #tpu.memory_space<vmem>>, vector<16xi32>,
      %gather3A_114 = tpu.vector_load_idx %arg9[%get3A_113] : memref<10000xf32, #tpu.memory_space<vmem>>[vector<16xi32>], vector<16xf32>,
      %get3A_115 = arith.constant 208 : index
      %get3A_116 = tpu.vector_load %arg7[%get3A_115] {strides = array<i32>} : memref<400xf32, #tpu.memory_space<vmem>>, vector<16xf32>,
      %sub3A_117 = arith.subf %get3A_116, %gather3A_114 : vector<16xf32>
      %swap3A_118 = arith.constant 208 : index
      %swap3A_119 = tpu.vector_load %arg8[%swap3A_118] {strides = array<i32>} : memref<400xf32, #tpu.memory_space<vmem>>, vector<16xf32>,
      tpu.vector_store %arg8[%swap3A_118], %sub3A_117 {strides = array<i32>} : memref<400xf32, #tpu.memory_space<vmem>>, vector<16xf32>,
      %get3A_120 = arith.constant 224 : index
      %get3A_121 = tpu.vector_load %arg6[%get3A_120] {strides = array<i32>} : memref<400xi32, #tpu.memory_space<vmem>>, vector<16xi32>,
      %gather3A_122 = tpu.vector_load_idx %arg9[%get3A_121] : memref<10000xf32, #tpu.memory_space<vmem>>[vector<16xi32>], vector<16xf32>,
      %get3A_123 = arith.constant 224 : index
      %get3A_124 = tpu.vector_load %arg7[%get3A_123] {strides = array<i32>} : memref<400xf32, #tpu.memory_space<vmem>>, vector<16xf32>,
      %sub3A_125 = arith.subf %get3A_124, %gather3A_122 : vector<16xf32>
      %swap3A_126 = arith.constant 224 : index
      %swap3A_127 = tpu.vector_load %arg8[%swap3A_126] {strides = array<i32>} : memref<400xf32, #tpu.memory_space<vmem>>, vector<16xf32>,
      tpu.vector_store %arg8[%swap3A_126], %sub3A_125 {strides = array<i32>} : memref<400xf32, #tpu.memory_space<vmem>>, vector<16xf32>,
      %get3A_128 = arith.constant 240 : index
      %get3A_129 = tpu.vector_load %arg6[%get3A_128] {strides = array<i32>} : memref<400xi32, #tpu.memory_space<vmem>>, vector<16xi32>,
      %gather3A_130 = tpu.vector_load_idx %arg9[%get3A_129] : memref<10000xf32, #tpu.memory_space<vmem>>[vector<16xi32>], vector<16xf32>,
      %get3A_131 = arith.constant 240 : index
      %get3A_132 = tpu.vector_load %arg7[%get3A_131] {strides = array<i32>} : memref<400xf32, #tpu.memory_space<vmem>>, vector<16xf32>,
      %sub3A_133 = arith.subf %get3A_132, %gather3A_130 : vector<16xf32>
      %swap3A_134 = arith.constant 240 : index
      %swap3A_135 = tpu.vector_load %arg8[%swap3A_134] {strides = array<i32>} : memref<400xf32, #tpu.memory_space<vmem>>, vector<16xf32>,
      tpu.vector_store %arg8[%swap3A_134], %sub3A_133 {strides = array<i32>} : memref<400xf32, #tpu.memory_space<vmem>>, vector<16xf32>,
      %get3A_136 = arith.constant 256 : index
      %get3A_137 = tpu.vector_load %arg6[%get3A_136] {strides = array<i32>} : memref<400xi32, #tpu.memory_space<vmem>>, vector<16xi32>,
      %gather3A_138 = tpu.vector_load_idx %arg9[%get3A_137] : memref<10000xf32, #tpu.memory_space<vmem>>[vector<16xi32>], vector<16xf32>,
      %get3A_139 = arith.constant 256 : index
      %get3A_140 = tpu.vector_load %arg7[%get3A_139] {strides = array<i32>} : memref<400xf32, #tpu.memory_space<vmem>>, vector<16xf32>,
      %sub3A_141 = arith.subf %get3A_140, %gather3A_138 : vector<16xf32>
      %swap3A_142 = arith.constant 256 : index
      %swap3A_143 = tpu.vector_load %arg8[%swap3A_142] {strides = array<i32>} : memref<400xf32, #tpu.memory_space<vmem>>, vector<16xf32>,
      tpu.vector_store %arg8[%swap3A_142], %sub3A_141 {strides = array<i32>} : memref<400xf32, #tpu.memory_space<vmem>>, vector<16xf32>,
      %get3A_144 = arith.constant 272 : index
      %get3A_145 = tpu.vector_load %arg6[%get3A_144] {strides = array<i32>} : memref<400xi32, #tpu.memory_space<vmem>>, vector<16xi32>,
      %gather3A_146 = tpu.vector_load_idx %arg9[%get3A_145] : memref<10000xf32, #tpu.memory_space<vmem>>[vector<16xi32>], vector<16xf32>,
      %get3A_147 = arith.constant 272 : index
      %get3A_148 = tpu.vector_load %arg7[%get3A_147] {strides = array<i32>} : memref<400xf32, #tpu.memory_space<vmem>>, vector<16xf32>,
      %sub3A_149 = arith.subf %get3A_148, %gather3A_146 : vector<16xf32>
      %swap3A_150 = arith.constant 272 : index
      %swap3A_151 = tpu.vector_load %arg8[%swap3A_150] {strides = array<i32>} : memref<400xf32, #tpu.memory_space<vmem>>, vector<16xf32>,
      tpu.vector_store %arg8[%swap3A_150], %sub3A_149 {strides = array<i32>} : memref<400xf32, #tpu.memory_space<vmem>>, vector<16xf32>,
      %get3A_152 = arith.constant 288 : index
      %get3A_153 = tpu.vector_load %arg6[%get3A_152] {strides = array<i32>} : memref<400xi32, #tpu.memory_space<vmem>>, vector<16xi32>,
      %gather3A_154 = tpu.vector_load_idx %arg9[%get3A_153] : memref<10000xf32, #tpu.memory_space<vmem>>[vector<16xi32>], vector<16xf32>,
      %get3A_155 = arith.constant 288 : index
      %get3A_156 = tpu.vector_load %arg7[%get3A_155] {strides = array<i32>} : memref<400xf32, #tpu.memory_space<vmem>>, vector<16xf32>,
      %sub3A_157 = arith.subf %get3A_156, %gather3A_154 : vector<16xf32>
      %swap3A_158 = arith.constant 288 : index
      %swap3A_159 = tpu.vector_load %arg8[%swap3A_158] {strides = array<i32>} : memref<400xf32, #tpu.memory_space<vmem>>, vector<16xf32>,
      tpu.vector_store %arg8[%swap3A_158], %sub3A_157 {strides = array<i32>} : memref<400xf32, #tpu.memory_space<vmem>>, vector<16xf32>,
      %get3A_160 = arith.constant 304 : index
      %get3A_161 = tpu.vector_load %arg6[%get3A_160] {strides = array<i32>} : memref<400xi32, #tpu.memory_space<vmem>>, vector<16xi32>,
      %gather3A_162 = tpu.vector_load_idx %arg9[%get3A_161] : memref<10000xf32, #tpu.memory_space<vmem>>[vector<16xi32>], vector<16xf32>,
      %get3A_163 = arith.constant 304 : index
      %get3A_164 = tpu.vector_load %arg7[%get3A_163] {strides = array<i32>} : memref<400xf32, #tpu.memory_space<vmem>>, vector<16xf32>,
      %sub3A_165 = arith.subf %get3A_164, %gather3A_162 : vector<16xf32>
      %swap3A_166 = arith.constant 304 : index
      %swap3A_167 = tpu.vector_load %arg8[%swap3A_166] {strides = array<i32>} : memref<400xf32, #tpu.memory_space<vmem>>, vector<16xf32>,
      tpu.vector_store %arg8[%swap3A_166], %sub3A_165 {strides = array<i32>} : memref<400xf32, #tpu.memory_space<vmem>>, vector<16xf32>,
      %get3A_168 = arith.constant 320 : index
      %get3A_169 = tpu.vector_load %arg6[%get3A_168] {strides = array<i32>} : memref<400xi32, #tpu.memory_space<vmem>>, vector<16xi32>,
      %gather3A_170 = tpu.vector_load_idx %arg9[%get3A_169] : memref<10000xf32, #tpu.memory_space<vmem>>[vector<16xi32>], vector<16xf32>,
      %get3A_171 = arith.constant 320 : index
      %get3A_172 = tpu.vector_load %arg7[%get3A_171] {strides = array<i32>} : memref<400xf32, #tpu.memory_space<vmem>>, vector<16xf32>,
      %sub3A_173 = arith.subf %get3A_172, %gather3A_170 : vector<16xf32>
      %swap3A_174 = arith.constant 320 : index
      %swap3A_175 = tpu.vector_load %arg8[%swap3A_174] {strides = array<i32>} : memref<400xf32, #tpu.memory_space<vmem>>, vector<16xf32>,
      tpu.vector_store %arg8[%swap3A_174], %sub3A_173 {strides = array<i32>} : memref<400xf32, #tpu.memory_space<vmem>>, vector<16xf32>,
      %get3A_176 = arith.constant 336 : index
      %get3A_177 = tpu.vector_load %arg6[%get3A_176] {strides = array<i32>} : memref<400xi32, #tpu.memory_space<vmem>>, vector<16xi32>,
      %gather3A_178 = tpu.vector_load_idx %arg9[%get3A_177] : memref<10000xf32, #tpu.memory_space<vmem>>[vector<16xi32>], vector<16xf32>,
      %get3A_179 = arith.constant 336 : index
      %get3A_180 = tpu.vector_load %arg7[%get3A_179] {strides = array<i32>} : memref<400xf32, #tpu.memory_space<vmem>>, vector<16xf32>,
      %sub3A_181 = arith.subf %get3A_180, %gather3A_178 : vector<16xf32>
      %swap3A_182 = arith.constant 336 : index
      %swap3A_183 = tpu.vector_load %arg8[%swap3A_182] {strides = array<i32>} : memref<400xf32, #tpu.memory_space<vmem>>, vector<16xf32>,
      tpu.vector_store %arg8[%swap3A_182], %sub3A_181 {strides = array<i32>} : memref<400xf32, #tpu.memory_space<vmem>>, vector<16xf32>,
      %get3A_184 = arith.constant 352 : index
      %get3A_185 = tpu.vector_load %arg6[%get3A_184] {strides = array<i32>} : memref<400xi32, #tpu.memory_space<vmem>>, vector<16xi32>,
      %gather3A_186 = tpu.vector_load_idx %arg9[%get3A_185] : memref<10000xf32, #tpu.memory_space<vmem>>[vector<16xi32>], vector<16xf32>,
      %get3A_187 = arith.constant 352 : index
      %get3A_188 = tpu.vector_load %arg7[%get3A_187] {strides = array<i32>} : memref<400xf32, #tpu.memory_space<vmem>>, vector<16xf32>,
      %sub3A_189 = arith.subf %get3A_188, %gather3A_186 : vector<16xf32>
      %swap3A_190 = arith.constant 352 : index
      %swap3A_191 = tpu.vector_load %arg8[%swap3A_190] {strides = array<i32>} : memref<400xf32, #tpu.memory_space<vmem>>, vector<16xf32>,
      tpu.vector_store %arg8[%swap3A_190], %sub3A_189 {strides = array<i32>} : memref<400xf32, #tpu.memory_space<vmem>>, vector<16xf32>,
      %get3A_192 = arith.constant 368 : index
      %get3A_193 = tpu.vector_load %arg6[%get3A_192] {strides = array<i32>} : memref<400xi32, #tpu.memory_space<vmem>>, vector<16xi32>,
      %gather3A_194 = tpu.vector_load_idx %arg9[%get3A_193] : memref<10000xf32, #tpu.memory_space<vmem>>[vector<16xi32>], vector<16xf32>,
      %get3A_195 = arith.constant 368 : index
      %get3A_196 = tpu.vector_load %arg7[%get3A_195] {strides = array<i32>} : memref<400xf32, #tpu.memory_space<vmem>>, vector<16xf32>,
      %sub3A_197 = arith.subf %get3A_196, %gather3A_194 : vector<16xf32>
      %swap3A_198 = arith.constant 368 : index
      %swap3A_199 = tpu.vector_load %arg8[%swap3A_198] {strides = array<i32>} : memref<400xf32, #tpu.memory_space<vmem>>, vector<16xf32>,
      tpu.vector_store %arg8[%swap3A_198], %sub3A_197 {strides = array<i32>} : memref<400xf32, #tpu.memory_space<vmem>>, vector<16xf32>,
      %get3A_200 = arith.constant 384 : index
      %get3A_201 = tpu.vector_load %arg6[%get3A_200] {strides = array<i32>} : memref<400xi32, #tpu.memory_space<vmem>>, vector<16xi32>,
      %gather3A_202 = tpu.vector_load_idx %arg9[%get3A_201] : memref<10000xf32, #tpu.memory_space<vmem>>[vector<16xi32>], vector<16xf32>,
      %get3A_203 = arith.constant 384 : index
      %get3A_204 = tpu.vector_load %arg7[%get3A_203] {strides = array<i32>} : memref<400xf32, #tpu.memory_space<vmem>>, vector<16xf32>,
      %sub3A_205 = arith.subf %get3A_204, %gather3A_202 : vector<16xf32>
      %swap3A_206 = arith.constant 384 : index
      %swap3A_207 = tpu.vector_load %arg8[%swap3A_206] {strides = array<i32>} : memref<400xf32, #tpu.memory_space<vmem>>, vector<16xf32>,
      tpu.vector_store %arg8[%swap3A_206], %sub3A_205 {strides = array<i32>} : memref<400xf32, #tpu.memory_space<vmem>>, vector<16xf32>,
      "tpu.region"() ({
        %run_scoped3A = tpu.sem_alloc : memref<!tpu.dma_semaphore, #tpu.memory_space<semaphore_mem>>
        %dma_start3A = tpu.memref_slice %arg5[%add3A_11] : memref<320000xf32, #tpu.memory_space<hbm>> -> memref<400xf32, #tpu.memory_space<hbm>>
        %dma_start3A_208 = tpu.memref_slice %arg5[%add3A_11] : memref<320000xf32, #tpu.memory_space<hbm>> -> memref<400xf32, #tpu.memory_space<hbm>>
        tpu.enqueue_dma source(%arg8 : memref<400xf32, #tpu.memory_space<vmem>>) target(%dma_start3A_208 : memref<400xf32, #tpu.memory_space<hbm>>) target_semaphore(%run_scoped3A : memref<!tpu.dma_semaphore, #tpu.memory_space<semaphore_mem>>)
        %dma_wait3A = tpu.memref_slice %arg5[%add3A_11] : memref<320000xf32, #tpu.memory_space<hbm>> -> memref<400xf32, #tpu.memory_space<hbm>>
        %dma_wait3A_209 = tpu.memref_slice %arg5[%add3A_11] : memref<320000xf32, #tpu.memory_space<hbm>> -> memref<400xf32, #tpu.memory_space<hbm>>
        tpu.wait_dma2 semaphore(%run_scoped3A : memref<!tpu.dma_semaphore, #tpu.memory_space<semaphore_mem>>) src(%arg8 : memref<400xf32, #tpu.memory_space<vmem>>) dst(%dma_wait3A_209 : memref<400xf32, #tpu.memory_space<hbm>>)
        tpu.yield
      }) : () -> ()
    }
    %scan3A_7 = arith.constant 25 : i32
    return
  }
}

#map = affine_map<(d0, d1) -> (0)>
#map1 = affine_map<(d0, d1) -> (0, 0)>
module attributes {stable_mosaic.version = 14 : i64} {
  func.func @a2(%arg0: i32, %arg1: i32, %arg2: memref<320000xi32, #tpu.memory_space<hbm>>, %arg3: memref<320000xi32, #tpu.memory_space<hbm>>, %arg4: memref<320000x128xf32, #tpu.memory_space<hbm>>, %arg5: memref<632x128xf32, #tpu.memory_space<hbm>>, %arg6: memref<80x128xf32, #tpu.memory_space<hbm>>, %arg7: memref<20224x128xf32, #tpu.memory_space<hbm>>, %arg8: memref<80xi32, #tpu.memory_space<vmem>>, %arg9: memref<80xi32, #tpu.memory_space<vmem>>, %arg10: memref<80x128xf32, #tpu.memory_space<vmem>>, %arg11: memref<80xi32, #tpu.memory_space<vmem>>, %arg12: memref<80xi32, #tpu.memory_space<vmem>>, %arg13: memref<80x128xf32, #tpu.memory_space<vmem>>, %arg14: memref<80x128xf32, #tpu.memory_space<vmem>>, %arg15: memref<10112x128xf32, #tpu.memory_space<vmem_shared>>, %arg16: memref<!tpu.dma_semaphore, #tpu.memory_space<semaphore_mem>>, %arg17: memref<!tpu.dma_semaphore, #tpu.memory_space<semaphore_mem>>) attributes {dimension_semantics = [#tpu.dimension_semantics<core_parallel>, #tpu.dimension_semantics<subcore_parallel>], iteration_bounds = array<i64: 2, 16>, scalar_prefetch = 0 : i64, scratch_operands = 10 : i64, tpu.core_type = #tpu.core_type<sc_vector_subcore>, window_params = [{transform_indices = #map}, {transform_indices = #map}, {transform_indices = #map1}, {transform_indices = #map1}, {transform_indices = #map1}, {transform_indices = #map1}]} {
    %mul3A = arith.constant 2 : i32
    %mul3A_0 = arith.muli %arg1, %mul3A : i32
    %add3A = arith.addi %mul3A_0, %arg0 : i32
    %mul3A_1 = arith.constant 632 : i32
    %mul3A_2 = arith.muli %arg1, %mul3A_1 : i32
    "tpu.region"() ({
      %run_scoped3A = tpu.sem_alloc : memref<!tpu.dma_semaphore, #tpu.memory_space<semaphore_mem>>
      %dma_start3A = arith.constant 0 : i32
      %dma_start3A_20 = tpu.memref_slice %arg15[%mul3A_2, %dma_start3A] : memref<10112x128xf32, #tpu.memory_space<vmem_shared>> -> memref<632x128xf32, #tpu.memory_space<vmem_shared>>
      tpu.enqueue_dma source(%arg5 : memref<632x128xf32, #tpu.memory_space<hbm>>) target(%dma_start3A_20 : memref<632x128xf32, #tpu.memory_space<vmem_shared>>) target_semaphore(%run_scoped3A : memref<!tpu.dma_semaphore, #tpu.memory_space<semaphore_mem>>)
      %dma_wait3A = arith.constant 0 : i32
      %dma_wait3A_21 = tpu.memref_slice %arg15[%mul3A_2, %dma_wait3A] : memref<10112x128xf32, #tpu.memory_space<vmem_shared>> -> memref<632x128xf32, #tpu.memory_space<vmem_shared>>
      tpu.wait_dma2 semaphore(%run_scoped3A : memref<!tpu.dma_semaphore, #tpu.memory_space<semaphore_mem>>) src(%arg5 : memref<632x128xf32, #tpu.memory_space<hbm>>) dst(%dma_wait3A_21 : memref<632x128xf32, #tpu.memory_space<vmem_shared>>)
      tpu.yield
    }) : () -> ()
    "tpu.region"() ({
      %run_scoped3A = tpu.sem_alloc : memref<!tpu.dma_semaphore, #tpu.memory_space<semaphore_mem>>
      tpu.enqueue_dma source(%arg6 : memref<80x128xf32, #tpu.memory_space<hbm>>) target(%arg14 : memref<80x128xf32, #tpu.memory_space<vmem>>) target_semaphore(%run_scoped3A : memref<!tpu.dma_semaphore, #tpu.memory_space<semaphore_mem>>)
      tpu.wait_dma2 semaphore(%run_scoped3A : memref<!tpu.dma_semaphore, #tpu.memory_space<semaphore_mem>>) src(%arg6 : memref<80x128xf32, #tpu.memory_space<hbm>>) dst(%arg14 : memref<80x128xf32, #tpu.memory_space<vmem>>)
      tpu.yield
    }) : () -> ()
    %barrier3A = arith.constant 0 : index
    tpu.barrier barrier_id(%barrier3A)
    %mul3A_3 = arith.constant 10000 : i32
    %mul3A_4 = arith.muli %add3A, %mul3A_3 : i32
    %scan3A = arith.constant 0 : i32
    %scan3A_5 = arith.constant 0 : i32
    %scan3A_6 = arith.constant 62 : i32
    %scan3A_7 = arith.addi %scan3A_5, %scan3A_6 : i32
    %scan3A_8 = arith.constant 1 : i32
    scf.for %scan3A_20 = %scan3A_5 to %scan3A_7 step %scan3A_8  : i32 {
      %mul3A_21 = arith.constant 2 : i32
      %mul3A_22 = arith.muli %mul3A_21, %scan3A_20 : i32
      %mul3A_23 = arith.constant 80 : i32
      %mul3A_24 = arith.muli %mul3A_22, %mul3A_23 : i32
      %add3A_25 = arith.addi %mul3A_4, %mul3A_24 : i32
      "tpu.region"() ({
        %run_scoped3A = tpu.sem_alloc : memref<!tpu.dma_semaphore, #tpu.memory_space<semaphore_mem>>
        %dma_start3A_46 = tpu.memref_slice %arg2[%add3A_25] : memref<320000xi32, #tpu.memory_space<hbm>> -> memref<80xi32, #tpu.memory_space<hbm>>
        %dma_start3A_47 = tpu.memref_slice %arg2[%add3A_25] : memref<320000xi32, #tpu.memory_space<hbm>> -> memref<80xi32, #tpu.memory_space<hbm>>
        tpu.enqueue_dma source(%dma_start3A_47 : memref<80xi32, #tpu.memory_space<hbm>>) target(%arg8 : memref<80xi32, #tpu.memory_space<vmem>>) target_semaphore(%run_scoped3A : memref<!tpu.dma_semaphore, #tpu.memory_space<semaphore_mem>>)
        %dma_wait3A_48 = tpu.memref_slice %arg2[%add3A_25] : memref<320000xi32, #tpu.memory_space<hbm>> -> memref<80xi32, #tpu.memory_space<hbm>>
        %dma_wait3A_49 = tpu.memref_slice %arg2[%add3A_25] : memref<320000xi32, #tpu.memory_space<hbm>> -> memref<80xi32, #tpu.memory_space<hbm>>
        tpu.wait_dma2 semaphore(%run_scoped3A : memref<!tpu.dma_semaphore, #tpu.memory_space<semaphore_mem>>) src(%dma_wait3A_49 : memref<80xi32, #tpu.memory_space<hbm>>) dst(%arg8 : memref<80xi32, #tpu.memory_space<vmem>>)
        tpu.yield
      }) : () -> ()
      "tpu.region"() ({
        %run_scoped3A = tpu.sem_alloc : memref<!tpu.dma_semaphore, #tpu.memory_space<semaphore_mem>>
        %dma_start3A_46 = tpu.memref_slice %arg3[%add3A_25] : memref<320000xi32, #tpu.memory_space<hbm>> -> memref<80xi32, #tpu.memory_space<hbm>>
        %dma_start3A_47 = tpu.memref_slice %arg3[%add3A_25] : memref<320000xi32, #tpu.memory_space<hbm>> -> memref<80xi32, #tpu.memory_space<hbm>>
        tpu.enqueue_dma source(%dma_start3A_47 : memref<80xi32, #tpu.memory_space<hbm>>) target(%arg9 : memref<80xi32, #tpu.memory_space<vmem>>) target_semaphore(%run_scoped3A : memref<!tpu.dma_semaphore, #tpu.memory_space<semaphore_mem>>)
        %dma_wait3A_48 = tpu.memref_slice %arg3[%add3A_25] : memref<320000xi32, #tpu.memory_space<hbm>> -> memref<80xi32, #tpu.memory_space<hbm>>
        %dma_wait3A_49 = tpu.memref_slice %arg3[%add3A_25] : memref<320000xi32, #tpu.memory_space<hbm>> -> memref<80xi32, #tpu.memory_space<hbm>>
        tpu.wait_dma2 semaphore(%run_scoped3A : memref<!tpu.dma_semaphore, #tpu.memory_space<semaphore_mem>>) src(%dma_wait3A_49 : memref<80xi32, #tpu.memory_space<hbm>>) dst(%arg9 : memref<80xi32, #tpu.memory_space<vmem>>)
        tpu.yield
      }) : () -> ()
      %dma_start3A = arith.constant 0 : i32
      %dma_start3A_26 = tpu.memref_slice %arg4[%add3A_25, %dma_start3A] : memref<320000x128xf32, #tpu.memory_space<hbm>> -> memref<80x128xf32, #tpu.memory_space<hbm>>
      %dma_start3A_27 = arith.constant 0 : i32
      %dma_start3A_28 = tpu.memref_slice %arg4[%add3A_25, %dma_start3A_27] : memref<320000x128xf32, #tpu.memory_space<hbm>> -> memref<80x128xf32, #tpu.memory_space<hbm>>
      tpu.enqueue_dma source(%dma_start3A_28 : memref<80x128xf32, #tpu.memory_space<hbm>>) target(%arg10 : memref<80x128xf32, #tpu.memory_space<vmem>>) target_semaphore(%arg16 : memref<!tpu.dma_semaphore, #tpu.memory_space<semaphore_mem>>)
      %add3A_29 = arith.constant 80 : i32
      %add3A_30 = arith.addi %add3A_25, %add3A_29 : i32
      "tpu.region"() ({
        %run_scoped3A = tpu.sem_alloc : memref<!tpu.dma_semaphore, #tpu.memory_space<semaphore_mem>>
        %dma_start3A_46 = tpu.memref_slice %arg2[%add3A_30] : memref<320000xi32, #tpu.memory_space<hbm>> -> memref<80xi32, #tpu.memory_space<hbm>>
        %dma_start3A_47 = tpu.memref_slice %arg2[%add3A_30] : memref<320000xi32, #tpu.memory_space<hbm>> -> memref<80xi32, #tpu.memory_space<hbm>>
        tpu.enqueue_dma source(%dma_start3A_47 : memref<80xi32, #tpu.memory_space<hbm>>) target(%arg11 : memref<80xi32, #tpu.memory_space<vmem>>) target_semaphore(%run_scoped3A : memref<!tpu.dma_semaphore, #tpu.memory_space<semaphore_mem>>)
        %dma_wait3A_48 = tpu.memref_slice %arg2[%add3A_30] : memref<320000xi32, #tpu.memory_space<hbm>> -> memref<80xi32, #tpu.memory_space<hbm>>
        %dma_wait3A_49 = tpu.memref_slice %arg2[%add3A_30] : memref<320000xi32, #tpu.memory_space<hbm>> -> memref<80xi32, #tpu.memory_space<hbm>>
        tpu.wait_dma2 semaphore(%run_scoped3A : memref<!tpu.dma_semaphore, #tpu.memory_space<semaphore_mem>>) src(%dma_wait3A_49 : memref<80xi32, #tpu.memory_space<hbm>>) dst(%arg11 : memref<80xi32, #tpu.memory_space<vmem>>)
        tpu.yield
      }) : () -> ()
      %add3A_31 = arith.constant 80 : i32
      %add3A_32 = arith.addi %add3A_25, %add3A_31 : i32
      "tpu.region"() ({
        %run_scoped3A = tpu.sem_alloc : memref<!tpu.dma_semaphore, #tpu.memory_space<semaphore_mem>>
        %dma_start3A_46 = tpu.memref_slice %arg3[%add3A_32] : memref<320000xi32, #tpu.memory_space<hbm>> -> memref<80xi32, #tpu.memory_space<hbm>>
        %dma_start3A_47 = tpu.memref_slice %arg3[%add3A_32] : memref<320000xi32, #tpu.memory_space<hbm>> -> memref<80xi32, #tpu.memory_space<hbm>>
        tpu.enqueue_dma source(%dma_start3A_47 : memref<80xi32, #tpu.memory_space<hbm>>) target(%arg12 : memref<80xi32, #tpu.memory_space<vmem>>) target_semaphore(%run_scoped3A : memref<!tpu.dma_semaphore, #tpu.memory_space<semaphore_mem>>)
        %dma_wait3A_48 = tpu.memref_slice %arg3[%add3A_32] : memref<320000xi32, #tpu.memory_space<hbm>> -> memref<80xi32, #tpu.memory_space<hbm>>
        %dma_wait3A_49 = tpu.memref_slice %arg3[%add3A_32] : memref<320000xi32, #tpu.memory_space<hbm>> -> memref<80xi32, #tpu.memory_space<hbm>>
        tpu.wait_dma2 semaphore(%run_scoped3A : memref<!tpu.dma_semaphore, #tpu.memory_space<semaphore_mem>>) src(%dma_wait3A_49 : memref<80xi32, #tpu.memory_space<hbm>>) dst(%arg12 : memref<80xi32, #tpu.memory_space<vmem>>)
        tpu.yield
      }) : () -> ()
      %add3A_33 = arith.constant 80 : i32
      %add3A_34 = arith.addi %add3A_25, %add3A_33 : i32
      %dma_start3A_35 = arith.constant 0 : i32
      %dma_start3A_36 = tpu.memref_slice %arg4[%add3A_34, %dma_start3A_35] : memref<320000x128xf32, #tpu.memory_space<hbm>> -> memref<80x128xf32, #tpu.memory_space<hbm>>
      %dma_start3A_37 = arith.constant 0 : i32
      %dma_start3A_38 = tpu.memref_slice %arg4[%add3A_34, %dma_start3A_37] : memref<320000x128xf32, #tpu.memory_space<hbm>> -> memref<80x128xf32, #tpu.memory_space<hbm>>
      tpu.enqueue_dma source(%dma_start3A_38 : memref<80x128xf32, #tpu.memory_space<hbm>>) target(%arg13 : memref<80x128xf32, #tpu.memory_space<vmem>>) target_semaphore(%arg17 : memref<!tpu.dma_semaphore, #tpu.memory_space<semaphore_mem>>)
      %dma_wait3A = arith.constant 0 : i32
      %dma_wait3A_39 = tpu.memref_slice %arg4[%add3A_25, %dma_wait3A] : memref<320000x128xf32, #tpu.memory_space<hbm>> -> memref<80x128xf32, #tpu.memory_space<hbm>>
      %dma_wait3A_40 = arith.constant 0 : i32
      %dma_wait3A_41 = tpu.memref_slice %arg4[%add3A_25, %dma_wait3A_40] : memref<320000x128xf32, #tpu.memory_space<hbm>> -> memref<80x128xf32, #tpu.memory_space<hbm>>
      tpu.wait_dma2 semaphore(%arg16 : memref<!tpu.dma_semaphore, #tpu.memory_space<semaphore_mem>>) src(%dma_wait3A_41 : memref<80x128xf32, #tpu.memory_space<hbm>>) dst(%arg10 : memref<80x128xf32, #tpu.memory_space<vmem>>)
      "tpu.region"() ({
        %run_scoped3A = tpu.sem_alloc : memref<!tpu.dma_semaphore, #tpu.memory_space<semaphore_mem>>
        %dma_start3A_46 = arith.constant 0 : i32
        %dma_start3A_47 = arith.constant 0 : i32
        %dma_start3A_48 = tpu.memref_slice %arg15[%dma_start3A_46, %dma_start3A_47] : memref<10112x128xf32, #tpu.memory_space<vmem_shared>> -> memref<10112x128xf32, #tpu.memory_space<vmem_shared>>
        tpu.enqueue_indirect_dma source(%arg10 : memref<80x128xf32, #tpu.memory_space<vmem>>) target(%dma_start3A_48 : memref<10112x128xf32, #tpu.memory_space<vmem_shared>>) offsets(%arg9 : memref<80xi32, #tpu.memory_space<vmem>>) semaphore(%run_scoped3A : memref<!tpu.dma_semaphore, #tpu.memory_space<semaphore_mem>>) {add = true}
        %dma_wait3A_49 = arith.constant 0 : i32
        %dma_wait3A_50 = arith.constant 0 : i32
        %dma_wait3A_51 = tpu.memref_slice %arg15[%dma_wait3A_49, %dma_wait3A_50] : memref<10112x128xf32, #tpu.memory_space<vmem_shared>> -> memref<10112x128xf32, #tpu.memory_space<vmem_shared>>
        tpu.wait_indirect_dma semaphore(%run_scoped3A : memref<!tpu.dma_semaphore, #tpu.memory_space<semaphore_mem>>) src(%arg10 : memref<80x128xf32, #tpu.memory_space<vmem>>) dst(%dma_wait3A_51 : memref<10112x128xf32, #tpu.memory_space<vmem_shared>>)
        tpu.yield
      }) : () -> ()
      "tpu.region"() ({
        %run_scoped3A = tpu.sem_alloc : memref<!tpu.dma_semaphore, #tpu.memory_space<semaphore_mem>>
        %dma_start3A_46 = arith.constant 0 : i32
        %dma_start3A_47 = arith.constant 0 : i32
        %dma_start3A_48 = tpu.memref_slice %arg15[%dma_start3A_46, %dma_start3A_47] : memref<10112x128xf32, #tpu.memory_space<vmem_shared>> -> memref<10112x128xf32, #tpu.memory_space<vmem_shared>>
        tpu.enqueue_indirect_dma source(%arg14 : memref<80x128xf32, #tpu.memory_space<vmem>>) target(%dma_start3A_48 : memref<10112x128xf32, #tpu.memory_space<vmem_shared>>) offsets(%arg8 : memref<80xi32, #tpu.memory_space<vmem>>) semaphore(%run_scoped3A : memref<!tpu.dma_semaphore, #tpu.memory_space<semaphore_mem>>) {add = true}
        %dma_wait3A_49 = arith.constant 0 : i32
        %dma_wait3A_50 = arith.constant 0 : i32
        %dma_wait3A_51 = tpu.memref_slice %arg15[%dma_wait3A_49, %dma_wait3A_50] : memref<10112x128xf32, #tpu.memory_space<vmem_shared>> -> memref<10112x128xf32, #tpu.memory_space<vmem_shared>>
        tpu.wait_indirect_dma semaphore(%run_scoped3A : memref<!tpu.dma_semaphore, #tpu.memory_space<semaphore_mem>>) src(%arg14 : memref<80x128xf32, #tpu.memory_space<vmem>>) dst(%dma_wait3A_51 : memref<10112x128xf32, #tpu.memory_space<vmem_shared>>)
        tpu.yield
      }) : () -> ()
      %dma_wait3A_42 = arith.constant 0 : i32
      %dma_wait3A_43 = tpu.memref_slice %arg4[%add3A_34, %dma_wait3A_42] : memref<320000x128xf32, #tpu.memory_space<hbm>> -> memref<80x128xf32, #tpu.memory_space<hbm>>
      %dma_wait3A_44 = arith.constant 0 : i32
      %dma_wait3A_45 = tpu.memref_slice %arg4[%add3A_34, %dma_wait3A_44] : memref<320000x128xf32, #tpu.memory_space<hbm>> -> memref<80x128xf32, #tpu.memory_space<hbm>>
      tpu.wait_dma2 semaphore(%arg17 : memref<!tpu.dma_semaphore, #tpu.memory_space<semaphore_mem>>) src(%dma_wait3A_45 : memref<80x128xf32, #tpu.memory_space<hbm>>) dst(%arg13 : memref<80x128xf32, #tpu.memory_space<vmem>>)
      "tpu.region"() ({
        %run_scoped3A = tpu.sem_alloc : memref<!tpu.dma_semaphore, #tpu.memory_space<semaphore_mem>>
        %dma_start3A_46 = arith.constant 0 : i32
        %dma_start3A_47 = arith.constant 0 : i32
        %dma_start3A_48 = tpu.memref_slice %arg15[%dma_start3A_46, %dma_start3A_47] : memref<10112x128xf32, #tpu.memory_space<vmem_shared>> -> memref<10112x128xf32, #tpu.memory_space<vmem_shared>>
        tpu.enqueue_indirect_dma source(%arg13 : memref<80x128xf32, #tpu.memory_space<vmem>>) target(%dma_start3A_48 : memref<10112x128xf32, #tpu.memory_space<vmem_shared>>) offsets(%arg12 : memref<80xi32, #tpu.memory_space<vmem>>) semaphore(%run_scoped3A : memref<!tpu.dma_semaphore, #tpu.memory_space<semaphore_mem>>) {add = true}
        %dma_wait3A_49 = arith.constant 0 : i32
        %dma_wait3A_50 = arith.constant 0 : i32
        %dma_wait3A_51 = tpu.memref_slice %arg15[%dma_wait3A_49, %dma_wait3A_50] : memref<10112x128xf32, #tpu.memory_space<vmem_shared>> -> memref<10112x128xf32, #tpu.memory_space<vmem_shared>>
        tpu.wait_indirect_dma semaphore(%run_scoped3A : memref<!tpu.dma_semaphore, #tpu.memory_space<semaphore_mem>>) src(%arg13 : memref<80x128xf32, #tpu.memory_space<vmem>>) dst(%dma_wait3A_51 : memref<10112x128xf32, #tpu.memory_space<vmem_shared>>)
        tpu.yield
      }) : () -> ()
      "tpu.region"() ({
        %run_scoped3A = tpu.sem_alloc : memref<!tpu.dma_semaphore, #tpu.memory_space<semaphore_mem>>
        %dma_start3A_46 = arith.constant 0 : i32
        %dma_start3A_47 = arith.constant 0 : i32
        %dma_start3A_48 = tpu.memref_slice %arg15[%dma_start3A_46, %dma_start3A_47] : memref<10112x128xf32, #tpu.memory_space<vmem_shared>> -> memref<10112x128xf32, #tpu.memory_space<vmem_shared>>
        tpu.enqueue_indirect_dma source(%arg14 : memref<80x128xf32, #tpu.memory_space<vmem>>) target(%dma_start3A_48 : memref<10112x128xf32, #tpu.memory_space<vmem_shared>>) offsets(%arg11 : memref<80xi32, #tpu.memory_space<vmem>>) semaphore(%run_scoped3A : memref<!tpu.dma_semaphore, #tpu.memory_space<semaphore_mem>>) {add = true}
        %dma_wait3A_49 = arith.constant 0 : i32
        %dma_wait3A_50 = arith.constant 0 : i32
        %dma_wait3A_51 = tpu.memref_slice %arg15[%dma_wait3A_49, %dma_wait3A_50] : memref<10112x128xf32, #tpu.memory_space<vmem_shared>> -> memref<10112x128xf32, #tpu.memory_space<vmem_shared>>
        tpu.wait_indirect_dma semaphore(%run_scoped3A : memref<!tpu.dma_semaphore, #tpu.memory_space<semaphore_mem>>) src(%arg14 : memref<80x128xf32, #tpu.memory_space<vmem>>) dst(%dma_wait3A_51 : memref<10112x128xf32, #tpu.memory_space<vmem_shared>>)
        tpu.yield
      }) : () -> ()
    }
    %scan3A_9 = arith.constant 62 : i32
    %add3A_10 = arith.constant 9920 : i32
    %add3A_11 = arith.addi %mul3A_4, %add3A_10 : i32
    "tpu.region"() ({
      %run_scoped3A = tpu.sem_alloc : memref<!tpu.dma_semaphore, #tpu.memory_space<semaphore_mem>>
      %dma_start3A = tpu.memref_slice %arg2[%add3A_11] : memref<320000xi32, #tpu.memory_space<hbm>> -> memref<80xi32, #tpu.memory_space<hbm>>
      %dma_start3A_20 = tpu.memref_slice %arg2[%add3A_11] : memref<320000xi32, #tpu.memory_space<hbm>> -> memref<80xi32, #tpu.memory_space<hbm>>
      tpu.enqueue_dma source(%dma_start3A_20 : memref<80xi32, #tpu.memory_space<hbm>>) target(%arg8 : memref<80xi32, #tpu.memory_space<vmem>>) target_semaphore(%run_scoped3A : memref<!tpu.dma_semaphore, #tpu.memory_space<semaphore_mem>>)
      %dma_wait3A = tpu.memref_slice %arg2[%add3A_11] : memref<320000xi32, #tpu.memory_space<hbm>> -> memref<80xi32, #tpu.memory_space<hbm>>
      %dma_wait3A_21 = tpu.memref_slice %arg2[%add3A_11] : memref<320000xi32, #tpu.memory_space<hbm>> -> memref<80xi32, #tpu.memory_space<hbm>>
      tpu.wait_dma2 semaphore(%run_scoped3A : memref<!tpu.dma_semaphore, #tpu.memory_space<semaphore_mem>>) src(%dma_wait3A_21 : memref<80xi32, #tpu.memory_space<hbm>>) dst(%arg8 : memref<80xi32, #tpu.memory_space<vmem>>)
      tpu.yield
    }) : () -> ()
    "tpu.region"() ({
      %run_scoped3A = tpu.sem_alloc : memref<!tpu.dma_semaphore, #tpu.memory_space<semaphore_mem>>
      %dma_start3A = tpu.memref_slice %arg3[%add3A_11] : memref<320000xi32, #tpu.memory_space<hbm>> -> memref<80xi32, #tpu.memory_space<hbm>>
      %dma_start3A_20 = tpu.memref_slice %arg3[%add3A_11] : memref<320000xi32, #tpu.memory_space<hbm>> -> memref<80xi32, #tpu.memory_space<hbm>>
      tpu.enqueue_dma source(%dma_start3A_20 : memref<80xi32, #tpu.memory_space<hbm>>) target(%arg9 : memref<80xi32, #tpu.memory_space<vmem>>) target_semaphore(%run_scoped3A : memref<!tpu.dma_semaphore, #tpu.memory_space<semaphore_mem>>)
      %dma_wait3A = tpu.memref_slice %arg3[%add3A_11] : memref<320000xi32, #tpu.memory_space<hbm>> -> memref<80xi32, #tpu.memory_space<hbm>>
      %dma_wait3A_21 = tpu.memref_slice %arg3[%add3A_11] : memref<320000xi32, #tpu.memory_space<hbm>> -> memref<80xi32, #tpu.memory_space<hbm>>
      tpu.wait_dma2 semaphore(%run_scoped3A : memref<!tpu.dma_semaphore, #tpu.memory_space<semaphore_mem>>) src(%dma_wait3A_21 : memref<80xi32, #tpu.memory_space<hbm>>) dst(%arg9 : memref<80xi32, #tpu.memory_space<vmem>>)
      tpu.yield
    }) : () -> ()
    "tpu.region"() ({
      %run_scoped3A = tpu.sem_alloc : memref<!tpu.dma_semaphore, #tpu.memory_space<semaphore_mem>>
      %dma_start3A = arith.constant 0 : i32
      %dma_start3A_20 = tpu.memref_slice %arg4[%add3A_11, %dma_start3A] : memref<320000x128xf32, #tpu.memory_space<hbm>> -> memref<80x128xf32, #tpu.memory_space<hbm>>
      %dma_start3A_21 = arith.constant 0 : i32
      %dma_start3A_22 = tpu.memref_slice %arg4[%add3A_11, %dma_start3A_21] : memref<320000x128xf32, #tpu.memory_space<hbm>> -> memref<80x128xf32, #tpu.memory_space<hbm>>
      tpu.enqueue_dma source(%dma_start3A_22 : memref<80x128xf32, #tpu.memory_space<hbm>>) target(%arg10 : memref<80x128xf32, #tpu.memory_space<vmem>>) target_semaphore(%run_scoped3A : memref<!tpu.dma_semaphore, #tpu.memory_space<semaphore_mem>>)
      %dma_wait3A = arith.constant 0 : i32
      %dma_wait3A_23 = tpu.memref_slice %arg4[%add3A_11, %dma_wait3A] : memref<320000x128xf32, #tpu.memory_space<hbm>> -> memref<80x128xf32, #tpu.memory_space<hbm>>
      %dma_wait3A_24 = arith.constant 0 : i32
      %dma_wait3A_25 = tpu.memref_slice %arg4[%add3A_11, %dma_wait3A_24] : memref<320000x128xf32, #tpu.memory_space<hbm>> -> memref<80x128xf32, #tpu.memory_space<hbm>>
      tpu.wait_dma2 semaphore(%run_scoped3A : memref<!tpu.dma_semaphore, #tpu.memory_space<semaphore_mem>>) src(%dma_wait3A_25 : memref<80x128xf32, #tpu.memory_space<hbm>>) dst(%arg10 : memref<80x128xf32, #tpu.memory_space<vmem>>)
      tpu.yield
    }) : () -> ()
    "tpu.region"() ({
      %run_scoped3A = tpu.sem_alloc : memref<!tpu.dma_semaphore, #tpu.memory_space<semaphore_mem>>
      %dma_start3A = arith.constant 0 : i32
      %dma_start3A_20 = arith.constant 0 : i32
      %dma_start3A_21 = tpu.memref_slice %arg15[%dma_start3A, %dma_start3A_20] : memref<10112x128xf32, #tpu.memory_space<vmem_shared>> -> memref<10112x128xf32, #tpu.memory_space<vmem_shared>>
      tpu.enqueue_indirect_dma source(%arg10 : memref<80x128xf32, #tpu.memory_space<vmem>>) target(%dma_start3A_21 : memref<10112x128xf32, #tpu.memory_space<vmem_shared>>) offsets(%arg9 : memref<80xi32, #tpu.memory_space<vmem>>) semaphore(%run_scoped3A : memref<!tpu.dma_semaphore, #tpu.memory_space<semaphore_mem>>) {add = true}
      %dma_wait3A = arith.constant 0 : i32
      %dma_wait3A_22 = arith.constant 0 : i32
      %dma_wait3A_23 = tpu.memref_slice %arg15[%dma_wait3A, %dma_wait3A_22] : memref<10112x128xf32, #tpu.memory_space<vmem_shared>> -> memref<10112x128xf32, #tpu.memory_space<vmem_shared>>
      tpu.wait_indirect_dma semaphore(%run_scoped3A : memref<!tpu.dma_semaphore, #tpu.memory_space<semaphore_mem>>) src(%arg10 : memref<80x128xf32, #tpu.memory_space<vmem>>) dst(%dma_wait3A_23 : memref<10112x128xf32, #tpu.memory_space<vmem_shared>>)
      tpu.yield
    }) : () -> ()
    "tpu.region"() ({
      %run_scoped3A = tpu.sem_alloc : memref<!tpu.dma_semaphore, #tpu.memory_space<semaphore_mem>>
      %dma_start3A = arith.constant 0 : i32
      %dma_start3A_20 = arith.constant 0 : i32
      %dma_start3A_21 = tpu.memref_slice %arg15[%dma_start3A, %dma_start3A_20] : memref<10112x128xf32, #tpu.memory_space<vmem_shared>> -> memref<10112x128xf32, #tpu.memory_space<vmem_shared>>
      tpu.enqueue_indirect_dma source(%arg14 : memref<80x128xf32, #tpu.memory_space<vmem>>) target(%dma_start3A_21 : memref<10112x128xf32, #tpu.memory_space<vmem_shared>>) offsets(%arg8 : memref<80xi32, #tpu.memory_space<vmem>>) semaphore(%run_scoped3A : memref<!tpu.dma_semaphore, #tpu.memory_space<semaphore_mem>>) {add = true}
      %dma_wait3A = arith.constant 0 : i32
      %dma_wait3A_22 = arith.constant 0 : i32
      %dma_wait3A_23 = tpu.memref_slice %arg15[%dma_wait3A, %dma_wait3A_22] : memref<10112x128xf32, #tpu.memory_space<vmem_shared>> -> memref<10112x128xf32, #tpu.memory_space<vmem_shared>>
      tpu.wait_indirect_dma semaphore(%run_scoped3A : memref<!tpu.dma_semaphore, #tpu.memory_space<semaphore_mem>>) src(%arg14 : memref<80x128xf32, #tpu.memory_space<vmem>>) dst(%dma_wait3A_23 : memref<10112x128xf32, #tpu.memory_space<vmem_shared>>)
      tpu.yield
    }) : () -> ()
    %barrier3A_12 = arith.constant 0 : index
    tpu.barrier barrier_id(%barrier3A_12)
    %mul3A_13 = arith.constant 632 : i32
    %mul3A_14 = arith.muli %arg1, %mul3A_13 : i32
    %mul3A_15 = arith.constant 10112 : i32
    %mul3A_16 = arith.muli %arg0, %mul3A_15 : i32
    %mul3A_17 = arith.constant 632 : i32
    %mul3A_18 = arith.muli %arg1, %mul3A_17 : i32
    %add3A_19 = arith.addi %mul3A_16, %mul3A_18 : i32
    "tpu.region"() ({
      %run_scoped3A = tpu.sem_alloc : memref<!tpu.dma_semaphore, #tpu.memory_space<semaphore_mem>>
      %dma_start3A = arith.constant 0 : i32
      %dma_start3A_20 = tpu.memref_slice %arg7[%add3A_19, %dma_start3A] : memref<20224x128xf32, #tpu.memory_space<hbm>> -> memref<632x128xf32, #tpu.memory_space<hbm>>
      %dma_start3A_21 = arith.constant 0 : i32
      %dma_start3A_22 = tpu.memref_slice %arg15[%mul3A_14, %dma_start3A_21] : memref<10112x128xf32, #tpu.memory_space<vmem_shared>> -> memref<632x128xf32, #tpu.memory_space<vmem_shared>>
      tpu.enqueue_dma source(%dma_start3A_22 : memref<632x128xf32, #tpu.memory_space<vmem_shared>>) target(%dma_start3A_20 : memref<632x128xf32, #tpu.memory_space<hbm>>) target_semaphore(%run_scoped3A : memref<!tpu.dma_semaphore, #tpu.memory_space<semaphore_mem>>)
      %dma_wait3A = arith.constant 0 : i32
      %dma_wait3A_23 = tpu.memref_slice %arg7[%add3A_19, %dma_wait3A] : memref<20224x128xf32, #tpu.memory_space<hbm>> -> memref<632x128xf32, #tpu.memory_space<hbm>>
      %dma_wait3A_24 = arith.constant 0 : i32
      %dma_wait3A_25 = tpu.memref_slice %arg15[%mul3A_14, %dma_wait3A_24] : memref<10112x128xf32, #tpu.memory_space<vmem_shared>> -> memref<632x128xf32, #tpu.memory_space<vmem_shared>>
      tpu.wait_dma2 semaphore(%run_scoped3A : memref<!tpu.dma_semaphore, #tpu.memory_space<semaphore_mem>>) src(%dma_wait3A_25 : memref<632x128xf32, #tpu.memory_space<vmem_shared>>) dst(%dma_wait3A_23 : memref<632x128xf32, #tpu.memory_space<hbm>>)
      tpu.yield
    }) : () -> ()
    return
  }
}

#map = affine_map<(d0, d1) -> (0)>
#map1 = affine_map<(d0, d1) -> (0, 0)>
module attributes {stable_mosaic.version = 14 : i64} {
  func.func @ck(%arg0: i32, %arg1: i32, %arg2: memref<16384xi32, #tpu.memory_space<hbm>>, %arg3: memref<20000x128xf32, #tpu.memory_space<hbm>>, %arg4: memref<10000xf32, #tpu.memory_space<hbm>>, %arg5: memref<16xi32, #tpu.memory_space<hbm>>, %arg6: memref<16384x128xf32, #tpu.memory_space<hbm>>, %arg7: memref<64xi32, #tpu.memory_space<vmem>>, %arg8: memref<64xi32, #tpu.memory_space<vmem>>, %arg9: memref<64x128xf32, #tpu.memory_space<vmem>>, %arg10: memref<10000xf32, #tpu.memory_space<vmem>>, %arg11: memref<16xi32, #tpu.memory_space<vmem>>, %arg12: memref<!tpu.dma_semaphore, #tpu.memory_space<semaphore_mem>>) attributes {dimension_semantics = [#tpu.dimension_semantics<core_parallel>, #tpu.dimension_semantics<subcore_parallel>], iteration_bounds = array<i64: 2, 16>, scalar_prefetch = 0 : i64, scratch_operands = 6 : i64, tpu.core_type = #tpu.core_type<sc_vector_subcore>, window_params = [{transform_indices = #map}, {transform_indices = #map1}, {transform_indices = #map}, {transform_indices = #map}, {transform_indices = #map1}]} {
    "tpu.region"() ({
      %run_scoped3A = tpu.sem_alloc : memref<!tpu.dma_semaphore, #tpu.memory_space<semaphore_mem>>
      tpu.enqueue_dma source(%arg4 : memref<10000xf32, #tpu.memory_space<hbm>>) target(%arg10 : memref<10000xf32, #tpu.memory_space<vmem>>) target_semaphore(%run_scoped3A : memref<!tpu.dma_semaphore, #tpu.memory_space<semaphore_mem>>)
      tpu.wait_dma2 semaphore(%run_scoped3A : memref<!tpu.dma_semaphore, #tpu.memory_space<semaphore_mem>>) src(%arg4 : memref<10000xf32, #tpu.memory_space<hbm>>) dst(%arg10 : memref<10000xf32, #tpu.memory_space<vmem>>)
      tpu.yield
    }) : () -> ()
    "tpu.region"() ({
      %run_scoped3A = tpu.sem_alloc : memref<!tpu.dma_semaphore, #tpu.memory_space<semaphore_mem>>
      tpu.enqueue_dma source(%arg5 : memref<16xi32, #tpu.memory_space<hbm>>) target(%arg11 : memref<16xi32, #tpu.memory_space<vmem>>) target_semaphore(%run_scoped3A : memref<!tpu.dma_semaphore, #tpu.memory_space<semaphore_mem>>)
      tpu.wait_dma2 semaphore(%run_scoped3A : memref<!tpu.dma_semaphore, #tpu.memory_space<semaphore_mem>>) src(%arg5 : memref<16xi32, #tpu.memory_space<hbm>>) dst(%arg11 : memref<16xi32, #tpu.memory_space<vmem>>)
      tpu.yield
    }) : () -> ()
    %get3A = arith.constant 0 : index
    %get3A_0 = tpu.vector_load %arg11[%get3A] {strides = array<i32>} : memref<16xi32, #tpu.memory_space<vmem>>, vector<16xi32>,
    %broadcast_in_dim3A = arith.constant 0 : i32
    %broadcast_in_dim3A_1 = vector.broadcast %broadcast_in_dim3A : i32 to vector<16xi32>
    %mul3A = arith.constant 10000 : i32
    %mul3A_2 = arith.muli %arg0, %mul3A : i32
    %add3A = vector.broadcast %mul3A_2 : i32 to vector<16xi32>
    %add3A_3 = arith.addi %broadcast_in_dim3A_1, %add3A : vector<16xi32>
    %scan3A = arith.constant 0 : i32
    %scan3A_4 = arith.constant 0 : i32
    %scan3A_5 = arith.constant 8 : i32
    %scan3A_6 = arith.addi %scan3A_4, %scan3A_5 : i32
    %scan3A_7 = arith.constant 1 : i32
    scf.for %scan3A_9 = %scan3A_4 to %scan3A_6 step %scan3A_7  : i32 {
      %mul3A_10 = arith.constant 8192 : i32
      %mul3A_11 = arith.muli %arg0, %mul3A_10 : i32
      %mul3A_12 = arith.constant 512 : i32
      %mul3A_13 = arith.muli %arg1, %mul3A_12 : i32
      %add3A_14 = arith.addi %mul3A_11, %mul3A_13 : i32
      %mul3A_15 = arith.constant 64 : i32
      %mul3A_16 = arith.muli %scan3A_9, %mul3A_15 : i32
      %add3A_17 = arith.addi %add3A_14, %mul3A_16 : i32
      "tpu.region"() ({
        %run_scoped3A = tpu.sem_alloc : memref<!tpu.dma_semaphore, #tpu.memory_space<semaphore_mem>>
        %dma_start3A_58 = tpu.memref_slice %arg2[%add3A_17] : memref<16384xi32, #tpu.memory_space<hbm>> -> memref<64xi32, #tpu.memory_space<hbm>>
        %dma_start3A_59 = tpu.memref_slice %arg2[%add3A_17] : memref<16384xi32, #tpu.memory_space<hbm>> -> memref<64xi32, #tpu.memory_space<hbm>>
        tpu.enqueue_dma source(%dma_start3A_59 : memref<64xi32, #tpu.memory_space<hbm>>) target(%arg7 : memref<64xi32, #tpu.memory_space<vmem>>) target_semaphore(%run_scoped3A : memref<!tpu.dma_semaphore, #tpu.memory_space<semaphore_mem>>)
        %dma_wait3A_60 = tpu.memref_slice %arg2[%add3A_17] : memref<16384xi32, #tpu.memory_space<hbm>> -> memref<64xi32, #tpu.memory_space<hbm>>
        %dma_wait3A_61 = tpu.memref_slice %arg2[%add3A_17] : memref<16384xi32, #tpu.memory_space<hbm>> -> memref<64xi32, #tpu.memory_space<hbm>>
        tpu.wait_dma2 semaphore(%run_scoped3A : memref<!tpu.dma_semaphore, #tpu.memory_space<semaphore_mem>>) src(%dma_wait3A_61 : memref<64xi32, #tpu.memory_space<hbm>>) dst(%arg7 : memref<64xi32, #tpu.memory_space<vmem>>)
        tpu.yield
      }) : () -> ()
      %get3A_18 = arith.constant 0 : index
      %get3A_19 = tpu.vector_load %arg7[%get3A_18] {strides = array<i32>} : memref<64xi32, #tpu.memory_space<vmem>>, vector<16xi32>,
      %gather3A = tpu.vector_load_idx %arg10[%get3A_19] : memref<10000xf32, #tpu.memory_space<vmem>>[vector<16xi32>], vector<16xf32>,
      %gt3A = arith.constant 5.000000e-01 : f32
      %gt3A_20 = vector.broadcast %gt3A : f32 to vector<16xf32>
      %gt3A_21 = arith.cmpf ogt, %gather3A, %gt3A_20 : vector<16xf32>
      %select_n3A = arith.select %gt3A_21, %get3A_19, %get3A_0 : vector<16xi1>, vector<16xi32>
      %add3A_22 = arith.addi %select_n3A, %add3A_3 : vector<16xi32>
      %swap3A = arith.constant 0 : index
      %swap3A_23 = tpu.vector_load %arg8[%swap3A] {strides = array<i32>} : memref<64xi32, #tpu.memory_space<vmem>>, vector<16xi32>,
      tpu.vector_store %arg8[%swap3A], %add3A_22 {strides = array<i32>} : memref<64xi32, #tpu.memory_space<vmem>>, vector<16xi32>,
      %get3A_24 = arith.constant 16 : index
      %get3A_25 = tpu.vector_load %arg7[%get3A_24] {strides = array<i32>} : memref<64xi32, #tpu.memory_space<vmem>>, vector<16xi32>,
      %gather3A_26 = tpu.vector_load_idx %arg10[%get3A_25] : memref<10000xf32, #tpu.memory_space<vmem>>[vector<16xi32>], vector<16xf32>,
      %gt3A_27 = arith.constant 5.000000e-01 : f32
      %gt3A_28 = vector.broadcast %gt3A_27 : f32 to vector<16xf32>
      %gt3A_29 = arith.cmpf ogt, %gather3A_26, %gt3A_28 : vector<16xf32>
      %select_n3A_30 = arith.select %gt3A_29, %get3A_25, %get3A_0 : vector<16xi1>, vector<16xi32>
      %add3A_31 = arith.addi %select_n3A_30, %add3A_3 : vector<16xi32>
      %swap3A_32 = arith.constant 16 : index
      %swap3A_33 = tpu.vector_load %arg8[%swap3A_32] {strides = array<i32>} : memref<64xi32, #tpu.memory_space<vmem>>, vector<16xi32>,
      tpu.vector_store %arg8[%swap3A_32], %add3A_31 {strides = array<i32>} : memref<64xi32, #tpu.memory_space<vmem>>, vector<16xi32>,
      %get3A_34 = arith.constant 32 : index
      %get3A_35 = tpu.vector_load %arg7[%get3A_34] {strides = array<i32>} : memref<64xi32, #tpu.memory_space<vmem>>, vector<16xi32>,
      %gather3A_36 = tpu.vector_load_idx %arg10[%get3A_35] : memref<10000xf32, #tpu.memory_space<vmem>>[vector<16xi32>], vector<16xf32>,
      %gt3A_37 = arith.constant 5.000000e-01 : f32
      %gt3A_38 = vector.broadcast %gt3A_37 : f32 to vector<16xf32>
      %gt3A_39 = arith.cmpf ogt, %gather3A_36, %gt3A_38 : vector<16xf32>
      %select_n3A_40 = arith.select %gt3A_39, %get3A_35, %get3A_0 : vector<16xi1>, vector<16xi32>
      %add3A_41 = arith.addi %select_n3A_40, %add3A_3 : vector<16xi32>
      %swap3A_42 = arith.constant 32 : index
      %swap3A_43 = tpu.vector_load %arg8[%swap3A_42] {strides = array<i32>} : memref<64xi32, #tpu.memory_space<vmem>>, vector<16xi32>,
      tpu.vector_store %arg8[%swap3A_42], %add3A_41 {strides = array<i32>} : memref<64xi32, #tpu.memory_space<vmem>>, vector<16xi32>,
      %get3A_44 = arith.constant 48 : index
      %get3A_45 = tpu.vector_load %arg7[%get3A_44] {strides = array<i32>} : memref<64xi32, #tpu.memory_space<vmem>>, vector<16xi32>,
      %gather3A_46 = tpu.vector_load_idx %arg10[%get3A_45] : memref<10000xf32, #tpu.memory_space<vmem>>[vector<16xi32>], vector<16xf32>,
      %gt3A_47 = arith.constant 5.000000e-01 : f32
      %gt3A_48 = vector.broadcast %gt3A_47 : f32 to vector<16xf32>
      %gt3A_49 = arith.cmpf ogt, %gather3A_46, %gt3A_48 : vector<16xf32>
      %select_n3A_50 = arith.select %gt3A_49, %get3A_45, %get3A_0 : vector<16xi1>, vector<16xi32>
      %add3A_51 = arith.addi %select_n3A_50, %add3A_3 : vector<16xi32>
      %swap3A_52 = arith.constant 48 : index
      %swap3A_53 = tpu.vector_load %arg8[%swap3A_52] {strides = array<i32>} : memref<64xi32, #tpu.memory_space<vmem>>, vector<16xi32>,
      tpu.vector_store %arg8[%swap3A_52], %add3A_51 {strides = array<i32>} : memref<64xi32, #tpu.memory_space<vmem>>, vector<16xi32>,
      %dma_start3A = arith.constant 0 : i32
      %dma_start3A_54 = arith.constant 0 : i32
      %dma_start3A_55 = tpu.memref_slice %arg3[%dma_start3A, %dma_start3A_54] : memref<20000x128xf32, #tpu.memory_space<hbm>> -> memref<20000x128xf32, #tpu.memory_space<hbm>>
      tpu.enqueue_indirect_dma source(%dma_start3A_55 : memref<20000x128xf32, #tpu.memory_space<hbm>>) target(%arg9 : memref<64x128xf32, #tpu.memory_space<vmem>>) offsets(%arg8 : memref<64xi32, #tpu.memory_space<vmem>>) semaphore(%arg12 : memref<!tpu.dma_semaphore, #tpu.memory_space<semaphore_mem>>)
      %dma_wait3A = arith.constant 0 : i32
      %dma_wait3A_56 = arith.constant 0 : i32
      %dma_wait3A_57 = tpu.memref_slice %arg3[%dma_wait3A, %dma_wait3A_56] : memref<20000x128xf32, #tpu.memory_space<hbm>> -> memref<20000x128xf32, #tpu.memory_space<hbm>>
      tpu.wait_indirect_dma semaphore(%arg12 : memref<!tpu.dma_semaphore, #tpu.memory_space<semaphore_mem>>) src(%dma_wait3A_57 : memref<20000x128xf32, #tpu.memory_space<hbm>>) dst(%arg9 : memref<64x128xf32, #tpu.memory_space<vmem>>)
      "tpu.region"() ({
        %run_scoped3A = tpu.sem_alloc : memref<!tpu.dma_semaphore, #tpu.memory_space<semaphore_mem>>
        %dma_start3A_58 = arith.constant 0 : i32
        %dma_start3A_59 = tpu.memref_slice %arg6[%add3A_17, %dma_start3A_58] : memref<16384x128xf32, #tpu.memory_space<hbm>> -> memref<64x128xf32, #tpu.memory_space<hbm>>
        %dma_start3A_60 = arith.constant 0 : i32
        %dma_start3A_61 = tpu.memref_slice %arg6[%add3A_17, %dma_start3A_60] : memref<16384x128xf32, #tpu.memory_space<hbm>> -> memref<64x128xf32, #tpu.memory_space<hbm>>
        tpu.enqueue_dma source(%arg9 : memref<64x128xf32, #tpu.memory_space<vmem>>) target(%dma_start3A_61 : memref<64x128xf32, #tpu.memory_space<hbm>>) target_semaphore(%run_scoped3A : memref<!tpu.dma_semaphore, #tpu.memory_space<semaphore_mem>>)
        %dma_wait3A_62 = arith.constant 0 : i32
        %dma_wait3A_63 = tpu.memref_slice %arg6[%add3A_17, %dma_wait3A_62] : memref<16384x128xf32, #tpu.memory_space<hbm>> -> memref<64x128xf32, #tpu.memory_space<hbm>>
        %dma_wait3A_64 = arith.constant 0 : i32
        %dma_wait3A_65 = tpu.memref_slice %arg6[%add3A_17, %dma_wait3A_64] : memref<16384x128xf32, #tpu.memory_space<hbm>> -> memref<64x128xf32, #tpu.memory_space<hbm>>
        tpu.wait_dma2 semaphore(%run_scoped3A : memref<!tpu.dma_semaphore, #tpu.memory_space<semaphore_mem>>) src(%arg9 : memref<64x128xf32, #tpu.memory_space<vmem>>) dst(%dma_wait3A_65 : memref<64x128xf32, #tpu.memory_space<hbm>>)
        tpu.yield
      }) : () -> ()
    }
    %scan3A_8 = arith.constant 8 : i32
    return
  }
}

module attributes {stable_mosaic.version = 14 : i64} {
  func.func @rk(%arg0: i32, %arg1: memref<2000x1xf32, #tpu.memory_space<vmem>>, %arg2: memref<1x64xf32, #tpu.memory_space<vmem>>, %arg3: memref<1x64xf32, #tpu.memory_space<vmem>>, %arg4: memref<2000x16xf32, #tpu.memory_space<vmem>>, %arg5: memref<2000x128xf32, #tpu.memory_space<vmem>>) attributes {dimension_semantics = [#tpu.dimension_semantics<arbitrary>], iteration_bounds = array<i64: 160>, scalar_prefetch = 0 : i64, scratch_operands = 0 : i64, tpu.core_type = #tpu.core_type<tc>, window_params = [{transform_indices = @transform_0, window_bounds = array<i64: 2000, 1>}, {pipeline_mode = #tpu.pipeline_mode<synchronous>, transform_indices = @transform_1, window_bounds = array<i64: 1, 64>}, {pipeline_mode = #tpu.pipeline_mode<synchronous>, transform_indices = @transform_2, window_bounds = array<i64: 1, 64>}, {transform_indices = @transform_3, window_bounds = array<i64: 2000, 16>}, {transform_indices = @transform_4, window_bounds = array<i64: 2000, 128>}]} {
    %get3A = arith.constant 0 : index
    %get3A_0 = arith.constant 0 : index
    %get3A_1 = vector.load %arg1[%get3A, %get3A_0] : memref<2000x1xf32, #tpu.memory_space<vmem>>, vector<2000x1xf32>
    %get3A_2 = arith.constant 0 : index
    %get3A_3 = arith.constant 0 : index
    %get3A_4 = vector.load %arg2[%get3A_2, %get3A_3] : memref<1x64xf32, #tpu.memory_space<vmem>>, vector<1x64xf32>
    %mul3A = vector.broadcast %get3A_1 : vector<2000x1xf32> to vector<2000x64xf32>
    %mul3A_5 = vector.broadcast %get3A_4 : vector<1x64xf32> to vector<2000x64xf32>
    %mul3A_6 = arith.mulf %mul3A, %mul3A_5 : vector<2000x64xf32>
    %get3A_7 = arith.constant 0 : index
    %get3A_8 = arith.constant 0 : index
    %get3A_9 = vector.load %arg3[%get3A_7, %get3A_8] : memref<1x64xf32, #tpu.memory_space<vmem>>, vector<1x64xf32>
    %add3A = vector.broadcast %get3A_9 : vector<1x64xf32> to vector<2000x64xf32>
    %add3A_10 = arith.addf %mul3A_6, %add3A : vector<2000x64xf32>
    %cos3A = math.cos %add3A_10 : vector<2000x64xf32>
    %broadcast_in_dim3A = arith.constant 1.000000e+00 : f32
    %broadcast_in_dim3A_11 = vector.broadcast %broadcast_in_dim3A : f32 to vector<2000x1xf32>
    %broadcast_in_dim3A_12 = arith.constant 0.000000e+00 : f32
    %broadcast_in_dim3A_13 = vector.broadcast %broadcast_in_dim3A_12 : f32 to vector<2000x15xf32>
    %broadcast_in_dim3A_14 = arith.constant 0.000000e+00 : f32
    %broadcast_in_dim3A_15 = vector.broadcast %broadcast_in_dim3A_14 : f32 to vector<2000x32xf32>
    %get3A_16 = arith.constant 0 : index
    %get3A_17 = arith.constant 0 : index
    %get3A_18 = vector.load %arg4[%get3A_16, %get3A_17] : memref<2000x16xf32, #tpu.memory_space<vmem>>, vector<2000x16xf32>
    %concatenate3A = tpu.concatenate %cos3A, %broadcast_in_dim3A_11, %broadcast_in_dim3A_13, %get3A_18, %broadcast_in_dim3A_15 in 1 : vector<2000x64xf32>, vector<2000x1xf32>, vector<2000x15xf32>, vector<2000x16xf32>, vector<2000x32xf32> -> vector<2000x128xf32>
    %swap3A = arith.constant 0 : index
    %swap3A_19 = arith.constant 0 : index
    %swap3A_20 = vector.load %arg5[%swap3A, %swap3A_19] : memref<2000x128xf32, #tpu.memory_space<vmem>>, vector<2000x128xf32>
    tpu.vector_store %arg5[%swap3A, %swap3A_19], %concatenate3A {strides = array<i32>} : memref<2000x128xf32, #tpu.memory_space<vmem>>, vector<2000x128xf32>,
    return
  }
  func.func @transform_0(%arg0: i32) -> (i32, i32) {
    %c0_i32 = arith.constant 0 : i32
    %c0_i32_0 = arith.constant 0 : i32
    return %arg0, %c0_i32 : i32, i32
  }
  func.func @transform_1(%arg0: i32) -> (i32, i32) {
    %c0_i32 = arith.constant 0 : i32
    %c0_i32_0 = arith.constant 0 : i32
    %c0_i32_1 = arith.constant 0 : i32
    return %c0_i32, %c0_i32_0 : i32, i32
  }
  func.func @transform_2(%arg0: i32) -> (i32, i32) {
    %c0_i32 = arith.constant 0 : i32
    %c0_i32_0 = arith.constant 0 : i32
    %c0_i32_1 = arith.constant 0 : i32
    return %c0_i32, %c0_i32_0 : i32, i32
  }
  func.func @transform_3(%arg0: i32) -> (i32, i32) {
    %c0_i32 = arith.constant 0 : i32
    %c0_i32_0 = arith.constant 0 : i32
    return %arg0, %c0_i32 : i32, i32
  }
  func.func @transform_4(%arg0: i32) -> (i32, i32) {
    %c0_i32 = arith.constant 0 : i32
    %c0_i32_0 = arith.constant 0 : i32
    return %arg0, %c0_i32 : i32, i32
  }
}

module attributes {stable_mosaic.version = 14 : i64} {
  func.func @bk(%arg0: i32, %arg1: memref<400x128xf32, #tpu.memory_space<vmem>>, %arg2: memref<400x128xf32, #tpu.memory_space<vmem>>, %arg3: memref<400x128xf32, #tpu.memory_space<vmem>>, %arg4: memref<400x128xf32, #tpu.memory_space<vmem>>, %arg5: memref<400x128xf32, #tpu.memory_space<vmem>>, %arg6: memref<128x128xf32, #tpu.memory_space<vmem>>, %arg7: memref<128x128xf32, #tpu.memory_space<vmem>>, %arg8: memref<128x128xf32, #tpu.memory_space<vmem>>, %arg9: memref<128x128xf32, #tpu.memory_space<vmem>>, %arg10: memref<128x128xf32, #tpu.memory_space<vmem>>, %arg11: memref<1x128xf32, #tpu.memory_space<vmem>>, %arg12: memref<1x128xf32, #tpu.memory_space<vmem>>, %arg13: memref<400x128xf32, #tpu.memory_space<vmem>>, %arg14: memref<400x128xf32, #tpu.memory_space<vmem>>, %arg15: memref<400x1xf32, #tpu.memory_space<vmem>>, %arg16: memref<1x1xi32, #tpu.memory_space<smem>>, %arg17: memref<1xi32, #tpu.memory_space<smem>>) attributes {dimension_semantics = [#tpu.dimension_semantics<arbitrary>], iteration_bounds = array<i64: 25>, scalar_prefetch = 0 : i64, scratch_operands = 1 : i64, tpu.core_type = #tpu.core_type<tc>, window_params = [{transform_indices = @transform_0, window_bounds = array<i64: 400, 128>}, {transform_indices = @transform_1, window_bounds = array<i64: 400, 128>}, {transform_indices = @transform_2, window_bounds = array<i64: 400, 128>}, {transform_indices = @transform_3, window_bounds = array<i64: 400, 128>}, {transform_indices = @transform_4, window_bounds = array<i64: 400, 128>}, {pipeline_mode = #tpu.pipeline_mode<synchronous>, transform_indices = @transform_5, window_bounds = array<i64: 128, 128>}, {pipeline_mode = #tpu.pipeline_mode<synchronous>, transform_indices = @transform_6, window_bounds = array<i64: 128, 128>}, {pipeline_mode = #tpu.pipeline_mode<synchronous>, transform_indices = @transform_7, window_bounds = array<i64: 128, 128>}, {pipeline_mode = #tpu.pipeline_mode<synchronous>, transform_indices = @transform_8, window_bounds = array<i64: 128, 128>}, {pipeline_mode = #tpu.pipeline_mode<synchronous>, transform_indices = @transform_9, window_bounds = array<i64: 128, 128>}, {pipeline_mode = #tpu.pipeline_mode<synchronous>, transform_indices = @transform_10, window_bounds = array<i64: 1, 128>}, {pipeline_mode = #tpu.pipeline_mode<synchronous>, transform_indices = @transform_11, window_bounds = array<i64: 1, 128>}, {transform_indices = @transform_12, window_bounds = array<i64: 400, 128>}, {transform_indices = @transform_13, window_bounds = array<i64: 400, 128>}, {transform_indices = @transform_14, window_bounds = array<i64: 400, 1>}, {transform_indices = @transform_15, window_bounds = array<i64: 1, 1>}]} {
    %get3A = arith.constant 0 : index
    %get3A_0 = arith.constant 0 : index
    %get3A_1 = vector.load %arg1[%get3A, %get3A_0] : memref<400x128xf32, #tpu.memory_space<vmem>>, vector<400x128xf32>
    %get3A_2 = arith.constant 0 : index
    %get3A_3 = arith.constant 0 : index
    %get3A_4 = vector.load %arg2[%get3A_2, %get3A_3] : memref<400x128xf32, #tpu.memory_space<vmem>>, vector<400x128xf32>
    %add3A = arith.addf %get3A_1, %get3A_4 : vector<400x128xf32>
    %get3A_5 = arith.constant 0 : index
    %get3A_6 = arith.constant 0 : index
    %get3A_7 = vector.load %arg3[%get3A_5, %get3A_6] : memref<400x128xf32, #tpu.memory_space<vmem>>, vector<400x128xf32>
    %get3A_8 = arith.constant 0 : index
    %get3A_9 = arith.constant 0 : index
    %get3A_10 = vector.load %arg4[%get3A_8, %get3A_9] : memref<400x128xf32, #tpu.memory_space<vmem>>, vector<400x128xf32>
    %add3A_11 = arith.addf %get3A_7, %get3A_10 : vector<400x128xf32>
    %slice3A = vector.extract_strided_slice %add3A_11 {offsets = [0, 96], sizes = [400, 1], strides = [1, 1]} : vector<400x128xf32> to vector<400x1xf32>
    %slice3A_12 = vector.extract_strided_slice %add3A_11 {offsets = [0, 64], sizes = [400, 1], strides = [1, 1]} : vector<400x128xf32> to vector<400x1xf32>
    %max3A = arith.constant 1.000000e+00 : f32
    %max3A_13 = vector.broadcast %max3A : f32 to vector<400x1xf32>
    %max3A_14 = arith.maximumf %slice3A_12, %max3A_13 : vector<400x1xf32>
    %div3A = arith.constant 1.000000e+00 : f32
    %div3A_15 = vector.broadcast %div3A : f32 to vector<400x1xf32>
    %div3A_16 = arith.divf %div3A_15, %max3A_14 : vector<400x1xf32>
    %mul3A = vector.broadcast %div3A_16 : vector<400x1xf32> to vector<400x128xf32>
    %mul3A_17 = arith.mulf %add3A, %mul3A : vector<400x128xf32>
    %get3A_18 = arith.constant 0 : index
    %get3A_19 = arith.constant 0 : index
    %get3A_20 = vector.load %arg6[%get3A_18, %get3A_19] : memref<128x128xf32, #tpu.memory_space<vmem>>, vector<128x128xf32>
    %dot_general3A = arith.constant dense<0.000000e+00> : vector<400x128xf32>
    %dot_general3A_21 = tpu.matmul %mul3A_17, %get3A_20, %dot_general3A {dimension_numbers = #tpu.dot_dimension_numbers<[1], [0], [0], [1], [0, 0, 1, 1], [], []>, transpose_lhs_hint = false} : vector<400x128xf32>, vector<128x128xf32>, vector<400x128xf32> -> vector<400x128xf32>
    %mul3A_22 = vector.broadcast %div3A_16 : vector<400x1xf32> to vector<400x128xf32>
    %mul3A_23 = arith.mulf %add3A_11, %mul3A_22 : vector<400x128xf32>
    %get3A_24 = arith.constant 0 : index
    %get3A_25 = arith.constant 0 : index
    %get3A_26 = vector.load %arg7[%get3A_24, %get3A_25] : memref<128x128xf32, #tpu.memory_space<vmem>>, vector<128x128xf32>
    %dot_general3A_27 = arith.constant dense<0.000000e+00> : vector<400x128xf32>
    %dot_general3A_28 = tpu.matmul %mul3A_23, %get3A_26, %dot_general3A_27 {dimension_numbers = #tpu.dot_dimension_numbers<[1], [0], [0], [1], [0, 0, 1, 1], [], []>, transpose_lhs_hint = false} : vector<400x128xf32>, vector<128x128xf32>, vector<400x128xf32> -> vector<400x128xf32>
    %add3A_29 = arith.addf %dot_general3A_21, %dot_general3A_28 : vector<400x128xf32>
    %get3A_30 = arith.constant 0 : index
    %get3A_31 = arith.constant 0 : index
    %get3A_32 = vector.load %arg5[%get3A_30, %get3A_31] : memref<400x128xf32, #tpu.memory_space<vmem>>, vector<400x128xf32>
    %get3A_33 = arith.constant 0 : index
    %get3A_34 = arith.constant 0 : index
    %get3A_35 = vector.load %arg8[%get3A_33, %get3A_34] : memref<128x128xf32, #tpu.memory_space<vmem>>, vector<128x128xf32>
    %dot_general3A_36 = arith.constant dense<0.000000e+00> : vector<400x128xf32>
    %dot_general3A_37 = tpu.matmul %get3A_32, %get3A_35, %dot_general3A_36 {dimension_numbers = #tpu.dot_dimension_numbers<[1], [0], [0], [1], [0, 0, 1, 1], [], []>, transpose_lhs_hint = false} : vector<400x128xf32>, vector<128x128xf32>, vector<400x128xf32> -> vector<400x128xf32>
    %get3A_38 = arith.constant 0 : index
    %get3A_39 = arith.constant 0 : index
    %get3A_40 = vector.load %arg11[%get3A_38, %get3A_39] : memref<1x128xf32, #tpu.memory_space<vmem>>, vector<1x128xf32>
    %add3A_41 = vector.broadcast %get3A_40 : vector<1x128xf32> to vector<400x128xf32>
    %add3A_42 = arith.addf %dot_general3A_37, %add3A_41 : vector<400x128xf32>
    %add3A_43 = arith.addf %add3A_42, %add3A_29 : vector<400x128xf32>
    %max3A_44 = arith.constant 0.000000e+00 : f32
    %max3A_45 = vector.broadcast %max3A_44 : f32 to vector<400x128xf32>
    %max3A_46 = arith.maximumf %add3A_43, %max3A_45 : vector<400x128xf32>
    %get3A_47 = arith.constant 0 : index
    %get3A_48 = arith.constant 0 : index
    %get3A_49 = vector.load %arg9[%get3A_47, %get3A_48] : memref<128x128xf32, #tpu.memory_space<vmem>>, vector<128x128xf32>
    %dot_general3A_50 = arith.constant dense<0.000000e+00> : vector<400x128xf32>
    %dot_general3A_51 = tpu.matmul %max3A_46, %get3A_49, %dot_general3A_50 {dimension_numbers = #tpu.dot_dimension_numbers<[1], [0], [0], [1], [0, 0, 1, 1], [], []>, transpose_lhs_hint = false} : vector<400x128xf32>, vector<128x128xf32>, vector<400x128xf32> -> vector<400x128xf32>
    %get3A_52 = arith.constant 0 : index
    %get3A_53 = arith.constant 0 : index
    %get3A_54 = vector.load %arg12[%get3A_52, %get3A_53] : memref<1x128xf32, #tpu.memory_space<vmem>>, vector<1x128xf32>
    %add3A_55 = vector.broadcast %get3A_54 : vector<1x128xf32> to vector<400x128xf32>
    %add3A_56 = arith.addf %dot_general3A_51, %add3A_55 : vector<400x128xf32>
    %swap3A = arith.constant 0 : index
    %swap3A_57 = arith.constant 0 : index
    %swap3A_58 = vector.load %arg13[%swap3A, %swap3A_57] : memref<400x128xf32, #tpu.memory_space<vmem>>, vector<400x128xf32>
    tpu.vector_store %arg13[%swap3A, %swap3A_57], %add3A_56 {strides = array<i32>} : memref<400x128xf32, #tpu.memory_space<vmem>>, vector<400x128xf32>,
    %get3A_59 = arith.constant 0 : index
    %get3A_60 = arith.constant 0 : index
    %get3A_61 = vector.load %arg10[%get3A_59, %get3A_60] : memref<128x128xf32, #tpu.memory_space<vmem>>, vector<128x128xf32>
    %dot_general3A_62 = arith.constant dense<0.000000e+00> : vector<400x128xf32>
    %dot_general3A_63 = tpu.matmul %max3A_46, %get3A_61, %dot_general3A_62 {dimension_numbers = #tpu.dot_dimension_numbers<[1], [0], [0], [1], [0, 0, 1, 1], [], []>, transpose_lhs_hint = false} : vector<400x128xf32>, vector<128x128xf32>, vector<400x128xf32> -> vector<400x128xf32>
    %swap3A_64 = arith.constant 0 : index
    %swap3A_65 = arith.constant 0 : index
    %swap3A_66 = vector.load %arg14[%swap3A_64, %swap3A_65] : memref<400x128xf32, #tpu.memory_space<vmem>>, vector<400x128xf32>
    tpu.vector_store %arg14[%swap3A_64, %swap3A_65], %dot_general3A_63 {strides = array<i32>} : memref<400x128xf32, #tpu.memory_space<vmem>>, vector<400x128xf32>,
    %add3A_67 = arith.addf %slice3A, %slice3A_12 : vector<400x1xf32>
    %gt3A = arith.constant 0.000000e+00 : f32
    %gt3A_68 = vector.broadcast %gt3A : f32 to vector<400x1xf32>
    %gt3A_69 = arith.cmpf ogt, %add3A_67, %gt3A_68 : vector<400x1xf32>
    %convert_element_type3A = arith.extui %gt3A_69 : vector<400x1xi1> to vector<400x1xi32>
    %convert_element_type3A_70 = arith.sitofp %convert_element_type3A : vector<400x1xi32> to vector<400x1xf32>
    %swap3A_71 = arith.constant 0 : index
    %swap3A_72 = arith.constant 0 : index
    %swap3A_73 = vector.load %arg15[%swap3A_71, %swap3A_72] : memref<400x1xf32, #tpu.memory_space<vmem>>, vector<400x1xf32>
    tpu.vector_store %arg15[%swap3A_71, %swap3A_72], %convert_element_type3A_70 {strides = array<i32>} : memref<400x1xf32, #tpu.memory_space<vmem>>, vector<400x1xf32>,
    %iota3A = tpu.iota {dimensions = array<i32: 0>} : vector<400x1xi32>
    %mul3A_74 = arith.constant 400 : i32
    %mul3A_75 = arith.muli %arg0, %mul3A_74 : i32
    %add3A_76 = vector.broadcast %mul3A_75 : i32 to vector<400x1xi32>
    %add3A_77 = arith.addi %iota3A, %add3A_76 : vector<400x1xi32>
    %jit3A = arith.constant 10000 : i32
    %broadcast_in_dim3A = vector.broadcast %jit3A : i32 to vector<400x1xi32>
    %select_n3A = arith.select %gt3A_69, %add3A_77, %broadcast_in_dim3A : vector<400x1xi1>, vector<400x1xi32>
    %reduce_min3A = vector.shape_cast %select_n3A : vector<400x1xi32> to vector<1x400x1xi32>
    %reduce_min3A_78 = arith.constant dense<2147483647> : vector<1xi32>
    %reduce_min3A_79 = vector.multi_reduction <minsi>, %reduce_min3A, %reduce_min3A_78 [1, 2] : vector<1x400x1xi32> to vector<1xi32>
    %reduce_min3A_80 = vector.shape_cast %reduce_min3A_79 : vector<1xi32> to vector<1x1x1xi32>
    %reduce_min3A_81 = vector.extract %reduce_min3A_80[0, 0, 0] : i32 from vector<1x1x1xi32>
    %eq3A = arith.constant 0 : i32
    %eq3A_82 = arith.cmpi eq, %arg0, %eq3A : i32
    %convert_element_type3A_83 = arith.extui %eq3A_82 : i1 to i32
    %cond3A = arith.constant 0 : i32
    %cond3A_84 = arith.cmpi ne, %convert_element_type3A_83, %cond3A : i32
    scf.if %cond3A_84 {
      %swap3A_94 = arith.constant 10000 : i32
      %swap3A_95 = arith.constant 0 : index
      %swap3A_96 = memref.load %arg17[%swap3A_95] : memref<1xi32, #tpu.memory_space<smem>>
      memref.store %swap3A_94, %arg17[%swap3A_95] : memref<1xi32, #tpu.memory_space<smem>>
    } else {
    }
    %get3A_85 = arith.constant 0 : index
    %get3A_86 = memref.load %arg17[%get3A_85] : memref<1xi32, #tpu.memory_space<smem>>
    %min3A = arith.minsi %get3A_86, %reduce_min3A_81 : i32
    %swap3A_87 = arith.constant 0 : index
    %swap3A_88 = memref.load %arg17[%swap3A_87] : memref<1xi32, #tpu.memory_space<smem>>
    memref.store %min3A, %arg17[%swap3A_87] : memref<1xi32, #tpu.memory_space<smem>>
    %eq3A_89 = arith.constant 24 : i32
    %eq3A_90 = arith.cmpi eq, %arg0, %eq3A_89 : i32
    %convert_element_type3A_91 = arith.extui %eq3A_90 : i1 to i32
    %cond3A_92 = arith.constant 0 : i32
    %cond3A_93 = arith.cmpi ne, %convert_element_type3A_91, %cond3A_92 : i32
    scf.if %cond3A_93 {
      %get3A_94 = arith.constant 0 : index
      %get3A_95 = memref.load %arg17[%get3A_94] : memref<1xi32, #tpu.memory_space<smem>>
      %swap3A_96 = arith.constant 0 : index
      %swap3A_97 = arith.constant 0 : index
      %swap3A_98 = memref.load %arg16[%swap3A_96, %swap3A_97] : memref<1x1xi32, #tpu.memory_space<smem>>
      memref.store %get3A_95, %arg16[%swap3A_96, %swap3A_97] : memref<1x1xi32, #tpu.memory_space<smem>>
    } else {
    }
    return
  }
  func.func @transform_0(%arg0: i32) -> (i32, i32) {
    %c0_i32 = arith.constant 0 : i32
    %c0_i32_0 = arith.constant 0 : i32
    return %arg0, %c0_i32 : i32, i32
  }
  func.func @transform_1(%arg0: i32) -> (i32, i32) {
    %c0_i32 = arith.constant 0 : i32
    %c0_i32_0 = arith.constant 0 : i32
    return %arg0, %c0_i32 : i32, i32
  }
  func.func @transform_2(%arg0: i32) -> (i32, i32) {
    %c0_i32 = arith.constant 0 : i32
    %c0_i32_0 = arith.constant 0 : i32
    return %arg0, %c0_i32 : i32, i32
  }
  func.func @transform_3(%arg0: i32) -> (i32, i32) {
    %c0_i32 = arith.constant 0 : i32
    %c0_i32_0 = arith.constant 0 : i32
    return %arg0, %c0_i32 : i32, i32
  }
  func.func @transform_4(%arg0: i32) -> (i32, i32) {
    %c0_i32 = arith.constant 0 : i32
    %c0_i32_0 = arith.constant 0 : i32
    return %arg0, %c0_i32 : i32, i32
  }
  func.func @transform_5(%arg0: i32) -> (i32, i32) {
    %c0_i32 = arith.constant 0 : i32
    %c0_i32_0 = arith.constant 0 : i32
    %c0_i32_1 = arith.constant 0 : i32
    return %c0_i32, %c0_i32_0 : i32, i32
  }
  func.func @transform_6(%arg0: i32) -> (i32, i32) {
    %c0_i32 = arith.constant 0 : i32
    %c0_i32_0 = arith.constant 0 : i32
    %c0_i32_1 = arith.constant 0 : i32
    return %c0_i32, %c0_i32_0 : i32, i32
  }
  func.func @transform_7(%arg0: i32) -> (i32, i32) {
    %c0_i32 = arith.constant 0 : i32
    %c0_i32_0 = arith.constant 0 : i32
    %c0_i32_1 = arith.constant 0 : i32
    return %c0_i32, %c0_i32_0 : i32, i32
  }
  func.func @transform_8(%arg0: i32) -> (i32, i32) {
    %c0_i32 = arith.constant 0 : i32
    %c0_i32_0 = arith.constant 0 : i32
    %c0_i32_1 = arith.constant 0 : i32
    return %c0_i32, %c0_i32_0 : i32, i32
  }
  func.func @transform_9(%arg0: i32) -> (i32, i32) {
    %c0_i32 = arith.constant 0 : i32
    %c0_i32_0 = arith.constant 0 : i32
    %c0_i32_1 = arith.constant 0 : i32
    return %c0_i32, %c0_i32_0 : i32, i32
  }
  func.func @transform_10(%arg0: i32) -> (i32, i32) {
    %c0_i32 = arith.constant 0 : i32
    %c0_i32_0 = arith.constant 0 : i32
    %c0_i32_1 = arith.constant 0 : i32
    return %c0_i32, %c0_i32_0 : i32, i32
  }
  func.func @transform_11(%arg0: i32) -> (i32, i32) {
    %c0_i32 = arith.constant 0 : i32
    %c0_i32_0 = arith.constant 0 : i32
    %c0_i32_1 = arith.constant 0 : i32
    return %c0_i32, %c0_i32_0 : i32, i32
  }
  func.func @transform_12(%arg0: i32) -> (i32, i32) {
    %c0_i32 = arith.constant 0 : i32
    %c0_i32_0 = arith.constant 0 : i32
    return %arg0, %c0_i32 : i32, i32
  }
  func.func @transform_13(%arg0: i32) -> (i32, i32) {
    %c0_i32 = arith.constant 0 : i32
    %c0_i32_0 = arith.constant 0 : i32
    return %arg0, %c0_i32 : i32, i32
  }
  func.func @transform_14(%arg0: i32) -> (i32, i32) {
    %c0_i32 = arith.constant 0 : i32
    %c0_i32_0 = arith.constant 0 : i32
    return %arg0, %c0_i32 : i32, i32
  }
  func.func @transform_15(%arg0: i32) -> (i32, i32) {
    %c0_i32 = arith.constant 0 : i32
    %c0_i32_0 = arith.constant 0 : i32
    %c0_i32_1 = arith.constant 0 : i32
    return %c0_i32, %c0_i32_0 : i32, i32
  }
}

module attributes {stable_mosaic.version = 14 : i64} {
  func.func @dk(%arg0: i32, %arg1: memref<1024x128xf32, #tpu.memory_space<vmem>>, %arg2: memref<1024x128xf32, #tpu.memory_space<vmem>>, %arg3: memref<1x128xf32, #tpu.memory_space<vmem>>, %arg4: memref<1x1xf32, #tpu.memory_space<vmem>>, %arg5: memref<1024x1xf32, #tpu.memory_space<vmem>>) attributes {dimension_semantics = [#tpu.dimension_semantics<arbitrary>], iteration_bounds = array<i64: 8>, scalar_prefetch = 0 : i64, scratch_operands = 0 : i64, tpu.core_type = #tpu.core_type<tc>, window_params = [{transform_indices = @transform_0, window_bounds = array<i64: 1024, 128>}, {transform_indices = @transform_1, window_bounds = array<i64: 1024, 128>}, {pipeline_mode = #tpu.pipeline_mode<synchronous>, transform_indices = @transform_2, window_bounds = array<i64: 1, 128>}, {pipeline_mode = #tpu.pipeline_mode<synchronous>, transform_indices = @transform_3, window_bounds = array<i64: 1, 1>}, {transform_indices = @transform_4, window_bounds = array<i64: 1024, 1>}]} {
    %get3A = arith.constant 0 : index
    %get3A_0 = arith.constant 0 : index
    %get3A_1 = vector.load %arg1[%get3A, %get3A_0] : memref<1024x128xf32, #tpu.memory_space<vmem>>, vector<1024x128xf32>
    %get3A_2 = arith.constant 0 : index
    %get3A_3 = arith.constant 0 : index
    %get3A_4 = vector.load %arg2[%get3A_2, %get3A_3] : memref<1024x128xf32, #tpu.memory_space<vmem>>, vector<1024x128xf32>
    %add3A = arith.addf %get3A_1, %get3A_4 : vector<1024x128xf32>
    %max3A = arith.constant 0.000000e+00 : f32
    %max3A_5 = vector.broadcast %max3A : f32 to vector<1024x128xf32>
    %max3A_6 = arith.maximumf %add3A, %max3A_5 : vector<1024x128xf32>
    %get3A_7 = arith.constant 0 : index
    %get3A_8 = arith.constant 0 : index
    %get3A_9 = vector.load %arg3[%get3A_7, %get3A_8] : memref<1x128xf32, #tpu.memory_space<vmem>>, vector<1x128xf32>
    %mul3A = vector.broadcast %get3A_9 : vector<1x128xf32> to vector<1024x128xf32>
    %mul3A_10 = arith.mulf %max3A_6, %mul3A : vector<1024x128xf32>
    %reduce_sum3A = arith.constant dense<0.000000e+00> : vector<1024xf32>
    %reduce_sum3A_11 = vector.multi_reduction <add>, %mul3A_10, %reduce_sum3A [1] : vector<1024x128xf32> to vector<1024xf32>
    %broadcast_in_dim3A = vector.shape_cast %reduce_sum3A_11 : vector<1024xf32> to vector<1024x1xf32>
    %get3A_12 = arith.constant 0 : index
    %get3A_13 = arith.constant 0 : index
    %get3A_14 = vector.load %arg4[%get3A_12, %get3A_13] : memref<1x1xf32, #tpu.memory_space<vmem>>, vector<1x1xf32>
    %add3A_15 = vector.broadcast %get3A_14 : vector<1x1xf32> to vector<1024x1xf32>
    %add3A_16 = arith.addf %broadcast_in_dim3A, %add3A_15 : vector<1024x1xf32>
    %swap3A = arith.constant 0 : index
    %swap3A_17 = arith.constant 0 : index
    %swap3A_18 = vector.load %arg5[%swap3A, %swap3A_17] : memref<1024x1xf32, #tpu.memory_space<vmem>>, vector<1024x1xf32>
    tpu.vector_store %arg5[%swap3A, %swap3A_17], %add3A_16 {strides = array<i32>} : memref<1024x1xf32, #tpu.memory_space<vmem>>, vector<1024x1xf32>,
    return
  }
  func.func @transform_0(%arg0: i32) -> (i32, i32) {
    %c0_i32 = arith.constant 0 : i32
    %c0_i32_0 = arith.constant 0 : i32
    return %arg0, %c0_i32 : i32, i32
  }
  func.func @transform_1(%arg0: i32) -> (i32, i32) {
    %c0_i32 = arith.constant 0 : i32
    %c0_i32_0 = arith.constant 0 : i32
    return %arg0, %c0_i32 : i32, i32
  }
  func.func @transform_2(%arg0: i32) -> (i32, i32) {
    %c0_i32 = arith.constant 0 : i32
    %c0_i32_0 = arith.constant 0 : i32
    %c0_i32_1 = arith.constant 0 : i32
    return %c0_i32, %c0_i32_0 : i32, i32
  }
  func.func @transform_3(%arg0: i32) -> (i32, i32) {
    %c0_i32 = arith.constant 0 : i32
    %c0_i32_0 = arith.constant 0 : i32
    %c0_i32_1 = arith.constant 0 : i32
    return %c0_i32, %c0_i32_0 : i32, i32
  }
  func.func @transform_4(%arg0: i32) -> (i32, i32) {
    %c0_i32 = arith.constant 0 : i32
    %c0_i32_0 = arith.constant 0 : i32
    return %arg0, %c0_i32 : i32, i32
  }
}

</mosaic_0001>

<sc_bundles>
// kernel: kernel.12.cloned.1.call-start
scs
__scs_entry_jumppad:
0x0: {  	(pc) =	sbr.rel $0x88, $3  }
0x1: {  	(tag) =	ssettag $0x0;
	lr =	simm.s32 $0x1  }
0x2: {  	[smem:$0x3F8F] =	sst lr;
	_ =	strace $0xD0000000  }
0x3: {  	_ = 	snop  }
0x4: {  	_ = 	snop  }
0x5: {  	_ = 	snop  }
0x6: {  	_ = 	snop  }
0x7: {  	_ = 	snop  }
__scs_overlays_trampoline_lowered:
0x8: {  	[smem:$0x3F9E] =	sst s0  }
0x9: {  	[smem:$0x3F9F] =	sst s1  }
0xa: {  	[smem:$0x3FA0] =	sst s2  }
0xb: {  	[smem:$0x3FA1] =	sst s3  }
0xc: {  	[smem:$0x3FA2] =	sst s4  }
0xd: {  	[smem:$0x3FA3] =	sst s5  }
0xe: {  	[smem:$0x3FA4] =	sst s6  }
0xf: {  	[smem:$0x3FA5] =	sst s7  }
0x10: {  	[smem:$0x3FA6] =	sst s8  }
0x11: {  	[smem:$0x3FA7] =	sst s9;
	s0 =	simm.s32 @!p0 $0x0  }
0x12: {  	s1 =	sld [smem:$0x3F8D];
	s0 =	simm.s32 @p0 $0x1  }
0x13: {  	[smem:$0x3FA8] =	sst s0;
	s0 =	simm.s32 @!p1 $0x0  }
0x14: {  	s2 =	sld [smem:$0x3F8C];
	s0 =	simm.s32 @p1 $0x1  }
0x15: {  	[smem:$0x3FA9] =	sst s0;
	s0 =	simm.s32 @!p2 $0x0  }
0x16: {  	s3 =	sld [smem:$0x3FDB];
	s0 =	simm.s32 @p2 $0x1  }
0x17: {  	s4 =	simm.s32 $0x1BF5;
	[smem:$0x3FAB] =	sst s0  }
0x18: {  	s0 =	sld [smem:$0x3F8E];
	_ =	swait.ge [sflag:s4], $0x0  }
0x19: {  	s7 =	sld [smem:$0x3F8F]  }
0x1a: {  	s8 =	sadd.s32 $0xFFFFE003, lr  }
0x1b: {  	s9 =	sadd.s32 $0xFFFFFEF7, lr;
	s5 =	simm.s32 $0xFFFFFFFF;
	p2 =	slt.u32 s8, $0xFFFFF086  }
0x1c: {  	p1 =	slt.u32 s9, $0xF7A;
	s5 =	simm.s32 @!p2 $0x0  }
0x1d: {  	s5 =	simm.s32 @p1 $0x1;
	p0 =	seq.s32 s7, s2  }
0x1e: {  	s7 =	smul.u32 @!p0 $0xF7A, s2;
	p2 =	seq.s32 @!p0 s5, $0x0  }
0x1f: {  	s9 =	smul.u32 $0xF7A, s1;
	s8 =	simm.s32 @!p0 $0x1BF5;
	p2 =	por !p2, p0  }
0x20: {  	[sflag:s8] =	ssyncset.s32 @!p0 $0xFFFFF086;
	s6 =	sadd.s32 @!p0 s3, s7;
	s7 =	simm.s32 @!p0 $0x108  }
0x21: {  	s3 =	sadd.s32 s3, s9;
	s6 =	sadd.s32 @!p0 $0x88, s6;
	s7 =	simm.s32 @p2 $0x1082  }
0x22: {  	[simem:s7], [sflag:s8] =	dma.local @!p0 [hbm:s6], $0xF7A  }
0x23: {  	s9 =	sor.u32 $0xD0000000, s2;
	s6 =	simm.s32 $0x108;
	_ =	swait.ge @!p0 [sflag:s8], $0x0  }
0x24: {  	s3 =	sadd.s32 $0x88, s3;
	s6 =	simm.s32 @!p1 $0x1082;
	[sflag:s4] =	ssyncset.s32 $0xFFFFF086  }
0x25: {  	[simem:s6], [sflag:s4] =	dma.local [hbm:s3], $0xF7A  }
0x26: {  	[smem:$0x3F8F] =	sst s1;
	(tag) =	ssettag s2;
	_ =	strace s9  }
0x27: {  	s1 =	sld [smem:$0x3F9F]  }
0x28: {  	s2 =	sld [smem:$0x3FA0]  }
0x29: {  	s4 =	sld [smem:$0x3FA2]  }
0x2a: {  	p0 =	seq.s32 s5, $0x0;
	s5 =	sld [smem:$0x3FA3]  }
0x2b: {  	s6 =	sld [smem:$0x3FA4]  }
0x2c: {  	s7 =	sld [smem:$0x3FA5]  }
0x2d: {  	s3 =	simm.s32 $0x108;
	s8 =	sld [smem:$0x3FA6]  }
0x2e: {  	s3 =	simm.s32 @!p0 $0x1082;
	s9 =	sld [smem:$0x3FA7]  }
0x2f: {  	lr =	sadd.s32 s0, s3;
	s0 =	sld [smem:$0x3F9E]  }
0x30: {  	s3 =	sld [smem:$0x3FA1]  }
0x31: {  	[smem:$0x3FAA] =	sst s10  }
0x32: {  	s10 =	sld [smem:$0x3FA8];
	_ =	sdelay $0x3  }
0x33: {  	p0 =	seq.s32 s10, $0x1;
	s10 =	sld [smem:$0x3FAA];
	_ =	sdelay $0x3  }
0x34: {  	[smem:$0x3FAA] =	sst s10  }
0x35: {  	s10 =	sld [smem:$0x3FA9];
	_ =	sdelay $0x3  }
0x36: {  	p1 =	seq.s32 s10, $0x1;
	s10 =	sld [smem:$0x3FAA];
	_ =	sdelay $0x3  }
0x37: {  	[smem:$0x3FAA] =	sst s10  }
0x38: {  	s10 =	sld [smem:$0x3FAB]  }
0x39: {  	_ = 	snop;
	(pc) =	sbr.ind lr, $3  }
0x3a: {  	_ = 	snop  }
0x3b: {  	_ = 	snop  }
0x3c: {  	p2 =	seq.s32 s10, $0x1;
	s10 =	sld [smem:$0x3FAA]  }
0x3d: {  	_ =	shalt  }
0x3e: {  	_ =	shalt  }
0x3f: {  	_ =	shalt  }
0x40: {  	_ =	shalt  }
0x41: {  	_ =	shalt  }
0x42: {  	_ =	shalt  }
0x43: {  	_ =	shalt  }
0x44: {  	_ =	shalt  }
0x45: {  	_ =	shalt  }
0x46: {  	_ =	shalt  }
0x47: {  	_ =	shalt  }
0x48: {  	_ =	shalt  }
0x49: {  	_ =	shalt  }
0x4a: {  	_ =	shalt  }
0x4b: {  	_ =	shalt  }
0x4c: {  	_ =	shalt  }
0x4d: {  	_ =	shalt  }
0x4e: {  	_ =	shalt  }
0x4f: {  	_ =	shalt  }
0x50: {  	_ =	shalt  }
0x51: {  	_ =	shalt  }
0x52: {  	_ =	shalt  }
0x53: {  	_ =	shalt  }
0x54: {  	_ =	shalt  }
0x55: {  	_ =	shalt  }
0x56: {  	_ =	shalt  }
0x57: {  	_ =	shalt  }
0x58: {  	_ =	shalt  }
0x59: {  	_ =	shalt  }
0x5a: {  	_ =	shalt  }
0x5b: {  	_ =	shalt  }
0x5c: {  	_ =	shalt  }
0x5d: {  	_ =	shalt  }
0x5e: {  	_ =	shalt  }
0x5f: {  	_ =	shalt  }
0x60: {  	_ =	shalt  }
0x61: {  	_ =	shalt  }
0x62: {  	_ =	shalt  }
0x63: {  	_ =	shalt  }
0x64: {  	_ =	shalt  }
0x65: {  	_ =	shalt  }
0x66: {  	_ =	shalt  }
0x67: {  	_ =	shalt  }
0x68: {  	_ =	shalt  }
0x69: {  	_ =	shalt  }
0x6a: {  	_ =	shalt  }
0x6b: {  	_ =	shalt  }
0x6c: {  	_ =	shalt  }
0x6d: {  	_ =	shalt  }
0x6e: {  	_ =	shalt  }
0x6f: {  	_ =	shalt  }
0x70: {  	_ =	shalt  }
0x71: {  	_ =	shalt  }
0x72: {  	_ =	shalt  }
0x73: {  	_ =	shalt  }
0x74: {  	_ =	shalt  }
0x75: {  	_ =	shalt  }
0x76: {  	_ =	shalt  }
0x77: {  	_ =	shalt  }
0x78: {  	_ =	shalt  }
0x79: {  	_ =	shalt  }
0x7a: {  	_ =	shalt  }
0x7b: {  	_ =	shalt  }
0x7c: {  	_ =	shalt  }
0x7d: {  	_ =	shalt  }
0x7e: {  	_ =	shalt  }
0x7f: {  	_ =	shalt  }
0x80: {  	_ =	shalt  }
0x81: {  	_ =	shalt  }
0x82: {  	_ =	shalt  }
0x83: {  	_ =	shalt  }
0x84: {  	_ =	shalt  }
0x85: {  	_ =	shalt  }
0x86: {  	_ =	shalt  }
0x87: {  	_ =	shalt  }
.Lfunc_end0:
.L_simem_size_0:
called_computation.1_lowered:
.L_overlay_start_0:
0x88: {  	s2 =	sld [smem:$0x3FD9]  }
0x89: {  	s3 =	sld [smem:$0x3FFE];
	_ =	sdelay $0x1  }
0x8a: {  	s1 =	srdreg.scid  }
0x8b: {  	s0 =	sand.u32 $0x1, s1  }
0x8c: {  	s17 =	sshll.u32 s0, $0xA;
	s2 =	sadd.s32 s3, s2  }
0x8d: {  	s2 =	sadd.s32 s2, s17  }
0x8e: {  	[smem:$0x3FB6] =	sst s2  }
0x8f: {  	_ = 	snop  }
0x90: {  	s2 =	sld [smem:$0x3FC8]  }
0x91: {  	s18 =	sld [smem:$0x3FC3];
	(tm) =	ssettm $0x1  }
0x92: {  	s4 =	sld [smem:$0x3FFB];
	_ =	sdelay $0x3  }
0x93: {  	_ =	strace s4  }
0x94: {  	s4 =	sld [smem:$0x3FFC];
	_ =	sdelay $0x3  }
0x95: {  	_ =	strace s4  }
0x96: {  	s4 =	sld [smem:$0x3FFD];
	_ =	sdelay $0x3  }
0x97: {  	_ =	strace s4  }
0x98: {  	_ =	strace $0x8FFFFFFF  }
0x99: {  	s19 =	sld [smem:$0x3FDB];
	_ =	sdelay $0x1  }
0x9a: {  	s5 =	simm.s32 $_scs_section_size  }
0x9b: {  	s6 =	simm.s32 $_size__tile_overlayer_lowered;
	s7 =	simm.s32 $_tile_overlayer_lowered  }
0x9c: {  	s22 =	simm.s32 $0x1BFF;
	s21 =	sshll.u32 s7, $0x1;
	s4 =	sadd.s32 s5, s19  }
0x9d: {  	s8 =	simm.s32 $0x0;
	s20 =	sshll.u32 s6, $0x1;
	s6 =	sadd.s32 s21, s4  }
0x9e: {  	[timem:s8], [sflag:s22] =	dma.local [hbm:s6], s20  }
0x9f: {  	_ =	swait.ge [sflag:s22], s20  }
0xa0: {  	s5 =	ssub.s32 $0x0, s20;
	[sflag:s22] =	ssyncset.done $0x0  }
0xa1: {  	[sflag:s22] =	ssyncadd.s32 s5;
	_ =	sdelay $0x1  }
0xa2: {  	s23 =	simm.s32 $0x1B8B  }
0xa3: {  	_ =	swait.ge [sflag:s23], $0x1  }
0xa4: {  	[sflag:s23] =	ssyncset.done $0x0  }
0xa5: {  	s25 =	simm.s32 $0x1B8E;
	s24 =	sld [smem:$0x3FFE];
	[sflag:s23] =	ssyncadd.s32 $0xFFFFFFFF  }
0xa6: {  	s26 =	simm.s32 $execute0_lowered;
	[smem:$0x3FD2] =	sst s25  }
0xa7: {  	s6 =	sshll.u32 s26, $0x1;
	_ =	strace $0x80000046;
	[dreg:$0x1] =	wrdreg $0xFFFFFFFF  }
0xa8: {  	s28 =	simm.s32 $_size_execute0_lowered;
	s4 =	sadd.s32 s4, s6;
	[dreg:$0x0] =	wrdreg $0x0  }
0xa9: {  	s6 =	sshll.u32 s28, $0x1;
	[dreg:$0x2] =	wrdreg s4  }
0xaa: {  	[dreg:$0x3] =	wrdreg s6  }
0xab: {  	[dreg:$0x4] =	wrdreg $0xC0  }
0xac: {  	_ =	task [dreg:s8], $0x5FFFF  }
0xad: {  	[dreg:$0x1] =	wrdreg $0xFFFFFFFF  }
0xae: {  	[dreg:$0x0] =	wrdreg $0x60  }
0xaf: {  	[dreg:$0x2] =	wrdreg s24  }
0xb0: {  	[dreg:$0x3] =	wrdreg s2  }
0xb1: {  	[dreg:$0x4] =	wrdreg s18  }
0xb2: {  	[dreg:$0x5] =	wrdreg $0xA  }
0xb3: {  	_ =	task.clear_ibuf [dreg:s8], $0x6FFFF;
	_ =	strace $0x90000046  }
0xb4: {  	s29 =	simm.s32 $0xA;
	_ =	strace $0x80000048  }
0xb5: {  	_ =	swait.ge [sflag:s29], $0x1  }
0xb6: {  	[sflag:s29] =	ssyncadd.s32 $0xFFFFFFFF  }
0xb7: {  	_ =	strace $0x90000048  }
0xb8: {  	_ =	sfence  }
0xb9: {  	s30 =	sld [smem:$0x0];
	_ =	sdelay $0x2  }
0xba: {  	s31 =	sshll.u32 s1, $0xD;
	s1 =	sshrl.u32 s1, $0x2  }
0xbb: {  	s3 =	sand.u32 $0x4000, s31;
	s1 =	sadd.s32 s1, s30  }
0xbc: {  	s0 =	sor.u32 s3, s0;
	s1 =	sshll.u32 s1, $0x11  }
0xbd: {  	s0 =	sor.u32 s1, s0  }
0xbe: {  	s0 =	sadd.s32 $0x8F2B, s0  }
0xbf: {  	[sflag:s0] =	ssyncadd.remote.s32 $0x1  }
0xc0: {  	_ =	sfence.sel $0xFFFF  }
0xc1: {  	[dreg:$0x0] =	wrdreg $0xFFFFFFFF;
	(pc) =	sbr.abs _section_cstart, $3  }
0xc2: {  	[dreg:$0x1] =	wrdreg $0xFFFFFFFF  }
0xc3: {  	_ =	task.clear_ibuf [dreg:s8], $0x2FFFF;
	_ =	strace $0x9FFFFFFF  }
0xc4: {  	(tm) =	ssettm $0x7FFFFFFF  }
0xc5: {  	_ =	shalt  }
tec
execute0_lowered:
.L_overlay_start_1:
0x0: {  	(tag) =	ssettag $0x1  }
0x1: {  	s4 =	rddreg [dreg:$0x0]  }
0x2: {  	s1 =	srdreg.scid;
	s6 =	rddreg [dreg:$0x1]  }
0x3: {  	s0 =	stileid.u32;
	s2 =	rddreg [dreg:$0x2];
	s3 =	simm.s32 $0x0  }
0x4: {  	s10 =	simm.s32 $0x200;
	s5 =	sand.u32 $0x1, s1;
	s7 =	smul.u32 $0x4E20, s0  }
0x5: {  	s11 =	simm.s32 $0x400;
	s1 =	rddreg [dreg:$0x3];
	s8 =	smul.u32 $0x2710, s5  }
0x6: {  	s12 =	simm.s32 $0x0;
	[smem:$0x7FF] =	sst s3;
	s5 =	ssub.s32 $0x2, s5  }
0x7: {  	_ =	strace $0x80000047;
	s30 =	sshrl.u32 s5, $0x1;
	s7 =	sadd.s32 s8, s7  }
0x8: {  	s31 =	ssub.s32 s5, s30;
	s8 =	simm.s32 $0x600;
	s7 =	sshrl.u32 s7, $0x3  }
0x9: {  	s9 =	sadd.s32 s7, s4;
	s4 =	smax.u32 s31, $0x1;
	s6 =	sadd.s32 s7, s6  }
0xa: {  	s5 =	sadd.s32 $0x17400, s9;
	s7 =	sadd.s32 $0xD600, s9;
	s9 =	simm.s32 $0x1  }
.LBB2_1:
0xb: {  	[tilespmem:s8], [sflag:$0x1] =	stream.linear.gather [hbm4b:s2+s3], $0x2780, $0x38;
	[tilespmem:$0x2D80] =	vst v63  }
0xc: {  	_ =	swait.ge [sflag:s9], $0x2780  }
0xd: {  	[sflag:s9] =	ssyncset.done $0x0  }
0xe: {  	s13 =	sadd.s32 $0x0, s7;
	[sflag:s9] =	ssyncadd.s32 $0xFFFFD880  }
0xf: {  	[tilespmem:s3], [sflag:$0x1] =	stream.linear.gather [hbm4b:s13+s3], $0x190, $0x38;
	[tilespmem:$0x2D80] =	vst v63  }
0x10: {  	_ =	swait.ge [sflag:s9], $0x190  }
0x11: {  	[sflag:s9] =	ssyncset.done $0x0  }
0x12: {  	s30 =	sadd.s32 $0x0, s6;
	[sflag:s9] =	ssyncadd.s32 $0xFFFFFE70  }
0x13: {  	[tilespmem:s10], [sflag:$0x1] =	stream.linear.gather [hbm4b:s30+s3], $0x190, $0x38;
	[tilespmem:$0x2D80] =	vst v63  }
0x14: {  	_ =	swait.ge [sflag:s9], $0x190  }
0x15: {  	[sflag:s9] =	ssyncset.done $0x0  }
0x16: {  	[sflag:s9] =	ssyncadd.s32 $0xFFFFFE70  }
0x17: {  	v0 =	vld [tilespmem:$0x0];
	_ =	sdelay $0x5  }
0x18: {  	v1 =	vld [tilespmem:$0x10]  }
0x19: {  	v2 =	vld [tilespmem:$0x200]  }
0x1a: {  	v0 =	vld.idx.msk [tilespmem:v0+s8+$0x0], $0xffff;
	_ =	sdelay $0x4  }
0x1b: {  	v0 =	vsub.f32 v2, v0  }
0x1c: {  	v17 =	vld [tilespmem:$0x20]  }
0x1d: {  	v18 =	vld [tilespmem:$0x210];
	[tilespmem:$0x400] =	vst v0  }
0x1e: {  	v1 =	vld.idx.msk [tilespmem:v1+s8+$0x0], $0xffff;
	_ =	sdelay $0x4  }
0x1f: {  	v1 =	vsub.f32 v18, v1  }
0x20: {  	v19 =	vld [tilespmem:$0x30]  }
0x21: {  	v20 =	vld [tilespmem:$0x220];
	[tilespmem:$0x410] =	vst v1  }
0x22: {  	v0 =	vld.idx.msk [tilespmem:v17+s8+$0x0], $0xffff;
	_ =	sdelay $0x4  }
0x23: {  	v0 =	vsub.f32 v20, v0  }
0x24: {  	v21 =	vld [tilespmem:$0x40]  }
0x25: {  	v22 =	vld [tilespmem:$0x230];
	[tilespmem:$0x420] =	vst v0  }
0x26: {  	v1 =	vld.idx.msk [tilespmem:v19+s8+$0x0], $0xffff;
	_ =	sdelay $0x4  }
0x27: {  	v1 =	vsub.f32 v22, v1  }
0x28: {  	v23 =	vld [tilespmem:$0x50]  }
0x29: {  	v24 =	vld [tilespmem:$0x240];
	[tilespmem:$0x430] =	vst v1  }
0x2a: {  	v0 =	vld.idx.msk [tilespmem:v21+s8+$0x0], $0xffff;
	_ =	sdelay $0x4  }
0x2b: {  	v0 =	vsub.f32 v24, v0  }
0x2c: {  	v25 =	vld [tilespmem:$0x60]  }
0x2d: {  	v26 =	vld [tilespmem:$0x250];
	[tilespmem:$0x440] =	vst v0  }
0x2e: {  	v1 =	vld.idx.msk [tilespmem:v23+s8+$0x0], $0xffff;
	_ =	sdelay $0x4  }
0x2f: {  	v1 =	vsub.f32 v26, v1  }
0x30: {  	v27 =	vld [tilespmem:$0x70]  }
0x31: {  	v28 =	vld [tilespmem:$0x260];
	[tilespmem:$0x450] =	vst v1  }
0x32: {  	v0 =	vld.idx.msk [tilespmem:v25+s8+$0x0], $0xffff;
	_ =	sdelay $0x4  }
0x33: {  	v0 =	vsub.f32 v28, v0  }
0x34: {  	v29 =	vld [tilespmem:$0x80]  }
0x35: {  	v30 =	vld [tilespmem:$0x270];
	[tilespmem:$0x460] =	vst v0  }
0x36: {  	v1 =	vld.idx.msk [tilespmem:v27+s8+$0x0], $0xffff;
	_ =	sdelay $0x4  }
0x37: {  	v1 =	vsub.f32 v30, v1  }
0x38: {  	v31 =	vld [tilespmem:$0x90]  }
0x39: {  	v32 =	vld [tilespmem:$0x280];
	[tilespmem:$0x470] =	vst v1  }
0x3a: {  	v0 =	vld.idx.msk [tilespmem:v29+s8+$0x0], $0xffff;
	_ =	sdelay $0x4  }
0x3b: {  	v0 =	vsub.f32 v32, v0  }
0x3c: {  	v33 =	vld [tilespmem:$0xA0]  }
0x3d: {  	v34 =	vld [tilespmem:$0x290];
	[tilespmem:$0x480] =	vst v0  }
0x3e: {  	v1 =	vld.idx.msk [tilespmem:v31+s8+$0x0], $0xffff;
	_ =	sdelay $0x4  }
0x3f: {  	v1 =	vsub.f32 v34, v1  }
0x40: {  	v35 =	vld [tilespmem:$0xB0]  }
0x41: {  	v36 =	vld [tilespmem:$0x2A0];
	[tilespmem:$0x490] =	vst v1  }
0x42: {  	v0 =	vld.idx.msk [tilespmem:v33+s8+$0x0], $0xffff;
	_ =	sdelay $0x4  }
0x43: {  	v0 =	vsub.f32 v36, v0  }
0x44: {  	v37 =	vld [tilespmem:$0xC0]  }
0x45: {  	v38 =	vld [tilespmem:$0x2B0];
	[tilespmem:$0x4A0] =	vst v0  }
0x46: {  	v1 =	vld.idx.msk [tilespmem:v35+s8+$0x0], $0xffff;
	_ =	sdelay $0x4  }
0x47: {  	v1 =	vsub.f32 v38, v1  }
0x48: {  	v39 =	vld [tilespmem:$0xD0]  }
0x49: {  	v40 =	vld [tilespmem:$0x2C0];
	[tilespmem:$0x4B0] =	vst v1  }
0x4a: {  	v0 =	vld.idx.msk [tilespmem:v37+s8+$0x0], $0xffff;
	_ =	sdelay $0x4  }
0x4b: {  	v0 =	vsub.f32 v40, v0  }
0x4c: {  	v41 =	vld [tilespmem:$0xE0]  }
0x4d: {  	v42 =	vld [tilespmem:$0x2D0];
	[tilespmem:$0x4C0] =	vst v0  }
0x4e: {  	v1 =	vld.idx.msk [tilespmem:v39+s8+$0x0], $0xffff;
	_ =	sdelay $0x4  }
0x4f: {  	v1 =	vsub.f32 v42, v1  }
0x50: {  	v43 =	vld [tilespmem:$0xF0]  }
0x51: {  	v44 =	vld [tilespmem:$0x2E0];
	[tilespmem:$0x4D0] =	vst v1  }
0x52: {  	v0 =	vld.idx.msk [tilespmem:v41+s8+$0x0], $0xffff;
	_ =	sdelay $0x4  }
0x53: {  	v0 =	vsub.f32 v44, v0  }
0x54: {  	v45 =	vld [tilespmem:$0x100]  }
0x55: {  	v46 =	vld [tilespmem:$0x2F0];
	[tilespmem:$0x4E0] =	vst v0  }
0x56: {  	v1 =	vld.idx.msk [tilespmem:v43+s8+$0x0], $0xffff;
	_ =	sdelay $0x4  }
0x57: {  	v1 =	vsub.f32 v46, v1  }
0x58: {  	v47 =	vld [tilespmem:$0x110]  }
0x59: {  	v48 =	vld [tilespmem:$0x300];
	[tilespmem:$0x4F0] =	vst v1  }
0x5a: {  	v0 =	vld.idx.msk [tilespmem:v45+s8+$0x0], $0xffff;
	_ =	sdelay $0x4  }
0x5b: {  	v0 =	vsub.f32 v48, v0  }
0x5c: {  	v49 =	vld [tilespmem:$0x120]  }
0x5d: {  	v50 =	vld [tilespmem:$0x310];
	[tilespmem:$0x500] =	vst v0  }
0x5e: {  	v1 =	vld.idx.msk [tilespmem:v47+s8+$0x0], $0xffff;
	_ =	sdelay $0x4  }
0x5f: {  	v1 =	vsub.f32 v50, v1  }
0x60: {  	v51 =	vld [tilespmem:$0x130]  }
0x61: {  	v52 =	vld [tilespmem:$0x320];
	[tilespmem:$0x510] =	vst v1  }
0x62: {  	v0 =	vld.idx.msk [tilespmem:v49+s8+$0x0], $0xffff;
	_ =	sdelay $0x4  }
0x63: {  	v0 =	vsub.f32 v52, v0  }
0x64: {  	v53 =	vld [tilespmem:$0x140]  }
0x65: {  	v54 =	vld [tilespmem:$0x330];
	[tilespmem:$0x520] =	vst v0  }
0x66: {  	v1 =	vld.idx.msk [tilespmem:v51+s8+$0x0], $0xffff;
	_ =	sdelay $0x4  }
0x67: {  	v1 =	vsub.f32 v54, v1  }
0x68: {  	v55 =	vld [tilespmem:$0x150]  }
0x69: {  	v56 =	vld [tilespmem:$0x340];
	[tilespmem:$0x530] =	vst v1  }
0x6a: {  	v0 =	vld.idx.msk [tilespmem:v53+s8+$0x0], $0xffff;
	_ =	sdelay $0x4  }
0x6b: {  	v0 =	vsub.f32 v56, v0  }
0x6c: {  	v57 =	vld [tilespmem:$0x160]  }
0x6d: {  	v58 =	vld [tilespmem:$0x350];
	[tilespmem:$0x540] =	vst v0  }
0x6e: {  	v1 =	vld.idx.msk [tilespmem:v55+s8+$0x0], $0xffff;
	_ =	sdelay $0x4  }
0x6f: {  	v1 =	vsub.f32 v58, v1  }
0x70: {  	v59 =	vld [tilespmem:$0x170]  }
0x71: {  	v60 =	vld [tilespmem:$0x360];
	[tilespmem:$0x550] =	vst v1  }
0x72: {  	v0 =	vld.idx.msk [tilespmem:v57+s8+$0x0], $0xffff;
	_ =	sdelay $0x4  }
0x73: {  	v0 =	vsub.f32 v60, v0  }
0x74: {  	v61 =	vld [tilespmem:$0x180]  }
0x75: {  	v62 =	vld [tilespmem:$0x370];
	[tilespmem:$0x560] =	vst v0  }
0x76: {  	v1 =	vld.idx.msk [tilespmem:v59+s8+$0x0], $0xffff;
	_ =	sdelay $0x4  }
0x77: {  	v1 =	vsub.f32 v62, v1;
	_ =	sdelay $0x1  }
0x78: {  	v63 =	vld [tilespmem:$0x380];
	[tilespmem:$0x570] =	vst v1  }
0x79: {  	v0 =	vld.idx.msk [tilespmem:v61+s8+$0x0], $0xffff;
	_ =	sdelay $0x4  }
0x7a: {  	v0 =	vsub.f32 v63, v0;
	_ =	sdelay $0x1  }
0x7b: {  	s31 =	sadd.s32 $0x0, s5;
	[tilespmem:$0x580] =	vst v0  }
0x7c: {  	[hbm4b:s31+s3] =	stream.linear.scatter [tilespmem:s11], [sflag:$0x1], $0x190, $0x38;
	[tilespmem:$0x2D80] =	vst v63  }
0x7d: {  	_ =	swait.ge [sflag:s9], $0x190  }
0x7e: {  	s16 =	simm.s32 $0x64;
	s13 =	simm.s32 $0x32;
	[sflag:s9] =	ssyncset.done $0x0  }
.LBB2_2:
0x7f: {  	s17 =	sadd.s32 s13, s7  }
0x80: {  	[sflag:s9] =	ssyncadd.s32 $0xFFFFFE70;
	s15 =	smov.u32 s16;
	s14 =	sadd.s32 $0x32, s16  }
0x81: {  	[tilespmem:s3], [sflag:$0x1] =	stream.linear.gather [hbm4b:s17+s3], $0x190, $0x38;
	[tilespmem:$0x2D80] =	vst v63  }
0x82: {  	p0 =	sne.s32 s16, $0x4B0;
	_ =	swait.ge [sflag:s9], $0x190  }
0x83: {  	[sflag:s9] =	ssyncset.done $0x0  }
0x84: {  	s16 =	sadd.s32 s13, s6;
	[sflag:s9] =	ssyncadd.s32 $0xFFFFFE70  }
0x85: {  	[tilespmem:s10], [sflag:$0x1] =	stream.linear.gather [hbm4b:s16+s3], $0x190, $0x38;
	[tilespmem:$0x2D80] =	vst v63  }
0x86: {  	_ =	swait.ge [sflag:s9], $0x190  }
0x87: {  	[sflag:s9] =	ssyncset.done $0x0  }
0x88: {  	[sflag:s9] =	ssyncadd.s32 $0xFFFFFE70  }
0x89: {  	v0 =	vld [tilespmem:$0x0];
	_ =	sdelay $0x6  }
0x8a: {  	v1 =	vld [tilespmem:$0x10]  }
0x8b: {  	v0 =	vld.idx.msk [tilespmem:v0+s8+$0x0], $0xffff  }
0x8c: {  	v2 =	vld [tilespmem:$0x200];
	_ =	sdelay $0x4  }
0x8d: {  	v0 =	vsub.f32 v2, v0;
	_ =	sdelay $0x1  }
0x8e: {  	[tilespmem:$0x400] =	vst v0;
	v0 =	vld [tilespmem:$0x20]  }
0x8f: {  	v1 =	vld.idx.msk [tilespmem:v1+s8+$0x0], $0xffff  }
0x90: {  	v2 =	vld [tilespmem:$0x210];
	_ =	sdelay $0x4  }
0x91: {  	v1 =	vsub.f32 v2, v1;
	_ =	sdelay $0x1  }
0x92: {  	[tilespmem:$0x410] =	vst v1;
	v1 =	vld [tilespmem:$0x30]  }
0x93: {  	v0 =	vld.idx.msk [tilespmem:v0+s8+$0x0], $0xffff  }
0x94: {  	v2 =	vld [tilespmem:$0x220];
	_ =	sdelay $0x4  }
0x95: {  	v0 =	vsub.f32 v2, v0;
	_ =	sdelay $0x1  }
0x96: {  	[tilespmem:$0x420] =	vst v0;
	v0 =	vld [tilespmem:$0x40]  }
0x97: {  	v1 =	vld.idx.msk [tilespmem:v1+s8+$0x0], $0xffff  }
0x98: {  	v2 =	vld [tilespmem:$0x230];
	_ =	sdelay $0x4  }
0x99: {  	v1 =	vsub.f32 v2, v1;
	_ =	sdelay $0x1  }
0x9a: {  	[tilespmem:$0x430] =	vst v1;
	v1 =	vld [tilespmem:$0x50]  }
0x9b: {  	v0 =	vld.idx.msk [tilespmem:v0+s8+$0x0], $0xffff  }
0x9c: {  	v2 =	vld [tilespmem:$0x240];
	_ =	sdelay $0x4  }
0x9d: {  	v0 =	vsub.f32 v2, v0;
	_ =	sdelay $0x1  }
0x9e: {  	[tilespmem:$0x440] =	vst v0;
	v0 =	vld [tilespmem:$0x60]  }
0x9f: {  	v1 =	vld.idx.msk [tilespmem:v1+s8+$0x0], $0xffff  }
0xa0: {  	v2 =	vld [tilespmem:$0x250];
	_ =	sdelay $0x4  }
0xa1: {  	v1 =	vsub.f32 v2, v1;
	_ =	sdelay $0x1  }
0xa2: {  	[tilespmem:$0x450] =	vst v1;
	v1 =	vld [tilespmem:$0x70]  }
0xa3: {  	v0 =	vld.idx.msk [tilespmem:v0+s8+$0x0], $0xffff  }
0xa4: {  	v2 =	vld [tilespmem:$0x260];
	_ =	sdelay $0x4  }
0xa5: {  	v0 =	vsub.f32 v2, v0;
	_ =	sdelay $0x1  }
0xa6: {  	[tilespmem:$0x460] =	vst v0;
	v0 =	vld [tilespmem:$0x80]  }
0xa7: {  	v1 =	vld.idx.msk [tilespmem:v1+s8+$0x0], $0xffff  }
0xa8: {  	v2 =	vld [tilespmem:$0x270];
	_ =	sdelay $0x4  }
0xa9: {  	v1 =	vsub.f32 v2, v1;
	_ =	sdelay $0x1  }
0xaa: {  	[tilespmem:$0x470] =	vst v1;
	v1 =	vld [tilespmem:$0x90]  }
0xab: {  	v0 =	vld.idx.msk [tilespmem:v0+s8+$0x0], $0xffff  }
0xac: {  	v2 =	vld [tilespmem:$0x280];
	_ =	sdelay $0x4  }
0xad: {  	v0 =	vsub.f32 v2, v0;
	_ =	sdelay $0x1  }
0xae: {  	[tilespmem:$0x480] =	vst v0;
	v0 =	vld [tilespmem:$0xA0]  }
0xaf: {  	v1 =	vld.idx.msk [tilespmem:v1+s8+$0x0], $0xffff  }
0xb0: {  	v2 =	vld [tilespmem:$0x290];
	_ =	sdelay $0x4  }
0xb1: {  	v1 =	vsub.f32 v2, v1;
	_ =	sdelay $0x1  }
0xb2: {  	[tilespmem:$0x490] =	vst v1;
	v1 =	vld [tilespmem:$0xB0]  }
0xb3: {  	v0 =	vld.idx.msk [tilespmem:v0+s8+$0x0], $0xffff  }
0xb4: {  	v2 =	vld [tilespmem:$0x2A0];
	_ =	sdelay $0x4  }
0xb5: {  	v0 =	vsub.f32 v2, v0;
	_ =	sdelay $0x1  }
0xb6: {  	[tilespmem:$0x4A0] =	vst v0;
	v0 =	vld [tilespmem:$0xC0]  }
0xb7: {  	v1 =	vld.idx.msk [tilespmem:v1+s8+$0x0], $0xffff  }
0xb8: {  	v2 =	vld [tilespmem:$0x2B0];
	_ =	sdelay $0x4  }
0xb9: {  	v1 =	vsub.f32 v2, v1;
	_ =	sdelay $0x1  }
0xba: {  	[tilespmem:$0x4B0] =	vst v1;
	v1 =	vld [tilespmem:$0xD0]  }
0xbb: {  	v0 =	vld.idx.msk [tilespmem:v0+s8+$0x0], $0xffff  }
0xbc: {  	v2 =	vld [tilespmem:$0x2C0];
	_ =	sdelay $0x4  }
0xbd: {  	v0 =	vsub.f32 v2, v0;
	_ =	sdelay $0x1  }
0xbe: {  	[tilespmem:$0x4C0] =	vst v0;
	v0 =	vld [tilespmem:$0xE0]  }
0xbf: {  	v1 =	vld.idx.msk [tilespmem:v1+s8+$0x0], $0xffff  }
0xc0: {  	v2 =	vld [tilespmem:$0x2D0];
	_ =	sdelay $0x4  }
0xc1: {  	v1 =	vsub.f32 v2, v1;
	_ =	sdelay $0x1  }
0xc2: {  	[tilespmem:$0x4D0] =	vst v1;
	v1 =	vld [tilespmem:$0xF0]  }
0xc3: {  	v0 =	vld.idx.msk [tilespmem:v0+s8+$0x0], $0xffff  }
0xc4: {  	v2 =	vld [tilespmem:$0x2E0];
	_ =	sdelay $0x4  }
0xc5: {  	v0 =	vsub.f32 v2, v0;
	_ =	sdelay $0x1  }
0xc6: {  	[tilespmem:$0x4E0] =	vst v0;
	v0 =	vld [tilespmem:$0x100]  }
0xc7: {  	v1 =	vld.idx.msk [tilespmem:v1+s8+$0x0], $0xffff  }
0xc8: {  	v2 =	vld [tilespmem:$0x2F0];
	_ =	sdelay $0x4  }
0xc9: {  	v1 =	vsub.f32 v2, v1;
	_ =	sdelay $0x1  }
0xca: {  	[tilespmem:$0x4F0] =	vst v1;
	v1 =	vld [tilespmem:$0x110]  }
0xcb: {  	v0 =	vld.idx.msk [tilespmem:v0+s8+$0x0], $0xffff  }
0xcc: {  	v2 =	vld [tilespmem:$0x300];
	_ =	sdelay $0x4  }
0xcd: {  	v0 =	vsub.f32 v2, v0;
	_ =	sdelay $0x1  }
0xce: {  	[tilespmem:$0x500] =	vst v0;
	v0 =	vld [tilespmem:$0x120]  }
0xcf: {  	v1 =	vld.idx.msk [tilespmem:v1+s8+$0x0], $0xffff  }
0xd0: {  	v2 =	vld [tilespmem:$0x310];
	_ =	sdelay $0x4  }
0xd1: {  	v1 =	vsub.f32 v2, v1;
	_ =	sdelay $0x1  }
0xd2: {  	[tilespmem:$0x510] =	vst v1;
	v1 =	vld [tilespmem:$0x130]  }
0xd3: {  	v0 =	vld.idx.msk [tilespmem:v0+s8+$0x0], $0xffff  }
0xd4: {  	v2 =	vld [tilespmem:$0x320];
	_ =	sdelay $0x4  }
0xd5: {  	v0 =	vsub.f32 v2, v0;
	_ =	sdelay $0x1  }
0xd6: {  	[tilespmem:$0x520] =	vst v0;
	v0 =	vld [tilespmem:$0x140]  }
0xd7: {  	v1 =	vld.idx.msk [tilespmem:v1+s8+$0x0], $0xffff  }
0xd8: {  	v2 =	vld [tilespmem:$0x330];
	_ =	sdelay $0x4  }
0xd9: {  	v1 =	vsub.f32 v2, v1;
	_ =	sdelay $0x1  }
0xda: {  	[tilespmem:$0x530] =	vst v1;
	v1 =	vld [tilespmem:$0x150]  }
0xdb: {  	v0 =	vld.idx.msk [tilespmem:v0+s8+$0x0], $0xffff  }
0xdc: {  	v2 =	vld [tilespmem:$0x340];
	_ =	sdelay $0x4  }
0xdd: {  	v0 =	vsub.f32 v2, v0;
	_ =	sdelay $0x1  }
0xde: {  	[tilespmem:$0x540] =	vst v0;
	v0 =	vld [tilespmem:$0x160]  }
0xdf: {  	v1 =	vld.idx.msk [tilespmem:v1+s8+$0x0], $0xffff  }
0xe0: {  	v2 =	vld [tilespmem:$0x350];
	_ =	sdelay $0x4  }
0xe1: {  	v1 =	vsub.f32 v2, v1;
	_ =	sdelay $0x1  }
0xe2: {  	[tilespmem:$0x550] =	vst v1;
	v1 =	vld [tilespmem:$0x170]  }
0xe3: {  	v0 =	vld.idx.msk [tilespmem:v0+s8+$0x0], $0xffff  }
0xe4: {  	v2 =	vld [tilespmem:$0x360];
	_ =	sdelay $0x4  }
0xe5: {  	v0 =	vsub.f32 v2, v0;
	_ =	sdelay $0x1  }
0xe6: {  	[tilespmem:$0x560] =	vst v0;
	v0 =	vld [tilespmem:$0x180]  }
0xe7: {  	v1 =	vld.idx.msk [tilespmem:v1+s8+$0x0], $0xffff  }
0xe8: {  	v2 =	vld [tilespmem:$0x370];
	_ =	sdelay $0x4  }
0xe9: {  	v1 =	vsub.f32 v2, v1;
	_ =	sdelay $0x1  }
0xea: {  	[tilespmem:$0x570] =	vst v1  }
0xeb: {  	v0 =	vld.idx.msk [tilespmem:v0+s8+$0x0], $0xffff  }
0xec: {  	v1 =	vld [tilespmem:$0x380];
	_ =	sdelay $0x4  }
0xed: {  	v0 =	vsub.f32 v1, v0  }
.Ltmp0:
0xee: {  	(pc) =	sbr.rel @p0 .LBB2_2-.Ltmp0, $4  }
0xef: {  	s16 =	sadd.s32 s13, s5;
	s13 =	smov.u32 s15;
	[tilespmem:$0x580] =	vst v0  }
0xf0: {  	[hbm4b:s16+s3] =	stream.linear.scatter [tilespmem:s11], [sflag:$0x1], $0x190, $0x38;
	[tilespmem:$0x2D80] =	vst v63  }
0xf1: {  	_ =	swait.ge [sflag:s9], $0x190  }
0xf2: {  	s16 =	smov.u32 s14;
	[sflag:s9] =	ssyncset.done $0x0  }
0xf3: {  	s14 =	sadd.s32 s13, s7;
	[sflag:s9] =	ssyncadd.s32 $0xFFFFFE70  }
0xf4: {  	[tilespmem:s3], [sflag:$0x1] =	stream.linear.gather [hbm4b:s14+s3], $0x190, $0x38;
	[tilespmem:$0x2D80] =	vst v63  }
0xf5: {  	_ =	swait.ge [sflag:s9], $0x190  }
0xf6: {  	[sflag:s9] =	ssyncset.done $0x0  }
0xf7: {  	s30 =	sadd.s32 s13, s6;
	[sflag:s9] =	ssyncadd.s32 $0xFFFFFE70  }
0xf8: {  	[tilespmem:s10], [sflag:$0x1] =	stream.linear.gather [hbm4b:s30+s3], $0x190, $0x38;
	[tilespmem:$0x2D80] =	vst v63  }
0xf9: {  	_ =	swait.ge [sflag:s9], $0x190  }
0xfa: {  	[sflag:s9] =	ssyncset.done $0x0  }
0xfb: {  	[sflag:s9] =	ssyncadd.s32 $0xFFFFFE70  }
0xfc: {  	v0 =	vld [tilespmem:$0x0];
	_ =	sdelay $0x5  }
0xfd: {  	v1 =	vld [tilespmem:$0x10]  }
0xfe: {  	v2 =	vld [tilespmem:$0x200]  }
0xff: {  	v0 =	vld.idx.msk [tilespmem:v0+s8+$0x0], $0xffff;
	_ =	sdelay $0x4  }
0x100: {  	v0 =	vsub.f32 v2, v0  }
0x101: {  	v17 =	vld [tilespmem:$0x20]  }
0x102: {  	v18 =	vld [tilespmem:$0x210];
	[tilespmem:$0x400] =	vst v0  }
0x103: {  	v1 =	vld.idx.msk [tilespmem:v1+s8+$0x0], $0xffff;
	_ =	sdelay $0x4  }
0x104: {  	v1 =	vsub.f32 v18, v1  }
0x105: {  	v19 =	vld [tilespmem:$0x30]  }
0x106: {  	v20 =	vld [tilespmem:$0x220];
	[tilespmem:$0x410] =	vst v1  }
0x107: {  	v0 =	vld.idx.msk [tilespmem:v17+s8+$0x0], $0xffff;
	_ =	sdelay $0x4  }
0x108: {  	v0 =	vsub.f32 v20, v0  }
0x109: {  	v21 =	vld [tilespmem:$0x40]  }
0x10a: {  	v22 =	vld [tilespmem:$0x230];
	[tilespmem:$0x420] =	vst v0  }
0x10b: {  	v1 =	vld.idx.msk [tilespmem:v19+s8+$0x0], $0xffff;
	_ =	sdelay $0x4  }
0x10c: {  	v1 =	vsub.f32 v22, v1  }
0x10d: {  	v23 =	vld [tilespmem:$0x50]  }
0x10e: {  	v24 =	vld [tilespmem:$0x240];
	[tilespmem:$0x430] =	vst v1  }
0x10f: {  	v0 =	vld.idx.msk [tilespmem:v21+s8+$0x0], $0xffff;
	_ =	sdelay $0x4  }
0x110: {  	v0 =	vsub.f32 v24, v0  }
0x111: {  	v25 =	vld [tilespmem:$0x60]  }
0x112: {  	v26 =	vld [tilespmem:$0x250];
	[tilespmem:$0x440] =	vst v0  }
0x113: {  	v1 =	vld.idx.msk [tilespmem:v23+s8+$0x0], $0xffff;
	_ =	sdelay $0x4  }
0x114: {  	v1 =	vsub.f32 v26, v1  }
0x115: {  	v27 =	vld [tilespmem:$0x70]  }
0x116: {  	v28 =	vld [tilespmem:$0x260];
	[tilespmem:$0x450] =	vst v1  }
0x117: {  	v0 =	vld.idx.msk [tilespmem:v25+s8+$0x0], $0xffff;
	_ =	sdelay $0x4  }
0x118: {  	v0 =	vsub.f32 v28, v0  }
0x119: {  	v29 =	vld [tilespmem:$0x80]  }
0x11a: {  	v30 =	vld [tilespmem:$0x270];
	[tilespmem:$0x460] =	vst v0  }
0x11b: {  	v1 =	vld.idx.msk [tilespmem:v27+s8+$0x0], $0xffff;
	_ =	sdelay $0x4  }
0x11c: {  	v1 =	vsub.f32 v30, v1  }
0x11d: {  	v31 =	vld [tilespmem:$0x90]  }
0x11e: {  	v32 =	vld [tilespmem:$0x280];
	[tilespmem:$0x470] =	vst v1  }
0x11f: {  	v0 =	vld.idx.msk [tilespmem:v29+s8+$0x0], $0xffff;
	_ =	sdelay $0x4  }
0x120: {  	v0 =	vsub.f32 v32, v0  }
0x121: {  	v33 =	vld [tilespmem:$0xA0]  }
0x122: {  	v34 =	vld [tilespmem:$0x290];
	[tilespmem:$0x480] =	vst v0  }
0x123: {  	v1 =	vld.idx.msk [tilespmem:v31+s8+$0x0], $0xffff;
	_ =	sdelay $0x4  }
0x124: {  	v1 =	vsub.f32 v34, v1  }
0x125: {  	v35 =	vld [tilespmem:$0xB0]  }
0x126: {  	v36 =	vld [tilespmem:$0x2A0];
	[tilespmem:$0x490] =	vst v1  }
0x127: {  	v0 =	vld.idx.msk [tilespmem:v33+s8+$0x0], $0xffff;
	_ =	sdelay $0x4  }
0x128: {  	v0 =	vsub.f32 v36, v0  }
0x129: {  	v37 =	vld [tilespmem:$0xC0]  }
0x12a: {  	v38 =	vld [tilespmem:$0x2B0];
	[tilespmem:$0x4A0] =	vst v0  }
0x12b: {  	v1 =	vld.idx.msk [tilespmem:v35+s8+$0x0], $0xffff;
	_ =	sdelay $0x4  }
0x12c: {  	v1 =	vsub.f32 v38, v1  }
0x12d: {  	v39 =	vld [tilespmem:$0xD0]  }
0x12e: {  	v40 =	vld [tilespmem:$0x2C0];
	[tilespmem:$0x4B0] =	vst v1  }
0x12f: {  	v0 =	vld.idx.msk [tilespmem:v37+s8+$0x0], $0xffff;
	_ =	sdelay $0x4  }
0x130: {  	v0 =	vsub.f32 v40, v0  }
0x131: {  	v41 =	vld [tilespmem:$0xE0]  }
0x132: {  	v42 =	vld [tilespmem:$0x2D0];
	[tilespmem:$0x4C0] =	vst v0  }
0x133: {  	v1 =	vld.idx.msk [tilespmem:v39+s8+$0x0], $0xffff;
	_ =	sdelay $0x4  }
0x134: {  	v1 =	vsub.f32 v42, v1  }
0x135: {  	v43 =	vld [tilespmem:$0xF0]  }
0x136: {  	v44 =	vld [tilespmem:$0x2E0];
	[tilespmem:$0x4D0] =	vst v1  }
0x137: {  	v0 =	vld.idx.msk [tilespmem:v41+s8+$0x0], $0xffff;
	_ =	sdelay $0x4  }
0x138: {  	v0 =	vsub.f32 v44, v0  }
0x139: {  	v45 =	vld [tilespmem:$0x100]  }
0x13a: {  	v46 =	vld [tilespmem:$0x2F0];
	[tilespmem:$0x4E0] =	vst v0  }
0x13b: {  	v1 =	vld.idx.msk [tilespmem:v43+s8+$0x0], $0xffff;
	_ =	sdelay $0x4  }
0x13c: {  	v1 =	vsub.f32 v46, v1  }
0x13d: {  	v47 =	vld [tilespmem:$0x110]  }
0x13e: {  	v48 =	vld [tilespmem:$0x300];
	[tilespmem:$0x4F0] =	vst v1  }
0x13f: {  	v0 =	vld.idx.msk [tilespmem:v45+s8+$0x0], $0xffff;
	_ =	sdelay $0x4  }
0x140: {  	v0 =	vsub.f32 v48, v0  }
0x141: {  	v49 =	vld [tilespmem:$0x120]  }
0x142: {  	v50 =	vld [tilespmem:$0x310];
	[tilespmem:$0x500] =	vst v0  }
0x143: {  	v1 =	vld.idx.msk [tilespmem:v47+s8+$0x0], $0xffff;
	_ =	sdelay $0x4  }
0x144: {  	v1 =	vsub.f32 v50, v1  }
0x145: {  	v51 =	vld [tilespmem:$0x130]  }
0x146: {  	v52 =	vld [tilespmem:$0x320];
	[tilespmem:$0x510] =	vst v1  }
0x147: {  	v0 =	vld.idx.msk [tilespmem:v49+s8+$0x0], $0xffff;
	_ =	sdelay $0x4  }
0x148: {  	v0 =	vsub.f32 v52, v0  }
0x149: {  	v53 =	vld [tilespmem:$0x140]  }
0x14a: {  	v54 =	vld [tilespmem:$0x330];
	[tilespmem:$0x520] =	vst v0  }
0x14b: {  	v1 =	vld.idx.msk [tilespmem:v51+s8+$0x0], $0xffff;
	_ =	sdelay $0x4  }
0x14c: {  	v1 =	vsub.f32 v54, v1  }
0x14d: {  	v55 =	vld [tilespmem:$0x150]  }
0x14e: {  	v56 =	vld [tilespmem:$0x340];
	[tilespmem:$0x530] =	vst v1  }
0x14f: {  	v0 =	vld.idx.msk [tilespmem:v53+s8+$0x0], $0xffff;
	_ =	sdelay $0x4  }
0x150: {  	v0 =	vsub.f32 v56, v0  }
0x151: {  	v57 =	vld [tilespmem:$0x160]  }
0x152: {  	v58 =	vld [tilespmem:$0x350];
	[tilespmem:$0x540] =	vst v0  }
0x153: {  	v1 =	vld.idx.msk [tilespmem:v55+s8+$0x0], $0xffff;
	_ =	sdelay $0x4  }
0x154: {  	v1 =	vsub.f32 v58, v1  }
0x155: {  	v59 =	vld [tilespmem:$0x170]  }
0x156: {  	v60 =	vld [tilespmem:$0x360];
	[tilespmem:$0x550] =	vst v1  }
0x157: {  	v0 =	vld.idx.msk [tilespmem:v57+s8+$0x0], $0xffff;
	_ =	sdelay $0x4  }
0x158: {  	v0 =	vsub.f32 v60, v0  }
0x159: {  	v61 =	vld [tilespmem:$0x180]  }
0x15a: {  	v62 =	vld [tilespmem:$0x370];
	[tilespmem:$0x560] =	vst v0  }
0x15b: {  	v1 =	vld.idx.msk [tilespmem:v59+s8+$0x0], $0xffff;
	_ =	sdelay $0x4  }
0x15c: {  	v1 =	vsub.f32 v62, v1;
	_ =	sdelay $0x1  }
0x15d: {  	v63 =	vld [tilespmem:$0x380];
	[tilespmem:$0x570] =	vst v1  }
0x15e: {  	v0 =	vld.idx.msk [tilespmem:v61+s8+$0x0], $0xffff;
	_ =	sdelay $0x4  }
0x15f: {  	s12 =	sadd.s32 $0x1, s12;
	v0 =	vsub.f32 v63, v0  }
0x160: {  	p0 =	sne.s32 s12, s4  }
.Ltmp1:
0x161: {  	s31 =	sadd.s32 s13, s5;
	[tilespmem:$0x580] =	vst v0;
	(pc) =	sbr.rel @p0 .LBB2_1-.Ltmp1, $4  }
0x162: {  	[hbm4b:s31+s3] =	stream.linear.scatter [tilespmem:s11], [sflag:$0x1], $0x190, $0x38;
	[tilespmem:$0x2D80] =	vst v63  }
0x163: {  	_ =	swait.ge [sflag:s9], $0x190  }
0x164: {  	[sflag:s9] =	ssyncset.done $0x0  }
0x165: {  	[sflag:s9] =	ssyncadd.s32 $0xFFFFFE70  }
0x166: {  	_ =	sfence.sel $0x180000  }
0x167: {  	[bflag:$0x0] =	sbarrier.arrive $0xFFFF  }
0x168: {  	p0 =	sne.s32 s0, $0x0;
	_ =	strace $0x90000047  }
0x169: {  	s0 =	sadd.s32 @!p0 $0x100000, s1;
	[bflag:$0x2] =	sbarrier.arrive $0xFFFF  }
0x16a: {  	[sflag:s0] =	ssyncadd.tile.s32 @!p0 $0x1;
	_ =	shalt  }
.Lfunc_end2:
_tile_overlayer_lowered:
.L_overlay_start_2:
0x16b: {  	(tag) =	ssettag $0x2  }
0x16c: {  	s0 =	rddreg [dreg:$0x0];
	s2 =	stileid.u32  }
0x16d: {  	s1 =	rddreg [dreg:$0x1];
	p0 =	sne.s32 s2, $0x0  }
0x16e: {  	s3 =	rddreg [dreg:$0x2];
	[bflag:$0x3] =	sbarrier.arrive $0xFFFF;
	s2 =	simm.s32 @!p0 $0x1C01  }
0x16f: {  	[timem:s3], [sflag:s2] =	dma.local @!p0 [hbm:s0], s1  }
0x170: {  	s0 =	simm.s32 @!p0 $0x1  }
0x171: {  	_ =	swait.ge @!p0 [sflag:s0], s1  }
0x172: {  	s1 =	ssub.s32 @!p0 $0x0, s1;
	[sflag:s0] =	ssyncset.done @!p0 $0x0  }
0x173: {  	[sflag:s0] =	ssyncadd.s32 @!p0 s1  }
0x174: {  	[bflag:$0x3] =	sbarrier.arrive $0xFFFF  }
0x175: {  	_ =	shalt  }

// kernel: kernel.15.cloned.1.call-start
scs
__scs_entry_jumppad:
0x0: {  	(pc) =	sbr.rel $0x88, $3  }
0x1: {  	(tag) =	ssettag $0x0;
	lr =	simm.s32 $0x1  }
0x2: {  	[smem:$0x3F8F] =	sst lr;
	_ =	strace $0xD0000000  }
0x3: {  	_ = 	snop  }
0x4: {  	_ = 	snop  }
0x5: {  	_ = 	snop  }
0x6: {  	_ = 	snop  }
0x7: {  	_ = 	snop  }
__scs_overlays_trampoline_lowered:
0x8: {  	[smem:$0x3F9E] =	sst s0  }
0x9: {  	[smem:$0x3F9F] =	sst s1  }
0xa: {  	[smem:$0x3FA0] =	sst s2  }
0xb: {  	[smem:$0x3FA1] =	sst s3  }
0xc: {  	[smem:$0x3FA2] =	sst s4  }
0xd: {  	[smem:$0x3FA3] =	sst s5  }
0xe: {  	[smem:$0x3FA4] =	sst s6  }
0xf: {  	[smem:$0x3FA5] =	sst s7  }
0x10: {  	[smem:$0x3FA6] =	sst s8  }
0x11: {  	[smem:$0x3FA7] =	sst s9;
	s0 =	simm.s32 @!p0 $0x0  }
0x12: {  	s1 =	sld [smem:$0x3F8D];
	s0 =	simm.s32 @p0 $0x1  }
0x13: {  	[smem:$0x3FA8] =	sst s0;
	s0 =	simm.s32 @!p1 $0x0  }
0x14: {  	s2 =	sld [smem:$0x3F8C];
	s0 =	simm.s32 @p1 $0x1  }
0x15: {  	[smem:$0x3FA9] =	sst s0;
	s0 =	simm.s32 @!p2 $0x0  }
0x16: {  	s3 =	sld [smem:$0x3FDB];
	s0 =	simm.s32 @p2 $0x1  }
0x17: {  	s4 =	simm.s32 $0x1BF5;
	[smem:$0x3FAB] =	sst s0  }
0x18: {  	s0 =	sld [smem:$0x3F8E];
	_ =	swait.ge [sflag:s4], $0x0  }
0x19: {  	s7 =	sld [smem:$0x3F8F]  }
0x1a: {  	s8 =	sadd.s32 $0xFFFFE003, lr  }
0x1b: {  	s9 =	sadd.s32 $0xFFFFFEF7, lr;
	s5 =	simm.s32 $0xFFFFFFFF;
	p2 =	slt.u32 s8, $0xFFFFF086  }
0x1c: {  	p1 =	slt.u32 s9, $0xF7A;
	s5 =	simm.s32 @!p2 $0x0  }
0x1d: {  	s5 =	simm.s32 @p1 $0x1;
	p0 =	seq.s32 s7, s2  }
0x1e: {  	s7 =	smul.u32 @!p0 $0xF7A, s2;
	p2 =	seq.s32 @!p0 s5, $0x0  }
0x1f: {  	s9 =	smul.u32 $0xF7A, s1;
	s8 =	simm.s32 @!p0 $0x1BF5;
	p2 =	por !p2, p0  }
0x20: {  	[sflag:s8] =	ssyncset.s32 @!p0 $0xFFFFF086;
	s6 =	sadd.s32 @!p0 s3, s7;
	s7 =	simm.s32 @!p0 $0x108  }
0x21: {  	s3 =	sadd.s32 s3, s9;
	s6 =	sadd.s32 @!p0 $0x88, s6;
	s7 =	simm.s32 @p2 $0x1082  }
0x22: {  	[simem:s7], [sflag:s8] =	dma.local @!p0 [hbm:s6], $0xF7A  }
0x23: {  	s9 =	sor.u32 $0xD0000000, s2;
	s6 =	simm.s32 $0x108;
	_ =	swait.ge @!p0 [sflag:s8], $0x0  }
0x24: {  	s3 =	sadd.s32 $0x88, s3;
	s6 =	simm.s32 @!p1 $0x1082;
	[sflag:s4] =	ssyncset.s32 $0xFFFFF086  }
0x25: {  	[simem:s6], [sflag:s4] =	dma.local [hbm:s3], $0xF7A  }
0x26: {  	[smem:$0x3F8F] =	sst s1;
	(tag) =	ssettag s2;
	_ =	strace s9  }
0x27: {  	s1 =	sld [smem:$0x3F9F]  }
0x28: {  	s2 =	sld [smem:$0x3FA0]  }
0x29: {  	s4 =	sld [smem:$0x3FA2]  }
0x2a: {  	p0 =	seq.s32 s5, $0x0;
	s5 =	sld [smem:$0x3FA3]  }
0x2b: {  	s6 =	sld [smem:$0x3FA4]  }
0x2c: {  	s7 =	sld [smem:$0x3FA5]  }
0x2d: {  	s3 =	simm.s32 $0x108;
	s8 =	sld [smem:$0x3FA6]  }
0x2e: {  	s3 =	simm.s32 @!p0 $0x1082;
	s9 =	sld [smem:$0x3FA7]  }
0x2f: {  	lr =	sadd.s32 s0, s3;
	s0 =	sld [smem:$0x3F9E]  }
0x30: {  	s3 =	sld [smem:$0x3FA1]  }
0x31: {  	[smem:$0x3FAA] =	sst s10  }
0x32: {  	s10 =	sld [smem:$0x3FA8];
	_ =	sdelay $0x3  }
0x33: {  	p0 =	seq.s32 s10, $0x1;
	s10 =	sld [smem:$0x3FAA];
	_ =	sdelay $0x3  }
0x34: {  	[smem:$0x3FAA] =	sst s10  }
0x35: {  	s10 =	sld [smem:$0x3FA9];
	_ =	sdelay $0x3  }
0x36: {  	p1 =	seq.s32 s10, $0x1;
	s10 =	sld [smem:$0x3FAA];
	_ =	sdelay $0x3  }
0x37: {  	[smem:$0x3FAA] =	sst s10  }
0x38: {  	s10 =	sld [smem:$0x3FAB]  }
0x39: {  	_ = 	snop;
	(pc) =	sbr.ind lr, $3  }
0x3a: {  	_ = 	snop  }
0x3b: {  	_ = 	snop  }
0x3c: {  	p2 =	seq.s32 s10, $0x1;
	s10 =	sld [smem:$0x3FAA]  }
0x3d: {  	_ =	shalt  }
0x3e: {  	_ =	shalt  }
0x3f: {  	_ =	shalt  }
0x40: {  	_ =	shalt  }
0x41: {  	_ =	shalt  }
0x42: {  	_ =	shalt  }
0x43: {  	_ =	shalt  }
0x44: {  	_ =	shalt  }
0x45: {  	_ =	shalt  }
0x46: {  	_ =	shalt  }
0x47: {  	_ =	shalt  }
0x48: {  	_ =	shalt  }
0x49: {  	_ =	shalt  }
0x4a: {  	_ =	shalt  }
0x4b: {  	_ =	shalt  }
0x4c: {  	_ =	shalt  }
0x4d: {  	_ =	shalt  }
0x4e: {  	_ =	shalt  }
0x4f: {  	_ =	shalt  }
0x50: {  	_ =	shalt  }
0x51: {  	_ =	shalt  }
0x52: {  	_ =	shalt  }
0x53: {  	_ =	shalt  }
0x54: {  	_ =	shalt  }
0x55: {  	_ =	shalt  }
0x56: {  	_ =	shalt  }
0x57: {  	_ =	shalt  }
0x58: {  	_ =	shalt  }
0x59: {  	_ =	shalt  }
0x5a: {  	_ =	shalt  }
0x5b: {  	_ =	shalt  }
0x5c: {  	_ =	shalt  }
0x5d: {  	_ =	shalt  }
0x5e: {  	_ =	shalt  }
0x5f: {  	_ =	shalt  }
0x60: {  	_ =	shalt  }
0x61: {  	_ =	shalt  }
0x62: {  	_ =	shalt  }
0x63: {  	_ =	shalt  }
0x64: {  	_ =	shalt  }
0x65: {  	_ =	shalt  }
0x66: {  	_ =	shalt  }
0x67: {  	_ =	shalt  }
0x68: {  	_ =	shalt  }
0x69: {  	_ =	shalt  }
0x6a: {  	_ =	shalt  }
0x6b: {  	_ =	shalt  }
0x6c: {  	_ =	shalt  }
0x6d: {  	_ =	shalt  }
0x6e: {  	_ =	shalt  }
0x6f: {  	_ =	shalt  }
0x70: {  	_ =	shalt  }
0x71: {  	_ =	shalt  }
0x72: {  	_ =	shalt  }
0x73: {  	_ =	shalt  }
0x74: {  	_ =	shalt  }
0x75: {  	_ =	shalt  }
0x76: {  	_ =	shalt  }
0x77: {  	_ =	shalt  }
0x78: {  	_ =	shalt  }
0x79: {  	_ =	shalt  }
0x7a: {  	_ =	shalt  }
0x7b: {  	_ =	shalt  }
0x7c: {  	_ =	shalt  }
0x7d: {  	_ =	shalt  }
0x7e: {  	_ =	shalt  }
0x7f: {  	_ =	shalt  }
0x80: {  	_ =	shalt  }
0x81: {  	_ =	shalt  }
0x82: {  	_ =	shalt  }
0x83: {  	_ =	shalt  }
0x84: {  	_ =	shalt  }
0x85: {  	_ =	shalt  }
0x86: {  	_ =	shalt  }
0x87: {  	_ =	shalt  }
.Lfunc_end0:
.L_simem_size_0:
called_computation.2_lowered:
.L_overlay_start_0:
0x88: {  	s2 =	sld [smem:$0x3FD9]  }
0x89: {  	s3 =	sld [smem:$0x3FFE];
	_ =	sdelay $0x1  }
0x8a: {  	s1 =	srdreg.scid  }
0x8b: {  	s0 =	sand.u32 $0x1, s1  }
0x8c: {  	s17 =	sshll.u32 s0, $0xA;
	s2 =	sadd.s32 s3, s2  }
0x8d: {  	s2 =	sadd.s32 s2, s17  }
0x8e: {  	[smem:$0x3FB6] =	sst s2  }
0x8f: {  	_ = 	snop  }
0x90: {  	(tm) =	ssettm $0x1  }
0x91: {  	s18 =	sld [smem:$0x3FFB];
	_ =	sdelay $0x3  }
0x92: {  	_ =	strace s18  }
0x93: {  	s2 =	sld [smem:$0x3FFC];
	_ =	sdelay $0x3  }
0x94: {  	_ =	strace s2  }
0x95: {  	s2 =	sld [smem:$0x3FFD];
	_ =	sdelay $0x3  }
0x96: {  	_ =	strace s2  }
0x97: {  	_ =	strace $0x8FFFFFFF  }
0x98: {  	s19 =	sld [smem:$0x3FDB];
	_ =	sdelay $0x1  }
0x99: {  	s20 =	simm.s32 $_scs_section_size  }
0x9a: {  	s4 =	simm.s32 $_size__tile_overlayer_lowered;
	s5 =	simm.s32 $_tile_overlayer_lowered  }
0x9b: {  	s6 =	simm.s32 $0x1BFF;
	s21 =	sshll.u32 s5, $0x1;
	s3 =	sadd.s32 s20, s19  }
0x9c: {  	s22 =	simm.s32 $0x0;
	s4 =	sshll.u32 s4, $0x1;
	s5 =	sadd.s32 s21, s3  }
0x9d: {  	[timem:s22], [sflag:s6] =	dma.local [hbm:s5], s4  }
0x9e: {  	_ =	swait.ge [sflag:s6], s4  }
0x9f: {  	s4 =	ssub.s32 $0x0, s4;
	[sflag:s6] =	ssyncset.done $0x0  }
0xa0: {  	[sflag:s6] =	ssyncadd.s32 s4;
	_ =	sdelay $0x1  }
0xa1: {  	s23 =	simm.s32 $0x1B8B  }
0xa2: {  	_ =	swait.ge [sflag:s23], $0x1  }
0xa3: {  	[sflag:s23] =	ssyncset.done $0x0  }
0xa4: {  	[sflag:s23] =	ssyncadd.s32 $0xFFFFFFFF  }
0xa5: {  	s4 =	sld [smem:$0x0]  }
0xa6: {  	s5 =	sand.u32 $0xFFFFFFFE, s1  }
0xa7: {  	p0 =	sne.s32 s1, s5  }
0xa8: {  	s5 =	sshll.u32 @p0 s5, $0xE  }
0xa9: {  	s5 =	sadd.s32 @p0 $0x11B8D, s5;
	s6 =	sshll.u32 @p0 s4, $0x11  }
0xaa: {  	s5 =	sor.u32 @p0 s6, s5  }
0xab: {  	[sflag:s5] =	ssyncadd.remote.s32 @p0 $0x1;
	_ =	sdelay $0x1  }
0xac: {  	s5 =	simm.s32 @p0 $0x1B8D  }
0xad: {  	_ =	swait.eq @p0 [sflag:s5], $0x1  }
0xae: {  	[sflag:s5] =	ssyncadd.s32 @p0 $0xFFFFFFFF  }
0xaf: {  	s6 =	sshll.u32 @!p0 s1, $0xE  }
0xb0: {  	s6 =	sor.u32 @!p0 $0x4000, s6;
	s5 =	simm.s32 @!p0 $0x1B8D  }
0xb1: {  	s4 =	sshll.u32 @!p0 s4, $0x11;
	s6 =	sadd.s32 @!p0 $0x11B8D, s6;
	_ =	swait.eq @!p0 [sflag:s5], $0x1  }
0xb2: {  	s4 =	sor.u32 @!p0 s4, s6;
	[sflag:s5] =	ssyncadd.s32 @!p0 $0xFFFFFFFF  }
0xb3: {  	s25 =	simm.s32 $0x1B8E;
	s24 =	sld [smem:$0x3FFE];
	[sflag:s4] =	ssyncadd.remote.s32 @!p0 $0x1  }
0xb4: {  	s26 =	simm.s32 $execute0_lowered;
	[smem:$0x3FD2] =	sst s25  }
0xb5: {  	s5 =	sshll.u32 s26, $0x1;
	_ =	strace $0x8000004C;
	[dreg:$0x1] =	wrdreg $0xFFFFFFFF  }
0xb6: {  	s28 =	simm.s32 $_size_execute0_lowered;
	s3 =	sadd.s32 s3, s5;
	[dreg:$0x0] =	wrdreg $0x0  }
0xb7: {  	s5 =	sshll.u32 s28, $0x1;
	[dreg:$0x2] =	wrdreg s3  }
0xb8: {  	[dreg:$0x3] =	wrdreg s5  }
0xb9: {  	[dreg:$0x4] =	wrdreg $0xC0  }
0xba: {  	_ =	task [dreg:s22], $0x5FFFF  }
0xbb: {  	[dreg:$0x1] =	wrdreg $0xFFFFFFFF  }
0xbc: {  	[dreg:$0x0] =	wrdreg $0x60  }
0xbd: {  	[dreg:$0x2] =	wrdreg s24  }
0xbe: {  	[dreg:$0x3] =	wrdreg $0x7A000  }
0xbf: {  	[dreg:$0x4] =	wrdreg $0xA  }
0xc0: {  	_ =	task.clear_ibuf [dreg:s22], $0x5FFFF;
	_ =	strace $0x9000004C  }
0xc1: {  	s29 =	simm.s32 $0xA;
	_ =	strace $0x8000004E  }
0xc2: {  	_ =	swait.ge [sflag:s29], $0x1  }
0xc3: {  	[sflag:s29] =	ssyncadd.s32 $0xFFFFFFFF  }
0xc4: {  	_ =	strace $0x9000004E  }
0xc5: {  	_ =	sfence  }
0xc6: {  	s30 =	sld [smem:$0x0];
	_ =	sdelay $0x2  }
0xc7: {  	s31 =	sshll.u32 s1, $0xD;
	s1 =	sshrl.u32 s1, $0x2  }
0xc8: {  	s4 =	sand.u32 $0x4000, s31;
	s1 =	sadd.s32 s1, s30  }
0xc9: {  	s0 =	sor.u32 s4, s0;
	s1 =	sshll.u32 s1, $0x11  }
0xca: {  	s0 =	sor.u32 s1, s0  }
0xcb: {  	s0 =	sadd.s32 $0x8F2B, s0  }
0xcc: {  	[sflag:s0] =	ssyncadd.remote.s32 $0x1  }
0xcd: {  	_ =	sfence.sel $0xFFFF  }
0xce: {  	[dreg:$0x0] =	wrdreg $0xFFFFFFFF;
	(pc) =	sbr.abs _section_cstart, $3  }
0xcf: {  	[dreg:$0x1] =	wrdreg $0xFFFFFFFF  }
0xd0: {  	_ =	task.clear_ibuf [dreg:s22], $0x2FFFF;
	_ =	strace $0x9FFFFFFF  }
0xd1: {  	(tm) =	ssettm $0x7FFFFFFF  }
tec
execute0_lowered:
.L_overlay_start_1:
0x0: {  	(tag) =	ssettag $0x1  }
0x1: {  	s0 =	rddreg [dreg:$0x0]  }
0x2: {  	s1 =	rddreg [dreg:$0x1];
	s2 =	simm.s32 $0x0;
	s4 =	srdreg.scid  }
0x3: {  	s18 =	stileid.u32;
	s19 =	simm.s32 $0x5200;
	s28 =	simm.s32 $0x2  }
0x4: {  	s29 =	simm.s32 $0x0;
	[smem:$0x7FF] =	sst s2;
	s3 =	sadd.s32 $0xD600, s0  }
0x5: {  	s15 =	sadd.s32 $0x3800, s0;
	s12 =	sand.u32 $0x1, s4;
	s5 =	smul.u32 $0x2780, s18  }
0x6: {  	s13 =	sadd.s32 $0xA36A00, s0;
	s7 =	sshll.u32 s18, $0x1;
	s8 =	smul.u32 $0x4F000, s18  }
0x7: {  	s20 =	sadd.s32 $0x21200, s0;
	s21 =	sadd.s32 $0x17400, s0;
	s14 =	smul.u32 $0x4E20, s18  }
0x8: {  	s25 =	sshll.u32 s18, $0x6;
	s30 =	smul.u32 $0x4E200, s18;
	s18 =	simm.s32 $0x3  }
0x9: {  	_ =	strace $0x8000004D;
	s6 =	smul.u32 $0x27800, s12;
	[dreg:$0x3] =	wrdreg s20  }
0xa: {  	s7 =	sor.u32 s12, s7;
	s9 =	ssub.s32 $0x2, s12;
	s16 =	smul.u32 $0x2710, s12  }
0xb: {  	[dreg:$0x4] =	wrdreg s21;
	s12 =	smul.u32 $0x27100, s12;
	s20 =	simm.s32 $0x80  }
0xc: {  	s21 =	simm.s32 $0x100;
	s7 =	smul.u32 $0x2710, s7;
	s22 =	sshrl.u32 s9, $0x1  }
0xd: {  	s23 =	sshrl.u32 s8, $0x2;
	s6 =	sadd.s32 s5, s6;
	s11 =	ssub.s32 s9, s22  }
0xe: {  	s17 =	sadd.s32 s23, s1;
	s14 =	sadd.s32 s16, s14;
	s22 =	simm.s32 $0x2900  }
0xf: {  	s23 =	simm.s32 $0x2980;
	s0 =	sadd.s32 s6, s0;
	s24 =	sadd.s32 $0x26C0, s7  }
0x10: {  	s6 =	sor.u32 $0x1C03, s25;
	s11 =	smax.u32 s11, $0x1;
	s16 =	sshrl.u32 s14, $0x3  }
0x11: {  	s14 =	sadd.s32 $0x50, s14;
	s17 =	sshrl.u32 s17, $0x3;
	s25 =	simm.s32 $0x1  }
0x12: {  	s26 =	sshrl.u32 s24, $0x3;
	s9 =	sshll.u32 s24, $0x4;
	s10 =	sadd.s32 $0x72A00, s0  }
0x13: {  	s0 =	sadd.s32 s30, s13;
	s31 =	sshrl.u32 s14, $0x3;
	s14 =	sadd.s32 s16, s3  }
0x14: {  	s24 =	simm.s32 $0x2A00;
	s7 =	sadd.s32 s3, s26;
	s8 =	sadd.s32 s15, s26  }
0x15: {  	s9 =	sadd.s32 s13, s9;
	s12 =	sadd.s32 s12, s0;
	s13 =	sadd.s32 s16, s15  }
0x16: {  	s15 =	sadd.s32 s31, s15;
	s16 =	sadd.s32 s31, s3;
	s26 =	simm.s32 $0x50  }
.LBB2_1:
0x17: {  	s0 =	rddreg [dreg:$0x3]  }
0x18: {  	[spmem:s17], [sflag:s6] =	dma.local [hbm:s0], $0x2780  }
0x19: {  	_ =	swait.ge [sflag:s18], $0x2780  }
0x1a: {  	[sflag:s18] =	ssyncset.done $0x0  }
0x1b: {  	s3 =	rddreg [dreg:$0x4];
	[sflag:s18] =	ssyncadd.s32 $0xFFFFD880  }
0x1c: {  	[tilespmem:s19], [sflag:$0x3] =	stream.linear.gather [hbm4b:s3+s2], $0x2800, $0x38;
	[tilespmem:$0x1B600] =	vst v63  }
0x1d: {  	_ =	swait.ge [sflag:s18], $0x2800  }
0x1e: {  	[sflag:s18] =	ssyncset.done $0x0  }
0x1f: {  	[sflag:s18] =	ssyncadd.s32 $0xFFFFD800  }
0x20: {  	s4 =	sadd.s32 $0x0, s14;
	[bflag:$0x0] =	sbarrier.arrive $0xFFFF  }
0x21: {  	[tilespmem:s2], [sflag:$0x3] =	stream.linear.gather [hbm4b:s4+s2], $0x50, $0x38;
	[tilespmem:$0x1B600] =	vst v63  }
0x22: {  	_ =	swait.ge [sflag:s18], $0x50  }
0x23: {  	[sflag:s18] =	ssyncset.done $0x0  }
0x24: {  	s5 =	sadd.s32 $0x0, s13;
	[sflag:s18] =	ssyncadd.s32 $0xFFFFFFB0  }
0x25: {  	[tilespmem:s20], [sflag:$0x3] =	stream.linear.gather [hbm4b:s5+s2], $0x50, $0x38;
	[tilespmem:$0x1B600] =	vst v63  }
0x26: {  	_ =	swait.ge [sflag:s18], $0x50  }
0x27: {  	[sflag:s18] =	ssyncset.done $0x0  }
0x28: {  	[sflag:s18] =	ssyncadd.s32 $0xFFFFFFB0  }
0x29: {  	[tilespmem:s21], [sflag:$0x1] =	stream.linear.gather [hbm4b:s12+s2], $0x2800, $0x38;
	[tilespmem:$0x1B600] =	vst v63  }
0x2a: {  	s3 =	sadd.s32 $0x0, s16  }
0x2b: {  	[tilespmem:s22], [sflag:$0x3] =	stream.linear.gather [hbm4b:s3+s2], $0x50, $0x38;
	[tilespmem:$0x1B600] =	vst v63  }
0x2c: {  	_ =	swait.ge [sflag:s18], $0x50  }
0x2d: {  	[sflag:s18] =	ssyncset.done $0x0  }
0x2e: {  	s4 =	sadd.s32 $0x0, s15;
	[sflag:s18] =	ssyncadd.s32 $0xFFFFFFB0  }
0x2f: {  	[tilespmem:s23], [sflag:$0x3] =	stream.linear.gather [hbm4b:s4+s2], $0x50, $0x38;
	[tilespmem:$0x1B600] =	vst v63  }
0x30: {  	_ =	swait.ge [sflag:s18], $0x50  }
0x31: {  	[sflag:s18] =	ssyncset.done $0x0  }
0x32: {  	s5 =	sadd.s32 $0x500, s12;
	[sflag:s18] =	ssyncadd.s32 $0xFFFFFFB0  }
0x33: {  	[tilespmem:s24], [sflag:$0x2] =	stream.linear.gather [hbm4b:s5+s2], $0x2800, $0x38;
	[tilespmem:$0x1B600] =	vst v63  }
0x34: {  	_ =	swait.ge [sflag:s25], $0x2800  }
0x35: {  	[sflag:s25] =	ssyncset.done $0x0  }
0x36: {  	[sflag:s25] =	ssyncadd.s32 $0xFFFFD800  }
0x37: {  	[spmem:s1] =	stream.indirect.scatter.add.f32 [tilespmem:s21], [sflag:$0x3], $0x80, s20, s26, $0xb8;
	[tilespmem:$0x1B600] =	vst v63  }
0x38: {  	_ =	swait.ge [sflag:s18], $0x2800  }
0x39: {  	[sflag:s18] =	ssyncset.done $0x0  }
0x3a: {  	[sflag:s18] =	ssyncadd.s32 $0xFFFFD800  }
0x3b: {  	[spmem:s1] =	stream.indirect.scatter.add.f32 [tilespmem:s19], [sflag:$0x3], $0x80, s2, s26, $0xb8;
	[tilespmem:$0x1B600] =	vst v63  }
0x3c: {  	_ =	swait.ge [sflag:s18], $0x2800  }
0x3d: {  	[sflag:s18] =	ssyncset.done $0x0  }
0x3e: {  	[sflag:s18] =	ssyncadd.s32 $0xFFFFD800  }
0x3f: {  	_ =	swait.ge [sflag:s28], $0x2800  }
0x40: {  	[sflag:s28] =	ssyncset.done $0x0  }
0x41: {  	[sflag:s28] =	ssyncadd.s32 $0xFFFFD800  }
0x42: {  	[spmem:s1] =	stream.indirect.scatter.add.f32 [tilespmem:s24], [sflag:$0x3], $0x80, s23, s26, $0xb8;
	[tilespmem:$0x1B600] =	vst v63  }
0x43: {  	_ =	swait.ge [sflag:s18], $0x2800  }
0x44: {  	[sflag:s18] =	ssyncset.done $0x0  }
0x45: {  	[sflag:s18] =	ssyncadd.s32 $0xFFFFD800  }
0x46: {  	[spmem:s1] =	stream.indirect.scatter.add.f32 [tilespmem:s19], [sflag:$0x3], $0x80, s22, s26, $0xb8;
	[tilespmem:$0x1B600] =	vst v63  }
0x47: {  	s31 =	simm.s32 $0x14;
	_ =	swait.ge [sflag:s18], $0x2800  }
0x48: {  	s30 =	sadd.s32 $0xA00, s12;
	s0 =	simm.s32 $0x28;
	[sflag:s18] =	ssyncset.done $0x0  }
.LBB2_2:
0x49: {  	s4 =	sadd.s32 s31, s14  }
0x4a: {  	[sflag:s18] =	ssyncadd.s32 $0xFFFFD800;
	s5 =	smov.u32 s0;
	s3 =	sadd.s32 $0x14, s0  }
0x4b: {  	[tilespmem:s2], [sflag:$0x3] =	stream.linear.gather [hbm4b:s4+s2], $0x50, $0x38;
	[tilespmem:$0x1B600] =	vst v63  }
0x4c: {  	p0 =	sne.s32 s0, $0x4C4;
	_ =	swait.ge [sflag:s18], $0x50  }
0x4d: {  	[sflag:s18] =	ssyncset.done $0x0  }
0x4e: {  	s0 =	sadd.s32 s31, s13;
	[sflag:s18] =	ssyncadd.s32 $0xFFFFFFB0  }
0x4f: {  	[tilespmem:s20], [sflag:$0x3] =	stream.linear.gather [hbm4b:s0+s2], $0x50, $0x38;
	[tilespmem:$0x1B600] =	vst v63  }
0x50: {  	_ =	swait.ge [sflag:s18], $0x50  }
0x51: {  	[sflag:s18] =	ssyncset.done $0x0  }
0x52: {  	[sflag:s18] =	ssyncadd.s32 $0xFFFFFFB0  }
0x53: {  	[tilespmem:s21], [sflag:$0x1] =	stream.linear.gather [hbm4b:s30+s2], $0x2800, $0x38;
	[tilespmem:$0x1B600] =	vst v63  }
0x54: {  	s0 =	sadd.s32 s31, s16  }
0x55: {  	[tilespmem:s22], [sflag:$0x3] =	stream.linear.gather [hbm4b:s0+s2], $0x50, $0x38;
	[tilespmem:$0x1B600] =	vst v63  }
0x56: {  	_ =	swait.ge [sflag:s18], $0x50  }
0x57: {  	[sflag:s18] =	ssyncset.done $0x0  }
0x58: {  	s0 =	sadd.s32 s31, s15;
	s31 =	smov.u32 s5;
	[sflag:s18] =	ssyncadd.s32 $0xFFFFFFB0  }
0x59: {  	[tilespmem:s23], [sflag:$0x3] =	stream.linear.gather [hbm4b:s0+s2], $0x50, $0x38;
	[tilespmem:$0x1B600] =	vst v63  }
0x5a: {  	_ =	swait.ge [sflag:s18], $0x50  }
0x5b: {  	[sflag:s18] =	ssyncset.done $0x0  }
0x5c: {  	s0 =	sadd.s32 $0x500, s30;
	[sflag:s18] =	ssyncadd.s32 $0xFFFFFFB0  }
0x5d: {  	[tilespmem:s24], [sflag:$0x2] =	stream.linear.gather [hbm4b:s0+s2], $0x2800, $0x38;
	[tilespmem:$0x1B600] =	vst v63  }
0x5e: {  	_ =	swait.ge [sflag:s25], $0x2800  }
0x5f: {  	[sflag:s25] =	ssyncset.done $0x0  }
0x60: {  	[sflag:s25] =	ssyncadd.s32 $0xFFFFD800  }
0x61: {  	[spmem:s1] =	stream.indirect.scatter.add.f32 [tilespmem:s21], [sflag:$0x3], $0x80, s20, s26, $0xb8;
	[tilespmem:$0x1B600] =	vst v63  }
0x62: {  	_ =	swait.ge [sflag:s18], $0x2800  }
0x63: {  	[sflag:s18] =	ssyncset.done $0x0  }
0x64: {  	[sflag:s18] =	ssyncadd.s32 $0xFFFFD800  }
0x65: {  	[spmem:s1] =	stream.indirect.scatter.add.f32 [tilespmem:s19], [sflag:$0x3], $0x80, s2, s26, $0xb8;
	[tilespmem:$0x1B600] =	vst v63  }
0x66: {  	_ =	swait.ge [sflag:s18], $0x2800  }
0x67: {  	[sflag:s18] =	ssyncset.done $0x0  }
0x68: {  	[sflag:s18] =	ssyncadd.s32 $0xFFFFD800  }
0x69: {  	_ =	swait.ge [sflag:s28], $0x2800  }
0x6a: {  	[sflag:s28] =	ssyncset.done $0x0  }
0x6b: {  	[sflag:s28] =	ssyncadd.s32 $0xFFFFD800  }
0x6c: {  	[spmem:s1] =	stream.indirect.scatter.add.f32 [tilespmem:s24], [sflag:$0x3], $0x80, s23, s26, $0xb8;
	[tilespmem:$0x1B600] =	vst v63  }
0x6d: {  	_ =	swait.ge [sflag:s18], $0x2800  }
.Ltmp0:
0x6e: {  	[sflag:s18] =	ssyncset.done $0x0;
	(pc) =	sbr.rel @p0 .LBB2_2-.Ltmp0, $4  }
0x6f: {  	[sflag:s18] =	ssyncadd.s32 $0xFFFFD800  }
0x70: {  	[spmem:s1] =	stream.indirect.scatter.add.f32 [tilespmem:s19], [sflag:$0x3], $0x80, s22, s26, $0xb8;
	[tilespmem:$0x1B600] =	vst v63  }
0x71: {  	_ =	swait.ge [sflag:s18], $0x2800  }
0x72: {  	s30 =	sadd.s32 $0xA00, s30;
	s0 =	smov.u32 s3;
	[sflag:s18] =	ssyncset.done $0x0  }
0x73: {  	s0 =	sadd.s32 s31, s14;
	[sflag:s18] =	ssyncadd.s32 $0xFFFFD800  }
0x74: {  	[tilespmem:s2], [sflag:$0x3] =	stream.linear.gather [hbm4b:s0+s2], $0x50, $0x38;
	[tilespmem:$0x1B600] =	vst v63  }
0x75: {  	_ =	swait.ge [sflag:s18], $0x50  }
0x76: {  	[sflag:s18] =	ssyncset.done $0x0  }
0x77: {  	s3 =	sadd.s32 s31, s13;
	[sflag:s18] =	ssyncadd.s32 $0xFFFFFFB0  }
0x78: {  	[tilespmem:s20], [sflag:$0x3] =	stream.linear.gather [hbm4b:s3+s2], $0x50, $0x38;
	[tilespmem:$0x1B600] =	vst v63  }
0x79: {  	_ =	swait.ge [sflag:s18], $0x50  }
0x7a: {  	[sflag:s18] =	ssyncset.done $0x0  }
0x7b: {  	[sflag:s18] =	ssyncadd.s32 $0xFFFFFFB0  }
0x7c: {  	[tilespmem:s21], [sflag:$0x1] =	stream.linear.gather [hbm4b:s30+s2], $0x2800, $0x38;
	[tilespmem:$0x1B600] =	vst v63  }
0x7d: {  	s4 =	sadd.s32 s31, s16  }
0x7e: {  	[tilespmem:s22], [sflag:$0x3] =	stream.linear.gather [hbm4b:s4+s2], $0x50, $0x38;
	[tilespmem:$0x1B600] =	vst v63  }
0x7f: {  	_ =	swait.ge [sflag:s18], $0x50  }
0x80: {  	[sflag:s18] =	ssyncset.done $0x0  }
0x81: {  	s5 =	sadd.s32 s31, s15;
	[sflag:s18] =	ssyncadd.s32 $0xFFFFFFB0  }
0x82: {  	[tilespmem:s23], [sflag:$0x3] =	stream.linear.gather [hbm4b:s5+s2], $0x50, $0x38;
	[tilespmem:$0x1B600] =	vst v63  }
0x83: {  	_ =	swait.ge [sflag:s18], $0x50  }
0x84: {  	[sflag:s18] =	ssyncset.done $0x0  }
0x85: {  	s31 =	sadd.s32 $0x500, s30;
	[sflag:s18] =	ssyncadd.s32 $0xFFFFFFB0  }
0x86: {  	[tilespmem:s24], [sflag:$0x2] =	stream.linear.gather [hbm4b:s31+s2], $0x2800, $0x38;
	[tilespmem:$0x1B600] =	vst v63  }
0x87: {  	_ =	swait.ge [sflag:s25], $0x2800  }
0x88: {  	[sflag:s25] =	ssyncset.done $0x0  }
0x89: {  	[sflag:s25] =	ssyncadd.s32 $0xFFFFD800  }
0x8a: {  	[spmem:s1] =	stream.indirect.scatter.add.f32 [tilespmem:s21], [sflag:$0x3], $0x80, s20, s26, $0xb8;
	[tilespmem:$0x1B600] =	vst v63  }
0x8b: {  	_ =	swait.ge [sflag:s18], $0x2800  }
0x8c: {  	[sflag:s18] =	ssyncset.done $0x0  }
0x8d: {  	[sflag:s18] =	ssyncadd.s32 $0xFFFFD800  }
0x8e: {  	[spmem:s1] =	stream.indirect.scatter.add.f32 [tilespmem:s19], [sflag:$0x3], $0x80, s2, s26, $0xb8;
	[tilespmem:$0x1B600] =	vst v63  }
0x8f: {  	_ =	swait.ge [sflag:s18], $0x2800  }
0x90: {  	[sflag:s18] =	ssyncset.done $0x0  }
0x91: {  	[sflag:s18] =	ssyncadd.s32 $0xFFFFD800  }
0x92: {  	_ =	swait.ge [sflag:s28], $0x2800  }
0x93: {  	[sflag:s28] =	ssyncset.done $0x0  }
0x94: {  	[sflag:s28] =	ssyncadd.s32 $0xFFFFD800  }
0x95: {  	[spmem:s1] =	stream.indirect.scatter.add.f32 [tilespmem:s24], [sflag:$0x3], $0x80, s23, s26, $0xb8;
	[tilespmem:$0x1B600] =	vst v63  }
0x96: {  	_ =	swait.ge [sflag:s18], $0x2800  }
0x97: {  	[sflag:s18] =	ssyncset.done $0x0  }
0x98: {  	[sflag:s18] =	ssyncadd.s32 $0xFFFFD800  }
0x99: {  	[spmem:s1] =	stream.indirect.scatter.add.f32 [tilespmem:s19], [sflag:$0x3], $0x80, s22, s26, $0xb8;
	[tilespmem:$0x1B600] =	vst v63  }
0x9a: {  	_ =	swait.ge [sflag:s18], $0x2800  }
0x9b: {  	[sflag:s18] =	ssyncset.done $0x0  }
0x9c: {  	[sflag:s18] =	ssyncadd.s32 $0xFFFFD800  }
0x9d: {  	[tilespmem:s2], [sflag:$0x3] =	stream.linear.gather [hbm4b:s7+s2], $0x50, $0x38;
	[tilespmem:$0x1B600] =	vst v63  }
0x9e: {  	_ =	swait.ge [sflag:s18], $0x50  }
0x9f: {  	[sflag:s18] =	ssyncset.done $0x0  }
0xa0: {  	[sflag:s18] =	ssyncadd.s32 $0xFFFFFFB0  }
0xa1: {  	[tilespmem:s20], [sflag:$0x3] =	stream.linear.gather [hbm4b:s8+s2], $0x50, $0x38;
	[tilespmem:$0x1B600] =	vst v63  }
0xa2: {  	_ =	swait.ge [sflag:s18], $0x50  }
0xa3: {  	[sflag:s18] =	ssyncset.done $0x0  }
0xa4: {  	[sflag:s18] =	ssyncadd.s32 $0xFFFFFFB0  }
0xa5: {  	[tilespmem:s21], [sflag:$0x3] =	stream.linear.gather [hbm4b:s9+s2], $0x2800, $0x38;
	[tilespmem:$0x1B600] =	vst v63  }
0xa6: {  	_ =	swait.ge [sflag:s18], $0x2800  }
0xa7: {  	[sflag:s18] =	ssyncset.done $0x0  }
0xa8: {  	[sflag:s18] =	ssyncadd.s32 $0xFFFFD800  }
0xa9: {  	[spmem:s1] =	stream.indirect.scatter.add.f32 [tilespmem:s21], [sflag:$0x3], $0x80, s20, s26, $0xb8;
	[tilespmem:$0x1B600] =	vst v63  }
0xaa: {  	_ =	swait.ge [sflag:s18], $0x2800  }
0xab: {  	[sflag:s18] =	ssyncset.done $0x0  }
0xac: {  	[sflag:s18] =	ssyncadd.s32 $0xFFFFD800  }
0xad: {  	[spmem:s1] =	stream.indirect.scatter.add.f32 [tilespmem:s19], [sflag:$0x3], $0x80, s2, s26, $0xb8;
	[tilespmem:$0x1B600] =	vst v63  }
0xae: {  	_ =	swait.ge [sflag:s18], $0x2800  }
0xaf: {  	s29 =	sadd.s32 $0x1, s29;
	[sflag:s18] =	ssyncset.done $0x0  }
0xb0: {  	p0 =	sne.s32 s29, s11;
	[sflag:s18] =	ssyncadd.s32 $0xFFFFD800  }
.Ltmp1:
0xb1: {  	[bflag:$0x0] =	sbarrier.arrive $0xFFFF;
	(pc) =	sbr.rel @p0 .LBB2_1-.Ltmp1, $4  }
0xb2: {  	[hbm:s10], [sflag:s6] =	dma.local [spmem:s17], $0x2780  }
0xb3: {  	_ =	swait.ge [sflag:s18], $0x2780  }
0xb4: {  	[sflag:s18] =	ssyncset.done $0x0  }
0xb5: {  	[sflag:s18] =	ssyncadd.s32 $0xFFFFD880  }
0xb6: {  	_ =	sfence.sel $0x180000  }
0xb7: {  	[bflag:$0x0] =	sbarrier.arrive $0xFFFF  }
0xb8: {  	_ =	strace $0x9000004D  }
0xb9: {  	s0 =	stileid.u32;
	[bflag:$0x2] =	sbarrier.arrive $0xFFFF  }
0xba: {  	p0 =	sne.s32 s0, $0x0;
	s0 =	rddreg [dreg:$0x2]  }
0xbb: {  	s0 =	sadd.s32 @!p0 $0x100000, s0  }
0xbc: {  	[sflag:s0] =	ssyncadd.tile.s32 @!p0 $0x1;
	_ =	shalt  }
.Lfunc_end2:
_tile_overlayer_lowered:
.L_overlay_start_2:
0xbd: {  	(tag) =	ssettag $0x2  }
0xbe: {  	s0 =	rddreg [dreg:$0x0];
	s2 =	stileid.u32  }
0xbf: {  	s1 =	rddreg [dreg:$0x1];
	p0 =	sne.s32 s2, $0x0  }
0xc0: {  	s3 =	rddreg [dreg:$0x2];
	[bflag:$0x3] =	sbarrier.arrive $0xFFFF;
	s2 =	simm.s32 @!p0 $0x1C03  }
0xc1: {  	[timem:s3], [sflag:s2] =	dma.local @!p0 [hbm:s0], s1  }
0xc2: {  	s0 =	simm.s32 @!p0 $0x3  }
0xc3: {  	_ =	swait.ge @!p0 [sflag:s0], s1  }
0xc4: {  	s1 =	ssub.s32 @!p0 $0x0, s1;
	[sflag:s0] =	ssyncset.done @!p0 $0x0  }
0xc5: {  	[sflag:s0] =	ssyncadd.s32 @!p0 s1  }
0xc6: {  	[bflag:$0x3] =	sbarrier.arrive $0xFFFF  }
0xc7: {  	_ =	shalt  }

// kernel: kernel.18.cloned.1.call-start
scs
__scs_entry_jumppad:
0x0: {  	(pc) =	sbr.rel $0x88, $3  }
0x1: {  	(tag) =	ssettag $0x0;
	lr =	simm.s32 $0x1  }
0x2: {  	[smem:$0x3F8F] =	sst lr;
	_ =	strace $0xD0000000  }
0x3: {  	_ = 	snop  }
0x4: {  	_ = 	snop  }
0x5: {  	_ = 	snop  }
0x6: {  	_ = 	snop  }
0x7: {  	_ = 	snop  }
__scs_overlays_trampoline_lowered:
0x8: {  	[smem:$0x3F9E] =	sst s0  }
0x9: {  	[smem:$0x3F9F] =	sst s1  }
0xa: {  	[smem:$0x3FA0] =	sst s2  }
0xb: {  	[smem:$0x3FA1] =	sst s3  }
0xc: {  	[smem:$0x3FA2] =	sst s4  }
0xd: {  	[smem:$0x3FA3] =	sst s5  }
0xe: {  	[smem:$0x3FA4] =	sst s6  }
0xf: {  	[smem:$0x3FA5] =	sst s7  }
0x10: {  	[smem:$0x3FA6] =	sst s8  }
0x11: {  	[smem:$0x3FA7] =	sst s9;
	s0 =	simm.s32 @!p0 $0x0  }
0x12: {  	s1 =	sld [smem:$0x3F8D];
	s0 =	simm.s32 @p0 $0x1  }
0x13: {  	[smem:$0x3FA8] =	sst s0;
	s0 =	simm.s32 @!p1 $0x0  }
0x14: {  	s2 =	sld [smem:$0x3F8C];
	s0 =	simm.s32 @p1 $0x1  }
0x15: {  	[smem:$0x3FA9] =	sst s0;
	s0 =	simm.s32 @!p2 $0x0  }
0x16: {  	s3 =	sld [smem:$0x3FDB];
	s0 =	simm.s32 @p2 $0x1  }
0x17: {  	s4 =	simm.s32 $0x1BF5;
	[smem:$0x3FAB] =	sst s0  }
0x18: {  	s0 =	sld [smem:$0x3F8E];
	_ =	swait.ge [sflag:s4], $0x0  }
0x19: {  	s7 =	sld [smem:$0x3F8F]  }
0x1a: {  	s8 =	sadd.s32 $0xFFFFE003, lr  }
0x1b: {  	s9 =	sadd.s32 $0xFFFFFEF7, lr;
	s5 =	simm.s32 $0xFFFFFFFF;
	p2 =	slt.u32 s8, $0xFFFFF086  }
0x1c: {  	p1 =	slt.u32 s9, $0xF7A;
	s5 =	simm.s32 @!p2 $0x0  }
0x1d: {  	s5 =	simm.s32 @p1 $0x1;
	p0 =	seq.s32 s7, s2  }
0x1e: {  	s7 =	smul.u32 @!p0 $0xF7A, s2;
	p2 =	seq.s32 @!p0 s5, $0x0  }
0x1f: {  	s9 =	smul.u32 $0xF7A, s1;
	s8 =	simm.s32 @!p0 $0x1BF5;
	p2 =	por !p2, p0  }
0x20: {  	[sflag:s8] =	ssyncset.s32 @!p0 $0xFFFFF086;
	s6 =	sadd.s32 @!p0 s3, s7;
	s7 =	simm.s32 @!p0 $0x108  }
0x21: {  	s3 =	sadd.s32 s3, s9;
	s6 =	sadd.s32 @!p0 $0x88, s6;
	s7 =	simm.s32 @p2 $0x1082  }
0x22: {  	[simem:s7], [sflag:s8] =	dma.local @!p0 [hbm:s6], $0xF7A  }
0x23: {  	s9 =	sor.u32 $0xD0000000, s2;
	s6 =	simm.s32 $0x108;
	_ =	swait.ge @!p0 [sflag:s8], $0x0  }
0x24: {  	s3 =	sadd.s32 $0x88, s3;
	s6 =	simm.s32 @!p1 $0x1082;
	[sflag:s4] =	ssyncset.s32 $0xFFFFF086  }
0x25: {  	[simem:s6], [sflag:s4] =	dma.local [hbm:s3], $0xF7A  }
0x26: {  	[smem:$0x3F8F] =	sst s1;
	(tag) =	ssettag s2;
	_ =	strace s9  }
0x27: {  	s1 =	sld [smem:$0x3F9F]  }
0x28: {  	s2 =	sld [smem:$0x3FA0]  }
0x29: {  	s4 =	sld [smem:$0x3FA2]  }
0x2a: {  	p0 =	seq.s32 s5, $0x0;
	s5 =	sld [smem:$0x3FA3]  }
0x2b: {  	s6 =	sld [smem:$0x3FA4]  }
0x2c: {  	s7 =	sld [smem:$0x3FA5]  }
0x2d: {  	s3 =	simm.s32 $0x108;
	s8 =	sld [smem:$0x3FA6]  }
0x2e: {  	s3 =	simm.s32 @!p0 $0x1082;
	s9 =	sld [smem:$0x3FA7]  }
0x2f: {  	lr =	sadd.s32 s0, s3;
	s0 =	sld [smem:$0x3F9E]  }
0x30: {  	s3 =	sld [smem:$0x3FA1]  }
0x31: {  	[smem:$0x3FAA] =	sst s10  }
0x32: {  	s10 =	sld [smem:$0x3FA8];
	_ =	sdelay $0x3  }
0x33: {  	p0 =	seq.s32 s10, $0x1;
	s10 =	sld [smem:$0x3FAA];
	_ =	sdelay $0x3  }
0x34: {  	[smem:$0x3FAA] =	sst s10  }
0x35: {  	s10 =	sld [smem:$0x3FA9];
	_ =	sdelay $0x3  }
0x36: {  	p1 =	seq.s32 s10, $0x1;
	s10 =	sld [smem:$0x3FAA];
	_ =	sdelay $0x3  }
0x37: {  	[smem:$0x3FAA] =	sst s10  }
0x38: {  	s10 =	sld [smem:$0x3FAB]  }
0x39: {  	_ = 	snop;
	(pc) =	sbr.ind lr, $3  }
0x3a: {  	_ = 	snop  }
0x3b: {  	_ = 	snop  }
0x3c: {  	p2 =	seq.s32 s10, $0x1;
	s10 =	sld [smem:$0x3FAA]  }
0x3d: {  	_ =	shalt  }
0x3e: {  	_ =	shalt  }
0x3f: {  	_ =	shalt  }
0x40: {  	_ =	shalt  }
0x41: {  	_ =	shalt  }
0x42: {  	_ =	shalt  }
0x43: {  	_ =	shalt  }
0x44: {  	_ =	shalt  }
0x45: {  	_ =	shalt  }
0x46: {  	_ =	shalt  }
0x47: {  	_ =	shalt  }
0x48: {  	_ =	shalt  }
0x49: {  	_ =	shalt  }
0x4a: {  	_ =	shalt  }
0x4b: {  	_ =	shalt  }
0x4c: {  	_ =	shalt  }
0x4d: {  	_ =	shalt  }
0x4e: {  	_ =	shalt  }
0x4f: {  	_ =	shalt  }
0x50: {  	_ =	shalt  }
0x51: {  	_ =	shalt  }
0x52: {  	_ =	shalt  }
0x53: {  	_ =	shalt  }
0x54: {  	_ =	shalt  }
0x55: {  	_ =	shalt  }
0x56: {  	_ =	shalt  }
0x57: {  	_ =	shalt  }
0x58: {  	_ =	shalt  }
0x59: {  	_ =	shalt  }
0x5a: {  	_ =	shalt  }
0x5b: {  	_ =	shalt  }
0x5c: {  	_ =	shalt  }
0x5d: {  	_ =	shalt  }
0x5e: {  	_ =	shalt  }
0x5f: {  	_ =	shalt  }
0x60: {  	_ =	shalt  }
0x61: {  	_ =	shalt  }
0x62: {  	_ =	shalt  }
0x63: {  	_ =	shalt  }
0x64: {  	_ =	shalt  }
0x65: {  	_ =	shalt  }
0x66: {  	_ =	shalt  }
0x67: {  	_ =	shalt  }
0x68: {  	_ =	shalt  }
0x69: {  	_ =	shalt  }
0x6a: {  	_ =	shalt  }
0x6b: {  	_ =	shalt  }
0x6c: {  	_ =	shalt  }
0x6d: {  	_ =	shalt  }
0x6e: {  	_ =	shalt  }
0x6f: {  	_ =	shalt  }
0x70: {  	_ =	shalt  }
0x71: {  	_ =	shalt  }
0x72: {  	_ =	shalt  }
0x73: {  	_ =	shalt  }
0x74: {  	_ =	shalt  }
0x75: {  	_ =	shalt  }
0x76: {  	_ =	shalt  }
0x77: {  	_ =	shalt  }
0x78: {  	_ =	shalt  }
0x79: {  	_ =	shalt  }
0x7a: {  	_ =	shalt  }
0x7b: {  	_ =	shalt  }
0x7c: {  	_ =	shalt  }
0x7d: {  	_ =	shalt  }
0x7e: {  	_ =	shalt  }
0x7f: {  	_ =	shalt  }
0x80: {  	_ =	shalt  }
0x81: {  	_ =	shalt  }
0x82: {  	_ =	shalt  }
0x83: {  	_ =	shalt  }
0x84: {  	_ =	shalt  }
0x85: {  	_ =	shalt  }
0x86: {  	_ =	shalt  }
0x87: {  	_ =	shalt  }
.Lfunc_end0:
.L_simem_size_0:
called_computation.3_lowered:
.L_overlay_start_0:
0x88: {  	s2 =	sld [smem:$0x3FD9]  }
0x89: {  	s3 =	sld [smem:$0x3FFE];
	_ =	sdelay $0x1  }
0x8a: {  	s1 =	srdreg.scid  }
0x8b: {  	s0 =	sand.u32 $0x1, s1  }
0x8c: {  	s16 =	sshll.u32 s0, $0xA;
	s2 =	sadd.s32 s3, s2  }
0x8d: {  	s2 =	sadd.s32 s2, s16  }
0x8e: {  	[smem:$0x3FB6] =	sst s2  }
0x8f: {  	_ = 	snop  }
0x90: {  	(tm) =	ssettm $0x1  }
0x91: {  	s17 =	sld [smem:$0x3FFB];
	_ =	sdelay $0x3  }
0x92: {  	_ =	strace s17  }
0x93: {  	s2 =	sld [smem:$0x3FFC];
	_ =	sdelay $0x3  }
0x94: {  	_ =	strace s2  }
0x95: {  	s2 =	sld [smem:$0x3FFD];
	_ =	sdelay $0x3  }
0x96: {  	_ =	strace s2  }
0x97: {  	_ =	strace $0x8FFFFFFF  }
0x98: {  	s18 =	sld [smem:$0x3FDB];
	_ =	sdelay $0x1  }
0x99: {  	s19 =	simm.s32 $_scs_section_size  }
0x9a: {  	s4 =	simm.s32 $_size__tile_overlayer_lowered;
	s5 =	simm.s32 $_tile_overlayer_lowered  }
0x9b: {  	s22 =	simm.s32 $0x1BFF;
	s21 =	sshll.u32 s5, $0x1;
	s2 =	sadd.s32 s19, s18  }
0x9c: {  	s6 =	simm.s32 $0x0;
	s20 =	sshll.u32 s4, $0x1;
	s4 =	sadd.s32 s21, s2  }
0x9d: {  	[timem:s6], [sflag:s22] =	dma.local [hbm:s4], s20  }
0x9e: {  	_ =	swait.ge [sflag:s22], s20  }
0x9f: {  	s3 =	ssub.s32 $0x0, s20;
	[sflag:s22] =	ssyncset.done $0x0  }
0xa0: {  	[sflag:s22] =	ssyncadd.s32 s3;
	_ =	sdelay $0x1  }
0xa1: {  	s23 =	simm.s32 $0x1B8B  }
0xa2: {  	_ =	swait.ge [sflag:s23], $0x1  }
0xa3: {  	[sflag:s23] =	ssyncset.done $0x0  }
0xa4: {  	s25 =	simm.s32 $0x1B8E;
	s24 =	sld [smem:$0x3FFE];
	[sflag:s23] =	ssyncadd.s32 $0xFFFFFFFF  }
0xa5: {  	s26 =	simm.s32 $execute0_lowered;
	[smem:$0x3FD2] =	sst s25  }
0xa6: {  	s4 =	sshll.u32 s26, $0x1;
	_ =	strace $0x8000004F;
	[dreg:$0x1] =	wrdreg $0xFFFFFFFF  }
0xa7: {  	s28 =	simm.s32 $_size_execute0_lowered;
	s2 =	sadd.s32 s2, s4;
	[dreg:$0x0] =	wrdreg $0x0  }
0xa8: {  	s4 =	sshll.u32 s28, $0x1;
	[dreg:$0x2] =	wrdreg s2  }
0xa9: {  	[dreg:$0x3] =	wrdreg s4  }
0xaa: {  	[dreg:$0x4] =	wrdreg $0xC0  }
0xab: {  	_ =	task [dreg:s6], $0x5FFFF  }
0xac: {  	[dreg:$0x1] =	wrdreg $0xFFFFFFFF  }
0xad: {  	[dreg:$0x0] =	wrdreg $0x60  }
0xae: {  	[dreg:$0x2] =	wrdreg s24  }
0xaf: {  	[dreg:$0x3] =	wrdreg $0x9  }
0xb0: {  	_ =	task.clear_ibuf [dreg:s6], $0x4FFFF;
	_ =	strace $0x9000004F  }
0xb1: {  	s29 =	simm.s32 $0x9;
	_ =	strace $0x80000051  }
0xb2: {  	_ =	swait.ge [sflag:s29], $0x1  }
0xb3: {  	[sflag:s29] =	ssyncadd.s32 $0xFFFFFFFF  }
0xb4: {  	_ =	strace $0x90000051  }
0xb5: {  	_ =	sfence  }
0xb6: {  	s30 =	sld [smem:$0x0];
	_ =	sdelay $0x2  }
0xb7: {  	s31 =	sshll.u32 s1, $0xD;
	s1 =	sshrl.u32 s1, $0x2  }
0xb8: {  	s3 =	sand.u32 $0x4000, s31;
	s1 =	sadd.s32 s1, s30  }
0xb9: {  	s0 =	sor.u32 s3, s0;
	s1 =	sshll.u32 s1, $0x11  }
0xba: {  	s0 =	sor.u32 s1, s0  }
0xbb: {  	s0 =	sadd.s32 $0x8F2B, s0  }
0xbc: {  	[sflag:s0] =	ssyncadd.remote.s32 $0x1  }
0xbd: {  	_ =	sfence.sel $0xFFFF  }
0xbe: {  	[dreg:$0x0] =	wrdreg $0xFFFFFFFF;
	(pc) =	sbr.abs _section_cstart, $3  }
0xbf: {  	[dreg:$0x1] =	wrdreg $0xFFFFFFFF  }
0xc0: {  	_ =	task.clear_ibuf [dreg:s6], $0x2FFFF;
	_ =	strace $0x9FFFFFFF  }
0xc1: {  	(tm) =	ssettm $0x7FFFFFFF  }
tec
execute0_lowered:
.L_overlay_start_1:
0x0: {  	(tag) =	ssettag $0x1  }
0x1: {  	s1 =	srdreg.scid;
	s0 =	stileid.u32  }
0x2: {  	s5 =	rddreg [dreg:$0x0];
	s2 =	simm.s32 $0x0;
	s12 =	simm.s32 $0x40  }
0x3: {  	s13 =	simm.s32 $0x80;
	s15 =	simm.s32 $0x1;
	s16 =	simm.s32 $0x0  }
0x4: {  	s6 =	sand.u32 $0x1, s1;
	s4 =	sshll.u32 s0, $0x9;
	s1 =	rddreg [dreg:$0x1]  }
0x5: {  	[smem:$0x7FF] =	sst s2;
	s11 =	sshll.u32 s0, $0xD;
	s3 =	sshll.u32 s6, $0xD  }
0x6: {  	_ =	strace $0x80000050;
	s7 =	sshll.u32 s6, $0x11;
	s9 =	ssub.s32 $0x2, s6  }
0x7: {  	s14 =	smul.u32 $0x2710, s6;
	s3 =	sor.u32 s4, s3;
	s4 =	sadd.s32 $0x3800, s5  }
0x8: {  	s7 =	sadd.s32 s7, s5;
	s10 =	sshrl.u32 s9, $0x1;
	s3 =	sshrl.u32 s3, $0x3  }
0x9: {  	s9 =	ssub.s32 s9, s10;
	s7 =	sadd.s32 s11, s7;
	s10 =	simm.s32 $0x2  }
0xa: {  	s11 =	simm.s32 $0x4880;
	v0 =	vmov s14;
	s14 =	simm.s32 $0x100;
	s8 =	sadd.s32 s3, s5  }
0xb: {  	s3 =	sadd.s32 $0x18200, s5;
	s5 =	sadd.s32 $0x3E00, s5;
	s6 =	smax.u32 s9, $0x1  }
0xc: {  	s7 =	sadd.s32 $0x66400, s7;
	s9 =	simm.s32 $0x2100;
	s8 =	sadd.s32 $0x17A00, s8  }
.LBB2_1:
0xd: {  	[tilespmem:s9], [sflag:$0x2] =	stream.linear.gather [hbm4b:s4+s2], $0x2780, $0x38;
	[tilespmem:$0x4900] =	vst v63  }
0xe: {  	_ =	swait.ge [sflag:s10], $0x2780  }
0xf: {  	[sflag:s10] =	ssyncset.done $0x0  }
0x10: {  	[sflag:s10] =	ssyncadd.s32 $0xFFFFD880  }
0x11: {  	[tilespmem:s11], [sflag:$0x2] =	stream.linear.gather [hbm4b:s5+s2], $0x80, $0x38;
	[tilespmem:$0x4900] =	vst v63  }
0x12: {  	_ =	swait.ge [sflag:s10], $0x80  }
0x13: {  	[sflag:s10] =	ssyncset.done $0x0  }
0x14: {  	s17 =	sadd.s32 $0x0, s8;
	[sflag:s10] =	ssyncadd.s32 $0xFFFFFF80  }
0x15: {  	v1 =	vld [tilespmem:$0x4880];
	[tilespmem:s2], [sflag:$0x2] =	stream.linear.gather [hbm4b:s17+s2], $0x40, $0x38  }
0x16: {  	_ =	swait.ge [sflag:s10], $0x40  }
0x17: {  	[sflag:s10] =	ssyncset.done $0x0  }
0x18: {  	[sflag:s10] =	ssyncadd.s32 $0xFFFFFFC0  }
0x19: {  	v2 =	vld [tilespmem:$0x0];
	_ =	sdelay $0x7  }
0x1a: {  	v3 =	vld.idx.msk [tilespmem:v2+s9+$0x0], $0xffff  }
0x1b: {  	v4 =	vld [tilespmem:$0x10];
	_ =	sdelay $0x3  }
0x1c: {  	vm0 =	vgt.f32 v3, $5.000000000e-01  }
0x1d: {  	v2 =	vsel vm0, v2, v1  }
0x1e: {  	v2 =	vadd.s32 v0, v2  }
0x1f: {  	[tilespmem:$0x80] =	vst v2  }
0x20: {  	v2 =	vld.idx.msk [tilespmem:v4+s9+$0x0], $0xffff  }
0x21: {  	v3 =	vld [tilespmem:$0x20];
	_ =	sdelay $0x3  }
0x22: {  	vm13 =	vgt.f32 v2, $5.000000000e-01  }
0x23: {  	v2 =	vsel vm13, v4, v1  }
0x24: {  	v2 =	vadd.s32 v0, v2  }
0x25: {  	[tilespmem:$0x90] =	vst v2  }
0x26: {  	v2 =	vld.idx.msk [tilespmem:v3+s9+$0x0], $0xffff  }
0x27: {  	v63 =	vld [tilespmem:$0x30];
	_ =	sdelay $0x3  }
0x28: {  	vm14 =	vgt.f32 v2, $5.000000000e-01  }
0x29: {  	v2 =	vsel vm14, v3, v1  }
0x2a: {  	v2 =	vadd.s32 v0, v2  }
0x2b: {  	[tilespmem:$0xA0] =	vst v2  }
0x2c: {  	v2 =	vld.idx.msk [tilespmem:v63+s9+$0x0], $0xffff;
	_ =	sdelay $0x4  }
0x2d: {  	vm15 =	vgt.f32 v2, $5.000000000e-01  }
0x2e: {  	v2 =	vsel vm15, v63, v1  }
0x2f: {  	v2 =	vadd.s32 v0, v2  }
0x30: {  	[tilespmem:$0xB0] =	vst v2  }
0x31: {  	[tilespmem:s14], [sflag:$0x1] =	stream.indirect.gather [hbm4b:s3+s12], $0x80, s13, s12, $0xb8;
	[tilespmem:$0x4900] =	vst v63  }
0x32: {  	_ =	swait.ge [sflag:s15], $0x2000  }
0x33: {  	[sflag:s15] =	ssyncset.done $0x0  }
0x34: {  	[sflag:s15] =	ssyncadd.s32 $0xFFFFE000  }
0x35: {  	[hbm4b:s7+s2] =	stream.linear.scatter [tilespmem:s14], [sflag:$0x2], $0x2000, $0x38;
	[tilespmem:$0x4900] =	vst v63  }
0x36: {  	s18 =	simm.s32 $0x8;
	_ =	swait.ge [sflag:s10], $0x2000  }
0x37: {  	s20 =	simm.s32 $0x10;
	s17 =	sadd.s32 $0x400, s7;
	[sflag:s10] =	ssyncset.done $0x0  }
.LBB2_2:
0x38: {  	s21 =	sadd.s32 s18, s8  }
0x39: {  	[sflag:s10] =	ssyncadd.s32 $0xFFFFE000;
	s18 =	smov.u32 s20;
	s19 =	sadd.s32 $0x8, s20  }
0x3a: {  	[tilespmem:s2], [sflag:$0x2] =	stream.linear.gather [hbm4b:s21+s2], $0x40, $0x38;
	[tilespmem:$0x4900] =	vst v63  }
0x3b: {  	p0 =	sne.s32 s20, $0x38;
	_ =	swait.ge [sflag:s10], $0x40  }
0x3c: {  	[sflag:s10] =	ssyncset.done $0x0  }
0x3d: {  	[sflag:s10] =	ssyncadd.s32 $0xFFFFFFC0  }
0x3e: {  	v2 =	vld [tilespmem:$0x0];
	_ =	sdelay $0x7  }
0x3f: {  	v3 =	vld.idx.msk [tilespmem:v2+s9+$0x0], $0xffff;
	_ =	sdelay $0x1  }
0x40: {  	v4 =	vld [tilespmem:$0x10];
	_ =	sdelay $0x3  }
0x41: {  	vm0 =	vgt.f32 v3, $5.000000000e-01  }
0x42: {  	v2 =	vsel vm0, v2, v1  }
0x43: {  	v2 =	vadd.s32 v0, v2  }
0x44: {  	[tilespmem:$0x80] =	vst v2  }
0x45: {  	v2 =	vld.idx.msk [tilespmem:v4+s9+$0x0], $0xffff;
	_ =	sdelay $0x1  }
0x46: {  	v3 =	vld [tilespmem:$0x20];
	_ =	sdelay $0x3  }
0x47: {  	vm0 =	vgt.f32 v2, $5.000000000e-01  }
0x48: {  	v2 =	vsel vm0, v4, v1  }
0x49: {  	v2 =	vadd.s32 v0, v2  }
0x4a: {  	[tilespmem:$0x90] =	vst v2  }
0x4b: {  	v2 =	vld.idx.msk [tilespmem:v3+s9+$0x0], $0xffff;
	_ =	sdelay $0x1  }
0x4c: {  	v4 =	vld [tilespmem:$0x30];
	_ =	sdelay $0x3  }
0x4d: {  	vm0 =	vgt.f32 v2, $5.000000000e-01  }
0x4e: {  	v2 =	vsel vm0, v3, v1  }
0x4f: {  	v2 =	vadd.s32 v0, v2  }
0x50: {  	[tilespmem:$0xA0] =	vst v2  }
0x51: {  	v2 =	vld.idx.msk [tilespmem:v4+s9+$0x0], $0xffff;
	_ =	sdelay $0x5  }
0x52: {  	vm0 =	vgt.f32 v2, $5.000000000e-01  }
0x53: {  	v2 =	vsel vm0, v4, v1  }
0x54: {  	v2 =	vadd.s32 v0, v2  }
0x55: {  	[tilespmem:$0xB0] =	vst v2  }
0x56: {  	[tilespmem:s14], [sflag:$0x1] =	stream.indirect.gather [hbm4b:s3+s12], $0x80, s13, s12, $0xb8;
	[tilespmem:$0x4900] =	vst v63  }
0x57: {  	_ =	swait.ge [sflag:s15], $0x2000  }
.Ltmp0:
0x58: {  	[sflag:s15] =	ssyncset.done $0x0;
	(pc) =	sbr.rel @p0 .LBB2_2-.Ltmp0, $4  }
0x59: {  	[sflag:s15] =	ssyncadd.s32 $0xFFFFE000  }
0x5a: {  	[hbm4b:s17+s2] =	stream.linear.scatter [tilespmem:s14], [sflag:$0x2], $0x2000, $0x38;
	[tilespmem:$0x4900] =	vst v63  }
0x5b: {  	_ =	swait.ge [sflag:s10], $0x2000  }
0x5c: {  	s20 =	smov.u32 s19;
	s17 =	sadd.s32 $0x400, s17;
	[sflag:s10] =	ssyncset.done $0x0  }
0x5d: {  	s18 =	sadd.s32 s18, s8;
	[sflag:s10] =	ssyncadd.s32 $0xFFFFE000  }
0x5e: {  	[tilespmem:s2], [sflag:$0x2] =	stream.linear.gather [hbm4b:s18+s2], $0x40, $0x38;
	[tilespmem:$0x4900] =	vst v63  }
0x5f: {  	_ =	swait.ge [sflag:s10], $0x40  }
0x60: {  	[sflag:s10] =	ssyncset.done $0x0  }
0x61: {  	[sflag:s10] =	ssyncadd.s32 $0xFFFFFFC0  }
0x62: {  	v2 =	vld [tilespmem:$0x0];
	_ =	sdelay $0x7  }
0x63: {  	v3 =	vld.idx.msk [tilespmem:v2+s9+$0x0], $0xffff  }
0x64: {  	v4 =	vld [tilespmem:$0x10];
	_ =	sdelay $0x3  }
0x65: {  	vm0 =	vgt.f32 v3, $5.000000000e-01  }
0x66: {  	v2 =	vsel vm0, v2, v1  }
0x67: {  	v2 =	vadd.s32 v0, v2  }
0x68: {  	[tilespmem:$0x80] =	vst v2  }
0x69: {  	v2 =	vld.idx.msk [tilespmem:v4+s9+$0x0], $0xffff  }
0x6a: {  	v3 =	vld [tilespmem:$0x20];
	_ =	sdelay $0x3  }
0x6b: {  	vm13 =	vgt.f32 v2, $5.000000000e-01  }
0x6c: {  	v2 =	vsel vm13, v4, v1  }
0x6d: {  	v2 =	vadd.s32 v0, v2  }
0x6e: {  	[tilespmem:$0x90] =	vst v2  }
0x6f: {  	v2 =	vld.idx.msk [tilespmem:v3+s9+$0x0], $0xffff  }
0x70: {  	v63 =	vld [tilespmem:$0x30];
	_ =	sdelay $0x3  }
0x71: {  	vm14 =	vgt.f32 v2, $5.000000000e-01  }
0x72: {  	v2 =	vsel vm14, v3, v1  }
0x73: {  	v2 =	vadd.s32 v0, v2  }
0x74: {  	[tilespmem:$0xA0] =	vst v2  }
0x75: {  	v2 =	vld.idx.msk [tilespmem:v63+s9+$0x0], $0xffff;
	_ =	sdelay $0x4  }
0x76: {  	vm15 =	vgt.f32 v2, $5.000000000e-01  }
0x77: {  	v1 =	vsel vm15, v63, v1  }
0x78: {  	v1 =	vadd.s32 v0, v1  }
0x79: {  	[tilespmem:$0xB0] =	vst v1  }
0x7a: {  	[tilespmem:s14], [sflag:$0x1] =	stream.indirect.gather [hbm4b:s3+s12], $0x80, s13, s12, $0xb8;
	[tilespmem:$0x4900] =	vst v63  }
0x7b: {  	s16 =	sadd.s32 $0x1, s16;
	_ =	swait.ge [sflag:s15], $0x2000  }
0x7c: {  	p0 =	sne.s32 s16, s6;
	[sflag:s15] =	ssyncset.done $0x0  }
.Ltmp1:
0x7d: {  	[sflag:s15] =	ssyncadd.s32 $0xFFFFE000;
	(pc) =	sbr.rel @p0 .LBB2_1-.Ltmp1, $4  }
0x7e: {  	[hbm4b:s17+s2] =	stream.linear.scatter [tilespmem:s14], [sflag:$0x2], $0x2000, $0x38;
	[tilespmem:$0x4900] =	vst v63  }
0x7f: {  	_ =	swait.ge [sflag:s10], $0x2000  }
0x80: {  	[sflag:s10] =	ssyncset.done $0x0  }
0x81: {  	[sflag:s10] =	ssyncadd.s32 $0xFFFFE000  }
0x82: {  	_ =	sfence.sel $0x180000  }
0x83: {  	[bflag:$0x0] =	sbarrier.arrive $0xFFFF  }
0x84: {  	p0 =	sne.s32 s0, $0x0;
	_ =	strace $0x90000050  }
0x85: {  	s0 =	sadd.s32 @!p0 $0x100000, s1;
	[bflag:$0x2] =	sbarrier.arrive $0xFFFF  }
0x86: {  	[sflag:s0] =	ssyncadd.tile.s32 @!p0 $0x1;
	_ =	shalt  }
.Lfunc_end2:
_tile_overlayer_lowered:
.L_overlay_start_2:
0x87: {  	(tag) =	ssettag $0x2  }
0x88: {  	s0 =	rddreg [dreg:$0x0];
	s2 =	stileid.u32  }
0x89: {  	s1 =	rddreg [dreg:$0x1];
	p0 =	sne.s32 s2, $0x0  }
0x8a: {  	s3 =	rddreg [dreg:$0x2];
	[bflag:$0x3] =	sbarrier.arrive $0xFFFF;
	s2 =	simm.s32 @!p0 $0x1C02  }
0x8b: {  	[timem:s3], [sflag:s2] =	dma.local @!p0 [hbm:s0], s1  }
0x8c: {  	s0 =	simm.s32 @!p0 $0x2  }
0x8d: {  	_ =	swait.ge @!p0 [sflag:s0], s1  }
0x8e: {  	s1 =	ssub.s32 @!p0 $0x0, s1;
	[sflag:s0] =	ssyncset.done @!p0 $0x0  }
0x8f: {  	[sflag:s0] =	ssyncadd.s32 @!p0 s1  }
0x90: {  	[bflag:$0x3] =	sbarrier.arrive $0xFFFF  }
0x91: {  	_ =	shalt  }

// kernel: kernel.9.cloned.1.call-start
scs
__scs_entry_jumppad:
0x0: {  	(pc) =	sbr.rel $0x88, $3  }
0x1: {  	(tag) =	ssettag $0x0;
	lr =	simm.s32 $0x1  }
0x2: {  	[smem:$0x3F8F] =	sst lr;
	_ =	strace $0xD0000000  }
0x3: {  	_ = 	snop  }
0x4: {  	_ = 	snop  }
0x5: {  	_ = 	snop  }
0x6: {  	_ = 	snop  }
0x7: {  	_ = 	snop  }
__scs_overlays_trampoline_lowered:
0x8: {  	[smem:$0x3F9E] =	sst s0  }
0x9: {  	[smem:$0x3F9F] =	sst s1  }
0xa: {  	[smem:$0x3FA0] =	sst s2  }
0xb: {  	[smem:$0x3FA1] =	sst s3  }
0xc: {  	[smem:$0x3FA2] =	sst s4  }
0xd: {  	[smem:$0x3FA3] =	sst s5  }
0xe: {  	[smem:$0x3FA4] =	sst s6  }
0xf: {  	[smem:$0x3FA5] =	sst s7  }
0x10: {  	[smem:$0x3FA6] =	sst s8  }
0x11: {  	[smem:$0x3FA7] =	sst s9;
	s0 =	simm.s32 @!p0 $0x0  }
0x12: {  	s1 =	sld [smem:$0x3F8D];
	s0 =	simm.s32 @p0 $0x1  }
0x13: {  	[smem:$0x3FA8] =	sst s0;
	s0 =	simm.s32 @!p1 $0x0  }
0x14: {  	s2 =	sld [smem:$0x3F8C];
	s0 =	simm.s32 @p1 $0x1  }
0x15: {  	[smem:$0x3FA9] =	sst s0;
	s0 =	simm.s32 @!p2 $0x0  }
0x16: {  	s3 =	sld [smem:$0x3FDB];
	s0 =	simm.s32 @p2 $0x1  }
0x17: {  	s4 =	simm.s32 $0x1BF5;
	[smem:$0x3FAB] =	sst s0  }
0x18: {  	s0 =	sld [smem:$0x3F8E];
	_ =	swait.ge [sflag:s4], $0x0  }
0x19: {  	s7 =	sld [smem:$0x3F8F]  }
0x1a: {  	s8 =	sadd.s32 $0xFFFFE003, lr  }
0x1b: {  	s9 =	sadd.s32 $0xFFFFFEF7, lr;
	s5 =	simm.s32 $0xFFFFFFFF;
	p2 =	slt.u32 s8, $0xFFFFF086  }
0x1c: {  	p1 =	slt.u32 s9, $0xF7A;
	s5 =	simm.s32 @!p2 $0x0  }
0x1d: {  	s5 =	simm.s32 @p1 $0x1;
	p0 =	seq.s32 s7, s2  }
0x1e: {  	s7 =	smul.u32 @!p0 $0xF7A, s2;
	p2 =	seq.s32 @!p0 s5, $0x0  }
0x1f: {  	s9 =	smul.u32 $0xF7A, s1;
	s8 =	simm.s32 @!p0 $0x1BF5;
	p2 =	por !p2, p0  }
0x20: {  	[sflag:s8] =	ssyncset.s32 @!p0 $0xFFFFF086;
	s6 =	sadd.s32 @!p0 s3, s7;
	s7 =	simm.s32 @!p0 $0x108  }
0x21: {  	s3 =	sadd.s32 s3, s9;
	s6 =	sadd.s32 @!p0 $0x88, s6;
	s7 =	simm.s32 @p2 $0x1082  }
0x22: {  	[simem:s7], [sflag:s8] =	dma.local @!p0 [hbm:s6], $0xF7A  }
0x23: {  	s9 =	sor.u32 $0xD0000000, s2;
	s6 =	simm.s32 $0x108;
	_ =	swait.ge @!p0 [sflag:s8], $0x0  }
0x24: {  	s3 =	sadd.s32 $0x88, s3;
	s6 =	simm.s32 @!p1 $0x1082;
	[sflag:s4] =	ssyncset.s32 $0xFFFFF086  }
0x25: {  	[simem:s6], [sflag:s4] =	dma.local [hbm:s3], $0xF7A  }
0x26: {  	[smem:$0x3F8F] =	sst s1;
	(tag) =	ssettag s2;
	_ =	strace s9  }
0x27: {  	s1 =	sld [smem:$0x3F9F]  }
0x28: {  	s2 =	sld [smem:$0x3FA0]  }
0x29: {  	s4 =	sld [smem:$0x3FA2]  }
0x2a: {  	p0 =	seq.s32 s5, $0x0;
	s5 =	sld [smem:$0x3FA3]  }
0x2b: {  	s6 =	sld [smem:$0x3FA4]  }
0x2c: {  	s7 =	sld [smem:$0x3FA5]  }
0x2d: {  	s3 =	simm.s32 $0x108;
	s8 =	sld [smem:$0x3FA6]  }
0x2e: {  	s3 =	simm.s32 @!p0 $0x1082;
	s9 =	sld [smem:$0x3FA7]  }
0x2f: {  	lr =	sadd.s32 s0, s3;
	s0 =	sld [smem:$0x3F9E]  }
0x30: {  	s3 =	sld [smem:$0x3FA1]  }
0x31: {  	[smem:$0x3FAA] =	sst s10  }
0x32: {  	s10 =	sld [smem:$0x3FA8];
	_ =	sdelay $0x3  }
0x33: {  	p0 =	seq.s32 s10, $0x1;
	s10 =	sld [smem:$0x3FAA];
	_ =	sdelay $0x3  }
0x34: {  	[smem:$0x3FAA] =	sst s10  }
0x35: {  	s10 =	sld [smem:$0x3FA9];
	_ =	sdelay $0x3  }
0x36: {  	p1 =	seq.s32 s10, $0x1;
	s10 =	sld [smem:$0x3FAA];
	_ =	sdelay $0x3  }
0x37: {  	[smem:$0x3FAA] =	sst s10  }
0x38: {  	s10 =	sld [smem:$0x3FAB]  }
0x39: {  	_ = 	snop;
	(pc) =	sbr.ind lr, $3  }
0x3a: {  	_ = 	snop  }
0x3b: {  	_ = 	snop  }
0x3c: {  	p2 =	seq.s32 s10, $0x1;
	s10 =	sld [smem:$0x3FAA]  }
0x3d: {  	_ =	shalt  }
0x3e: {  	_ =	shalt  }
0x3f: {  	_ =	shalt  }
0x40: {  	_ =	shalt  }
0x41: {  	_ =	shalt  }
0x42: {  	_ =	shalt  }
0x43: {  	_ =	shalt  }
0x44: {  	_ =	shalt  }
0x45: {  	_ =	shalt  }
0x46: {  	_ =	shalt  }
0x47: {  	_ =	shalt  }
0x48: {  	_ =	shalt  }
0x49: {  	_ =	shalt  }
0x4a: {  	_ =	shalt  }
0x4b: {  	_ =	shalt  }
0x4c: {  	_ =	shalt  }
0x4d: {  	_ =	shalt  }
0x4e: {  	_ =	shalt  }
0x4f: {  	_ =	shalt  }
0x50: {  	_ =	shalt  }
0x51: {  	_ =	shalt  }
0x52: {  	_ =	shalt  }
0x53: {  	_ =	shalt  }
0x54: {  	_ =	shalt  }
0x55: {  	_ =	shalt  }
0x56: {  	_ =	shalt  }
0x57: {  	_ =	shalt  }
0x58: {  	_ =	shalt  }
0x59: {  	_ =	shalt  }
0x5a: {  	_ =	shalt  }
0x5b: {  	_ =	shalt  }
0x5c: {  	_ =	shalt  }
0x5d: {  	_ =	shalt  }
0x5e: {  	_ =	shalt  }
0x5f: {  	_ =	shalt  }
0x60: {  	_ =	shalt  }
0x61: {  	_ =	shalt  }
0x62: {  	_ =	shalt  }
0x63: {  	_ =	shalt  }
0x64: {  	_ =	shalt  }
0x65: {  	_ =	shalt  }
0x66: {  	_ =	shalt  }
0x67: {  	_ =	shalt  }
0x68: {  	_ =	shalt  }
0x69: {  	_ =	shalt  }
0x6a: {  	_ =	shalt  }
0x6b: {  	_ =	shalt  }
0x6c: {  	_ =	shalt  }
0x6d: {  	_ =	shalt  }
0x6e: {  	_ =	shalt  }
0x6f: {  	_ =	shalt  }
0x70: {  	_ =	shalt  }
0x71: {  	_ =	shalt  }
0x72: {  	_ =	shalt  }
0x73: {  	_ =	shalt  }
0x74: {  	_ =	shalt  }
0x75: {  	_ =	shalt  }
0x76: {  	_ =	shalt  }
0x77: {  	_ =	shalt  }
0x78: {  	_ =	shalt  }
0x79: {  	_ =	shalt  }
0x7a: {  	_ =	shalt  }
0x7b: {  	_ =	shalt  }
0x7c: {  	_ =	shalt  }
0x7d: {  	_ =	shalt  }
0x7e: {  	_ =	shalt  }
0x7f: {  	_ =	shalt  }
0x80: {  	_ =	shalt  }
0x81: {  	_ =	shalt  }
0x82: {  	_ =	shalt  }
0x83: {  	_ =	shalt  }
0x84: {  	_ =	shalt  }
0x85: {  	_ =	shalt  }
0x86: {  	_ =	shalt  }
0x87: {  	_ =	shalt  }
.Lfunc_end0:
.L_simem_size_0:
called_computation_lowered:
.L_overlay_start_0:
0x88: {  	s2 =	sld [smem:$0x3FD9]  }
0x89: {  	s3 =	sld [smem:$0x3FFE];
	_ =	sdelay $0x1  }
0x8a: {  	s1 =	srdreg.scid  }
0x8b: {  	s0 =	sand.u32 $0x1, s1  }
0x8c: {  	s17 =	sshll.u32 s0, $0xA;
	s2 =	sadd.s32 s3, s2  }
0x8d: {  	s2 =	sadd.s32 s2, s17  }
0x8e: {  	[smem:$0x3FB6] =	sst s2  }
0x8f: {  	_ = 	snop  }
0x90: {  	s18 =	sld [smem:$0x3FC4];
	(tm) =	ssettm $0x1  }
0x91: {  	s19 =	sld [smem:$0x3FFB];
	_ =	sdelay $0x3  }
0x92: {  	_ =	strace s19  }
0x93: {  	s2 =	sld [smem:$0x3FFC];
	_ =	sdelay $0x3  }
0x94: {  	_ =	strace s2  }
0x95: {  	s2 =	sld [smem:$0x3FFD];
	_ =	sdelay $0x3  }
0x96: {  	_ =	strace s2  }
0x97: {  	_ =	strace $0x8FFFFFFF  }
0x98: {  	s20 =	sld [smem:$0x3FDB];
	_ =	sdelay $0x1  }
0x99: {  	s4 =	simm.s32 $_scs_section_size  }
0x9a: {  	s5 =	simm.s32 $_size__tile_overlayer_lowered;
	s6 =	simm.s32 $_tile_overlayer_lowered  }
0x9b: {  	s7 =	simm.s32 $0x1BFF;
	s21 =	sshll.u32 s6, $0x1;
	s4 =	sadd.s32 s4, s20  }
0x9c: {  	s22 =	simm.s32 $0x0;
	s5 =	sshll.u32 s5, $0x1;
	s6 =	sadd.s32 s21, s4  }
0x9d: {  	[timem:s22], [sflag:s7] =	dma.local [hbm:s6], s5  }
0x9e: {  	_ =	swait.ge [sflag:s7], s5  }
0x9f: {  	s5 =	ssub.s32 $0x0, s5;
	[sflag:s7] =	ssyncset.done $0x0  }
0xa0: {  	[sflag:s7] =	ssyncadd.s32 s5;
	_ =	sdelay $0x1  }
0xa1: {  	s23 =	simm.s32 $0x1B8B  }
0xa2: {  	_ =	swait.ge [sflag:s23], $0x1  }
0xa3: {  	[sflag:s23] =	ssyncset.done $0x0  }
0xa4: {  	[sflag:s23] =	ssyncadd.s32 $0xFFFFFFFF  }
0xa5: {  	s5 =	sld [smem:$0x0]  }
0xa6: {  	s6 =	sand.u32 $0xFFFFFFFE, s1  }
0xa7: {  	p0 =	sne.s32 s1, s6  }
0xa8: {  	s6 =	sshll.u32 @p0 s6, $0xE  }
0xa9: {  	s6 =	sadd.s32 @p0 $0x11B8D, s6;
	s7 =	sshll.u32 @p0 s5, $0x11  }
0xaa: {  	s6 =	sor.u32 @p0 s7, s6  }
0xab: {  	[sflag:s6] =	ssyncadd.remote.s32 @p0 $0x1;
	_ =	sdelay $0x1  }
0xac: {  	s6 =	simm.s32 @p0 $0x1B8D  }
0xad: {  	_ =	swait.eq @p0 [sflag:s6], $0x1  }
0xae: {  	[sflag:s6] =	ssyncadd.s32 @p0 $0xFFFFFFFF  }
0xaf: {  	s7 =	sshll.u32 @!p0 s1, $0xE  }
0xb0: {  	s7 =	sor.u32 @!p0 $0x4000, s7;
	s6 =	simm.s32 @!p0 $0x1B8D  }
0xb1: {  	s5 =	sshll.u32 @!p0 s5, $0x11;
	s7 =	sadd.s32 @!p0 $0x11B8D, s7;
	_ =	swait.eq @!p0 [sflag:s6], $0x1  }
0xb2: {  	s5 =	sor.u32 @!p0 s5, s7;
	[sflag:s6] =	ssyncadd.s32 @!p0 $0xFFFFFFFF  }
0xb3: {  	s25 =	simm.s32 $0x1B8E;
	s24 =	sld [smem:$0x3FFE];
	[sflag:s5] =	ssyncadd.remote.s32 @!p0 $0x1  }
0xb4: {  	s26 =	simm.s32 $execute0_lowered;
	[smem:$0x3FD2] =	sst s25  }
0xb5: {  	s6 =	sshll.u32 s26, $0x1;
	_ =	strace $0x80000049;
	[dreg:$0x1] =	wrdreg $0xFFFFFFFF  }
0xb6: {  	s28 =	simm.s32 $_size_execute0_lowered;
	s4 =	sadd.s32 s4, s6;
	[dreg:$0x0] =	wrdreg $0x0  }
0xb7: {  	s6 =	sshll.u32 s28, $0x1;
	[dreg:$0x2] =	wrdreg s4  }
0xb8: {  	[dreg:$0x3] =	wrdreg s6  }
0xb9: {  	[dreg:$0x4] =	wrdreg $0xC0  }
0xba: {  	_ =	task [dreg:s22], $0x5FFFF  }
0xbb: {  	[dreg:$0x1] =	wrdreg $0xFFFFFFFF  }
0xbc: {  	[dreg:$0x0] =	wrdreg $0x60  }
0xbd: {  	[dreg:$0x2] =	wrdreg s24  }
0xbe: {  	[dreg:$0x3] =	wrdreg s18  }
0xbf: {  	[dreg:$0x4] =	wrdreg $0x52000  }
0xc0: {  	[dreg:$0x5] =	wrdreg $0x9  }
0xc1: {  	_ =	task.clear_ibuf [dreg:s22], $0x6FFFF;
	_ =	strace $0x90000049  }
0xc2: {  	s29 =	simm.s32 $0x9;
	_ =	strace $0x8000004B  }
0xc3: {  	_ =	swait.ge [sflag:s29], $0x1  }
0xc4: {  	[sflag:s29] =	ssyncadd.s32 $0xFFFFFFFF  }
0xc5: {  	_ =	strace $0x9000004B  }
0xc6: {  	_ =	sfence  }
0xc7: {  	s30 =	sld [smem:$0x0];
	_ =	sdelay $0x2  }
0xc8: {  	s31 =	sshll.u32 s1, $0xD;
	s1 =	sshrl.u32 s1, $0x2  }
0xc9: {  	s4 =	sand.u32 $0x4000, s31;
	s1 =	sadd.s32 s1, s30  }
0xca: {  	s0 =	sor.u32 s4, s0;
	s1 =	sshll.u32 s1, $0x11  }
0xcb: {  	s0 =	sor.u32 s1, s0  }
0xcc: {  	s0 =	sadd.s32 $0x8F2B, s0  }
0xcd: {  	[sflag:s0] =	ssyncadd.remote.s32 $0x1  }
0xce: {  	_ =	sfence.sel $0xFFFF  }
0xcf: {  	[dreg:$0x0] =	wrdreg $0xFFFFFFFF;
	(pc) =	sbr.abs _section_cstart, $3  }
0xd0: {  	[dreg:$0x1] =	wrdreg $0xFFFFFFFF  }
0xd1: {  	_ =	task.clear_ibuf [dreg:s22], $0x2FFFF;
	_ =	strace $0x9FFFFFFF  }
0xd2: {  	(tm) =	ssettm $0x7FFFFFFF  }
0xd3: {  	_ =	shalt  }
tec
execute0_lowered:
.L_overlay_start_1:
0x0: {  	(tag) =	ssettag $0x1  }
0x1: {  	s6 =	rddreg [dreg:$0x0]  }
0x2: {  	s1 =	rddreg [dreg:$0x1]  }
0x3: {  	s2 =	rddreg [dreg:$0x2]  }
0x4: {  	s0 =	rddreg [dreg:$0x3]  }
0x5: {  	s3 =	simm.s32 $0x0;
	s5 =	srdreg.scid;
	s4 =	stileid.u32  }
0x6: {  	s17 =	simm.s32 $0x80;
	s18 =	simm.s32 $0x50;
	s19 =	simm.s32 $0x100  }
0x7: {  	s20 =	simm.s32 $0x2900;
	s21 =	simm.s32 $0x2980;
	s22 =	simm.s32 $0x2A00  }
0x8: {  	[smem:$0x7FF] =	sst s3;
	s14 =	sadd.s32 $0xD600, s6;
	s8 =	smul.u32 $0x2780, s4  }
0x9: {  	s13 =	sadd.s32 $0x3800, s6;
	s7 =	sand.u32 $0x1, s5;
	s12 =	smul.u32 $0x4F000, s4  }
0xa: {  	s5 =	sadd.s32 $0x21200, s6;
	s10 =	sshll.u32 s4, $0x1;
	s24 =	smul.u32 $0x4E20, s4  }
0xb: {  	s29 =	sshll.u32 s4, $0x6;
	_ =	strace $0x8000004A;
	s9 =	smul.u32 $0x27800, s7  }
0xc: {  	s11 =	ssub.s32 $0x2, s7;
	s10 =	sor.u32 s7, s10;
	s28 =	smul.u32 $0x2710, s7  }
0xd: {  	s23 =	sshrl.u32 s11, $0x1;
	s10 =	smul.u32 $0x2710, s10;
	s25 =	sshrl.u32 s12, $0x2  }
0xe: {  	s8 =	sadd.s32 s8, s9;
	s11 =	ssub.s32 s11, s23;
	s16 =	sadd.s32 s25, s2  }
0xf: {  	s30 =	sadd.s32 s28, s24;
	s23 =	simm.s32 $0x1;
	s24 =	simm.s32 $0x2  }
0x10: {  	s25 =	simm.s32 $0x0;
	s15 =	sadd.s32 s8, s6;
	s26 =	sshrl.u32 s10, $0x3  }
0x11: {  	s6 =	sor.u32 $0x1C03, s29;
	s31 =	sadd.s32 $0x50, s30;
	s9 =	sadd.s32 $0x4D8, s26  }
0x12: {  	s10 =	smax.u32 s11, $0x1;
	s12 =	sshrl.u32 s30, $0x3;
	s7 =	sadd.s32 s14, s9  }
0x13: {  	s8 =	sadd.s32 s13, s9;
	s9 =	sadd.s32 $0x23A00, s15;
	s15 =	sshrl.u32 s31, $0x3  }
0x14: {  	s11 =	sadd.s32 s12, s13;
	s12 =	sadd.s32 s12, s14;
	s13 =	sadd.s32 s15, s13  }
0x15: {  	s14 =	sadd.s32 s15, s14;
	s15 =	sshrl.u32 s16, $0x3;
	s16 =	simm.s32 $0x3  }
.LBB2_1:
0x16: {  	[spmem:s15], [sflag:s6] =	dma.local [hbm:s5], $0x2780  }
0x17: {  	_ =	swait.ge [sflag:s16], $0x2780  }
0x18: {  	[sflag:s16] =	ssyncset.done $0x0  }
0x19: {  	[sflag:s16] =	ssyncadd.s32 $0xFFFFD880  }
0x1a: {  	s26 =	sadd.s32 $0x0, s12;
	[bflag:$0x0] =	sbarrier.arrive $0xFFFF  }
0x1b: {  	[tilespmem:s3], [sflag:$0x3] =	stream.linear.gather [hbm4b:s26+s3], $0x50, $0x38;
	[tilespmem:$0x18E00] =	vst v63  }
0x1c: {  	_ =	swait.ge [sflag:s16], $0x50  }
0x1d: {  	[sflag:s16] =	ssyncset.done $0x0  }
0x1e: {  	s28 =	sadd.s32 $0x0, s11;
	[sflag:s16] =	ssyncadd.s32 $0xFFFFFFB0  }
0x1f: {  	[tilespmem:s17], [sflag:$0x3] =	stream.linear.gather [hbm4b:s28+s3], $0x50, $0x38;
	[tilespmem:$0x18E00] =	vst v63  }
0x20: {  	_ =	swait.ge [sflag:s16], $0x50  }
0x21: {  	[sflag:s16] =	ssyncset.done $0x0  }
0x22: {  	[sflag:s16] =	ssyncadd.s32 $0xFFFFFFB0  }
0x23: {  	[tilespmem:s19], [sflag:$0x1] =	stream.indirect.gather [hbm4b:s1+s18], $0x80, s3, s18, $0xb8;
	[tilespmem:$0x18E00] =	vst v63  }
0x24: {  	s30 =	sadd.s32 $0x0, s14  }
0x25: {  	[tilespmem:s20], [sflag:$0x3] =	stream.linear.gather [hbm4b:s30+s3], $0x50, $0x38;
	[tilespmem:$0x18E00] =	vst v63  }
0x26: {  	_ =	swait.ge [sflag:s16], $0x50  }
0x27: {  	[sflag:s16] =	ssyncset.done $0x0  }
0x28: {  	s31 =	sadd.s32 $0x0, s13;
	[sflag:s16] =	ssyncadd.s32 $0xFFFFFFB0  }
0x29: {  	[tilespmem:s21], [sflag:$0x3] =	stream.linear.gather [hbm4b:s31+s3], $0x50, $0x38;
	[tilespmem:$0x18E00] =	vst v63  }
0x2a: {  	_ =	swait.ge [sflag:s16], $0x50  }
0x2b: {  	[sflag:s16] =	ssyncset.done $0x0  }
0x2c: {  	[sflag:s16] =	ssyncadd.s32 $0xFFFFFFB0  }
0x2d: {  	[tilespmem:s22], [sflag:$0x2] =	stream.indirect.gather [hbm4b:s1+s18], $0x80, s20, s18, $0xb8;
	[tilespmem:$0x18E00] =	vst v63  }
0x2e: {  	_ =	swait.ge [sflag:s23], $0x2800  }
0x2f: {  	[sflag:s23] =	ssyncset.done $0x0  }
0x30: {  	[sflag:s23] =	ssyncadd.s32 $0xFFFFD800  }
0x31: {  	[spmem:s2] =	stream.indirect.scatter.add.f32 [tilespmem:s19], [sflag:$0x3], $0x80, s17, s18, $0xb8;
	[tilespmem:$0x18E00] =	vst v63  }
0x32: {  	_ =	swait.ge [sflag:s16], $0x2800  }
0x33: {  	[sflag:s16] =	ssyncset.done $0x0  }
0x34: {  	[sflag:s16] =	ssyncadd.s32 $0xFFFFD800  }
0x35: {  	_ =	swait.ge [sflag:s24], $0x2800  }
0x36: {  	[sflag:s24] =	ssyncset.done $0x0  }
0x37: {  	[sflag:s24] =	ssyncadd.s32 $0xFFFFD800  }
0x38: {  	[spmem:s2] =	stream.indirect.scatter.add.f32 [tilespmem:s22], [sflag:$0x3], $0x80, s21, s18, $0xb8;
	[tilespmem:$0x18E00] =	vst v63  }
0x39: {  	_ =	swait.ge [sflag:s16], $0x2800  }
0x3a: {  	s29 =	simm.s32 $0x28;
	s26 =	simm.s32 $0x14;
	[sflag:s16] =	ssyncset.done $0x0  }
.LBB2_2:
0x3b: {  	s30 =	sadd.s32 s26, s12  }
0x3c: {  	[sflag:s16] =	ssyncadd.s32 $0xFFFFD800;
	s31 =	smov.u32 s29;
	s28 =	sadd.s32 $0x14, s29  }
0x3d: {  	[tilespmem:s3], [sflag:$0x3] =	stream.linear.gather [hbm4b:s30+s3], $0x50, $0x38;
	[tilespmem:$0x18E00] =	vst v63  }
0x3e: {  	p0 =	sne.s32 s29, $0x4C4;
	_ =	swait.ge [sflag:s16], $0x50  }
0x3f: {  	[sflag:s16] =	ssyncset.done $0x0  }
0x40: {  	s29 =	sadd.s32 s26, s11;
	[sflag:s16] =	ssyncadd.s32 $0xFFFFFFB0  }
0x41: {  	[tilespmem:s17], [sflag:$0x3] =	stream.linear.gather [hbm4b:s29+s3], $0x50, $0x38;
	[tilespmem:$0x18E00] =	vst v63  }
0x42: {  	_ =	swait.ge [sflag:s16], $0x50  }
0x43: {  	[sflag:s16] =	ssyncset.done $0x0  }
0x44: {  	[sflag:s16] =	ssyncadd.s32 $0xFFFFFFB0  }
0x45: {  	[tilespmem:s19], [sflag:$0x1] =	stream.indirect.gather [hbm4b:s1+s18], $0x80, s3, s18, $0xb8;
	[tilespmem:$0x18E00] =	vst v63  }
0x46: {  	s29 =	sadd.s32 s26, s14  }
0x47: {  	[tilespmem:s20], [sflag:$0x3] =	stream.linear.gather [hbm4b:s29+s3], $0x50, $0x38;
	[tilespmem:$0x18E00] =	vst v63  }
0x48: {  	_ =	swait.ge [sflag:s16], $0x50  }
0x49: {  	[sflag:s16] =	ssyncset.done $0x0  }
0x4a: {  	s29 =	sadd.s32 s26, s13;
	s26 =	smov.u32 s31;
	[sflag:s16] =	ssyncadd.s32 $0xFFFFFFB0  }
0x4b: {  	[tilespmem:s21], [sflag:$0x3] =	stream.linear.gather [hbm4b:s29+s3], $0x50, $0x38;
	[tilespmem:$0x18E00] =	vst v63  }
0x4c: {  	_ =	swait.ge [sflag:s16], $0x50  }
0x4d: {  	[sflag:s16] =	ssyncset.done $0x0  }
0x4e: {  	[sflag:s16] =	ssyncadd.s32 $0xFFFFFFB0  }
0x4f: {  	[tilespmem:s22], [sflag:$0x2] =	stream.indirect.gather [hbm4b:s1+s18], $0x80, s20, s18, $0xb8;
	[tilespmem:$0x18E00] =	vst v63  }
0x50: {  	_ =	swait.ge [sflag:s23], $0x2800  }
0x51: {  	[sflag:s23] =	ssyncset.done $0x0  }
0x52: {  	[sflag:s23] =	ssyncadd.s32 $0xFFFFD800  }
0x53: {  	[spmem:s2] =	stream.indirect.scatter.add.f32 [tilespmem:s19], [sflag:$0x3], $0x80, s17, s18, $0xb8;
	[tilespmem:$0x18E00] =	vst v63  }
0x54: {  	_ =	swait.ge [sflag:s16], $0x2800  }
0x55: {  	[sflag:s16] =	ssyncset.done $0x0  }
0x56: {  	[sflag:s16] =	ssyncadd.s32 $0xFFFFD800  }
0x57: {  	_ =	swait.ge [sflag:s24], $0x2800  }
.Ltmp0:
0x58: {  	[sflag:s24] =	ssyncset.done $0x0;
	(pc) =	sbr.rel @p0 .LBB2_2-.Ltmp0, $4  }
0x59: {  	[sflag:s24] =	ssyncadd.s32 $0xFFFFD800  }
0x5a: {  	[spmem:s2] =	stream.indirect.scatter.add.f32 [tilespmem:s22], [sflag:$0x3], $0x80, s21, s18, $0xb8;
	[tilespmem:$0x18E00] =	vst v63  }
0x5b: {  	_ =	swait.ge [sflag:s16], $0x2800  }
0x5c: {  	s29 =	smov.u32 s28;
	[sflag:s16] =	ssyncset.done $0x0  }
0x5d: {  	s28 =	sadd.s32 s26, s12;
	[sflag:s16] =	ssyncadd.s32 $0xFFFFD800  }
0x5e: {  	[tilespmem:s3], [sflag:$0x3] =	stream.linear.gather [hbm4b:s28+s3], $0x50, $0x38;
	[tilespmem:$0x18E00] =	vst v63  }
0x5f: {  	_ =	swait.ge [sflag:s16], $0x50  }
0x60: {  	[sflag:s16] =	ssyncset.done $0x0  }
0x61: {  	s29 =	sadd.s32 s26, s11;
	[sflag:s16] =	ssyncadd.s32 $0xFFFFFFB0  }
0x62: {  	[tilespmem:s17], [sflag:$0x3] =	stream.linear.gather [hbm4b:s29+s3], $0x50, $0x38;
	[tilespmem:$0x18E00] =	vst v63  }
0x63: {  	_ =	swait.ge [sflag:s16], $0x50  }
0x64: {  	[sflag:s16] =	ssyncset.done $0x0  }
0x65: {  	[sflag:s16] =	ssyncadd.s32 $0xFFFFFFB0  }
0x66: {  	[tilespmem:s19], [sflag:$0x1] =	stream.indirect.gather [hbm4b:s1+s18], $0x80, s3, s18, $0xb8;
	[tilespmem:$0x18E00] =	vst v63  }
0x67: {  	s30 =	sadd.s32 s26, s14  }
0x68: {  	[tilespmem:s20], [sflag:$0x3] =	stream.linear.gather [hbm4b:s30+s3], $0x50, $0x38;
	[tilespmem:$0x18E00] =	vst v63  }
0x69: {  	_ =	swait.ge [sflag:s16], $0x50  }
0x6a: {  	[sflag:s16] =	ssyncset.done $0x0  }
0x6b: {  	s31 =	sadd.s32 s26, s13;
	[sflag:s16] =	ssyncadd.s32 $0xFFFFFFB0  }
0x6c: {  	[tilespmem:s21], [sflag:$0x3] =	stream.linear.gather [hbm4b:s31+s3], $0x50, $0x38;
	[tilespmem:$0x18E00] =	vst v63  }
0x6d: {  	_ =	swait.ge [sflag:s16], $0x50  }
0x6e: {  	[sflag:s16] =	ssyncset.done $0x0  }
0x6f: {  	[sflag:s16] =	ssyncadd.s32 $0xFFFFFFB0  }
0x70: {  	[tilespmem:s22], [sflag:$0x2] =	stream.indirect.gather [hbm4b:s1+s18], $0x80, s20, s18, $0xb8;
	[tilespmem:$0x18E00] =	vst v63  }
0x71: {  	_ =	swait.ge [sflag:s23], $0x2800  }
0x72: {  	[sflag:s23] =	ssyncset.done $0x0  }
0x73: {  	[sflag:s23] =	ssyncadd.s32 $0xFFFFD800  }
0x74: {  	[spmem:s2] =	stream.indirect.scatter.add.f32 [tilespmem:s19], [sflag:$0x3], $0x80, s17, s18, $0xb8;
	[tilespmem:$0x18E00] =	vst v63  }
0x75: {  	_ =	swait.ge [sflag:s16], $0x2800  }
0x76: {  	[sflag:s16] =	ssyncset.done $0x0  }
0x77: {  	[sflag:s16] =	ssyncadd.s32 $0xFFFFD800  }
0x78: {  	_ =	swait.ge [sflag:s24], $0x2800  }
0x79: {  	[sflag:s24] =	ssyncset.done $0x0  }
0x7a: {  	[sflag:s24] =	ssyncadd.s32 $0xFFFFD800  }
0x7b: {  	[spmem:s2] =	stream.indirect.scatter.add.f32 [tilespmem:s22], [sflag:$0x3], $0x80, s21, s18, $0xb8;
	[tilespmem:$0x18E00] =	vst v63  }
0x7c: {  	_ =	swait.ge [sflag:s16], $0x2800  }
0x7d: {  	[sflag:s16] =	ssyncset.done $0x0  }
0x7e: {  	[sflag:s16] =	ssyncadd.s32 $0xFFFFD800  }
0x7f: {  	[tilespmem:s3], [sflag:$0x3] =	stream.linear.gather [hbm4b:s7+s3], $0x50, $0x38;
	[tilespmem:$0x18E00] =	vst v63  }
0x80: {  	_ =	swait.ge [sflag:s16], $0x50  }
0x81: {  	[sflag:s16] =	ssyncset.done $0x0  }
0x82: {  	[sflag:s16] =	ssyncadd.s32 $0xFFFFFFB0  }
0x83: {  	[tilespmem:s17], [sflag:$0x3] =	stream.linear.gather [hbm4b:s8+s3], $0x50, $0x38;
	[tilespmem:$0x18E00] =	vst v63  }
0x84: {  	_ =	swait.ge [sflag:s16], $0x50  }
0x85: {  	[sflag:s16] =	ssyncset.done $0x0  }
0x86: {  	[sflag:s16] =	ssyncadd.s32 $0xFFFFFFB0  }
0x87: {  	[tilespmem:s19], [sflag:$0x1] =	stream.indirect.gather [hbm4b:s1+s18], $0x80, s3, s18, $0xb8;
	[tilespmem:$0x18E00] =	vst v63  }
0x88: {  	_ =	swait.ge [sflag:s23], $0x2800  }
0x89: {  	[sflag:s23] =	ssyncset.done $0x0  }
0x8a: {  	[sflag:s23] =	ssyncadd.s32 $0xFFFFD800  }
0x8b: {  	[spmem:s2] =	stream.indirect.scatter.add.f32 [tilespmem:s19], [sflag:$0x3], $0x80, s17, s18, $0xb8;
	[tilespmem:$0x18E00] =	vst v63  }
0x8c: {  	_ =	swait.ge [sflag:s16], $0x2800  }
0x8d: {  	s25 =	sadd.s32 $0x1, s25;
	[sflag:s16] =	ssyncset.done $0x0  }
0x8e: {  	p0 =	sne.s32 s25, s10;
	[sflag:s16] =	ssyncadd.s32 $0xFFFFD800  }
.Ltmp1:
0x8f: {  	[bflag:$0x0] =	sbarrier.arrive $0xFFFF;
	(pc) =	sbr.rel @p0 .LBB2_1-.Ltmp1, $4  }
0x90: {  	[hbm:s9], [sflag:s6] =	dma.local [spmem:s15], $0x2780  }
0x91: {  	_ =	swait.ge [sflag:s16], $0x2780  }
0x92: {  	[sflag:s16] =	ssyncset.done $0x0  }
0x93: {  	[sflag:s16] =	ssyncadd.s32 $0xFFFFD880  }
0x94: {  	_ =	sfence.sel $0x180000  }
0x95: {  	[bflag:$0x0] =	sbarrier.arrive $0xFFFF  }
0x96: {  	p0 =	sne.s32 s4, $0x0;
	_ =	strace $0x9000004A  }
0x97: {  	s0 =	sadd.s32 @!p0 $0x100000, s0;
	[bflag:$0x2] =	sbarrier.arrive $0xFFFF  }
0x98: {  	[sflag:s0] =	ssyncadd.tile.s32 @!p0 $0x1;
	_ =	shalt  }
.Lfunc_end2:
_tile_overlayer_lowered:
.L_overlay_start_2:
0x99: {  	(tag) =	ssettag $0x2  }
0x9a: {  	s0 =	rddreg [dreg:$0x0];
	s2 =	stileid.u32  }
0x9b: {  	s1 =	rddreg [dreg:$0x1];
	p0 =	sne.s32 s2, $0x0  }
0x9c: {  	s3 =	rddreg [dreg:$0x2];
	[bflag:$0x3] =	sbarrier.arrive $0xFFFF;
	s2 =	simm.s32 @!p0 $0x1C03  }
0x9d: {  	[timem:s3], [sflag:s2] =	dma.local @!p0 [hbm:s0], s1  }
0x9e: {  	s0 =	simm.s32 @!p0 $0x3  }
0x9f: {  	_ =	swait.ge @!p0 [sflag:s0], s1  }
0xa0: {  	s1 =	ssub.s32 @!p0 $0x0, s1;
	[sflag:s0] =	ssyncset.done @!p0 $0x0  }
0xa1: {  	[sflag:s0] =	ssyncadd.s32 @!p0 s1  }
0xa2: {  	[bflag:$0x3] =	sbarrier.arrive $0xFFFF  }
0xa3: {  	_ =	shalt  }

</sc_bundles>
